<compile_context>
chip_gen: v7x
topology: tpu7x:2x2x1
jax: 0.10.2.dev20260603
libtpu: 0.0.44.dev20260713+nightly
codegen_flags: <defaults>
</compile_context>

<pallas_src>
import functools

import jax
import jax.numpy as jnp
from jax import lax
from jax.experimental import pallas as pl
from jax.experimental.pallas import tpu as pltpu
from jax.experimental.pallas import tpu_sc as plsc

BATCH = 4
SEQ = 2048
DM = 1024
ROWS = BATCH * SEQ
X_ELEMS = ROWS * DM
EMB_ELEMS = SEQ * DM

BS = 2048


def _tc_body(x_ref, emb_ref, o_ref):
    off = (pl.program_id(0) * BS) % SEQ
    o_ref[:, :] = x_ref[:, :] + emb_ref[pl.ds(off, BS), :]


def _tc_kernel(x, emb_table):
    xf = x.reshape(ROWS, DM)
    out = pl.pallas_call(
        _tc_body,
        grid=(ROWS // BS,),
        in_specs=[
            pl.BlockSpec((BS, DM), lambda i: (i, 0)),
            pl.BlockSpec((SEQ, DM), lambda i: (0, 0)),
        ],
        out_specs=pl.BlockSpec((BS, DM), lambda i: (i, 0)),
        out_shape=jax.ShapeDtypeStruct((ROWS, DM), x.dtype),
    )(xf, emb_table)
    return out.reshape(BATCH, SEQ, DM)


_NC = 2
_NS = 16
_NW = _NC * _NS
_W_ELEMS = X_ELEMS // _NW
_CHUNK = 16 * DM
_NCHUNK = _W_ELEMS // _CHUNK
_NBUF = 3


def _sc_body(x_hbm, emb_hbm, out_hbm, xv0, xv1, xv2, ev0, ev1, ev2,
             xsem, esem, osem):
    xv = [xv0, xv1, xv2]
    ev = [ev0, ev1, ev2]
    wid = lax.axis_index("s") * _NC + lax.axis_index("c")
    base = wid * _W_ELEMS
    emb_base = lax.rem(base, EMB_ELEMS)

    def start_in(k):
        b = k % _NBUF
        off = base + k * _CHUNK
        eoff = emb_base + k * _CHUNK
        xd = pltpu.async_copy(x_hbm.at[pl.ds(off, _CHUNK)], xv[b], xsem.at[b])
        ed = pltpu.async_copy(emb_hbm.at[pl.ds(eoff, _CHUNK)], ev[b], esem.at[b])
        return xd, ed

    in_descs = [None] * _NBUF
    out_descs = [None] * _NBUF
    for k in range(_NBUF - 1):
        in_descs[k % _NBUF] = start_in(k)
    for k in range(_NCHUNK):
        b = k % _NBUF
        kn = k + _NBUF - 1
        if kn < _NCHUNK:
            bn = kn % _NBUF
            if out_descs[bn] is not None:
                out_descs[bn].wait()
                out_descs[bn] = None
            in_descs[bn] = start_in(kn)
        xd, ed = in_descs[b]
        xd.wait()
        ed.wait()
        in_descs[b] = None

        @plsc.parallel_loop(0, _CHUNK, step=16, unroll=16)
        def _add(i):
            s = pl.ds(i, 16)
            xv[b][s] = xv[b][s] + ev[b][s]

        off = base + k * _CHUNK
        if out_descs[b] is not None:
            out_descs[b].wait()
        out_descs[b] = pltpu.async_copy(
            xv[b], out_hbm.at[pl.ds(off, _CHUNK)], osem.at[b])
    for d in out_descs:
        if d is not None:
            d.wait()


@functools.partial(jax.jit, static_argnums=())
def _sc_kernel(x, emb_table):
    mesh = plsc.VectorSubcoreMesh(core_axis_name="c", subcore_axis_name="s")
    run = pl.kernel(
        _sc_body,
        out_type=jax.ShapeDtypeStruct((X_ELEMS,), jnp.float32),
        mesh=mesh,
        scratch_types=[
            pltpu.VMEM((_CHUNK,), jnp.float32),
            pltpu.VMEM((_CHUNK,), jnp.float32),
            pltpu.VMEM((_CHUNK,), jnp.float32),
            pltpu.VMEM((_CHUNK,), jnp.float32),
            pltpu.VMEM((_CHUNK,), jnp.float32),
            pltpu.VMEM((_CHUNK,), jnp.float32),
            pltpu.SemaphoreType.DMA((_NBUF,)),
            pltpu.SemaphoreType.DMA((_NBUF,)),
            pltpu.SemaphoreType.DMA((_NBUF,)),
        ],
    )
    out = run(x.reshape(X_ELEMS), emb_table.reshape(EMB_ELEMS))
    return out.reshape(BATCH, SEQ, DM)


def kernel(x, emb_table):
    return _sc_kernel(x, emb_table)

# --- scband reference (transcript-rebuilt; emitter-appended) ---
"""Pipeline reference for scband-positional-encoding-66649302499956 (READ-ONLY COPY).

The authoritative reference and input builder live on the scoring server;
editing this copy changes nothing except your own understanding.
"""

import jax, jax.numpy as jnp
import numpy as np

D_MODEL = 1024
NUM_POSITIONS = 2048
BATCH = 4
SEQ_LEN = 2048

def setup_inputs(seed: int = 0) -> dict:
    key = jax.random.key(seed)
    k1, k2 = jax.random.split(key)
    x = jax.random.normal(k1, (BATCH, SEQ_LEN, D_MODEL), dtype=jnp.float32)
    # nn.Embedding default init: N(0, 1)
    emb_table = jax.random.normal(k2, (NUM_POSITIONS, D_MODEL), dtype=jnp.float32)
    return {"x": x, "emb_table": emb_table}

def reference(x, emb_table):
    # batched=True, x.dim()==3 -> seq_len = x.shape[-2]
    seq_len = min(x.shape[-2], emb_table.shape[0])
    indices = jnp.arange(seq_len)
    pos_emb = jnp.take(emb_table, indices, axis=0)  # [seq_len, d_model]
    # batched=True -> unsqueeze(0)
    return x + pos_emb[None, :, :]

if __name__ == "__main__":
    import jax
    _d = setup_inputs()
    print(jax.jit(kernel)(*tuple(_d.values())))

</pallas_src>

<mosaic_0001>
#map = affine_map<(d0, d1) -> (0)>
module attributes {stable_mosaic.version = 14 : i64} {
  func.func @_sc_body(%arg0: i32, %arg1: i32, %arg2: memref<8388608xf32, #tpu.memory_space<hbm>>, %arg3: memref<2097152xf32, #tpu.memory_space<hbm>>, %arg4: memref<8388608xf32, #tpu.memory_space<hbm>>, %arg5: memref<16384xf32, #tpu.memory_space<vmem>>, %arg6: memref<16384xf32, #tpu.memory_space<vmem>>, %arg7: memref<16384xf32, #tpu.memory_space<vmem>>, %arg8: memref<16384xf32, #tpu.memory_space<vmem>>, %arg9: memref<16384xf32, #tpu.memory_space<vmem>>, %arg10: memref<16384xf32, #tpu.memory_space<vmem>>, %arg11: memref<3x!tpu.dma_semaphore, #tpu.memory_space<semaphore_mem>>, %arg12: memref<3x!tpu.dma_semaphore, #tpu.memory_space<semaphore_mem>>, %arg13: memref<3x!tpu.dma_semaphore, #tpu.memory_space<semaphore_mem>>) attributes {dimension_semantics = [#tpu.dimension_semantics<core_parallel>, #tpu.dimension_semantics<subcore_parallel>], iteration_bounds = array<i64: 2, 16>, scalar_prefetch = 0 : i64, scratch_operands = 9 : i64, tpu.core_type = #tpu.core_type<sc_vector_subcore>, window_params = [{transform_indices = #map}, {transform_indices = #map}, {transform_indices = #map}]} {
    %mul3A = arith.constant 2 : i32
    %mul3A_0 = arith.muli %arg1, %mul3A : i32
    %add3A = arith.addi %mul3A_0, %arg0 : i32
    %mul3A_1 = arith.constant 262144 : i32
    %mul3A_2 = arith.muli %add3A, %mul3A_1 : i32
    %rem3A = arith.constant 2097152 : i32
    %rem3A_3 = arith.remsi %mul3A_2, %rem3A : i32
    %add3A_4 = arith.constant 0 : i32
    %add3A_5 = arith.addi %mul3A_2, %add3A_4 : i32
    %add3A_6 = arith.constant 0 : i32
    %add3A_7 = arith.addi %rem3A_3, %add3A_6 : i32
    %dma_start3A = arith.constant 0 : i32
    %dma_start3A_8 = tpu.memref_slice %arg2[%add3A_5] : memref<8388608xf32, #tpu.memory_space<hbm>> -> memref<16384xf32, #tpu.memory_space<hbm>>
    %dma_start3A_9 = tpu.memref_slice %arg11[%dma_start3A] : memref<3x!tpu.dma_semaphore, #tpu.memory_space<semaphore_mem>> -> memref<1x!tpu.dma_semaphore, #tpu.memory_space<semaphore_mem>>
    %dma_start3A_10 = tpu.memref_squeeze %dma_start3A_9 : memref<1x!tpu.dma_semaphore, #tpu.memory_space<semaphore_mem>> -> memref<!tpu.dma_semaphore, #tpu.memory_space<semaphore_mem>>
    %dma_start3A_11 = tpu.memref_slice %arg2[%add3A_5] : memref<8388608xf32, #tpu.memory_space<hbm>> -> memref<16384xf32, #tpu.memory_space<hbm>>
    tpu.enqueue_dma source(%dma_start3A_11 : memref<16384xf32, #tpu.memory_space<hbm>>) target(%arg5 : memref<16384xf32, #tpu.memory_space<vmem>>) target_semaphore(%dma_start3A_10 : memref<!tpu.dma_semaphore, #tpu.memory_space<semaphore_mem>>)
    %dma_start3A_12 = arith.constant 0 : i32
    %dma_start3A_13 = tpu.memref_slice %arg3[%add3A_7] : memref<2097152xf32, #tpu.memory_space<hbm>> -> memref<16384xf32, #tpu.memory_space<hbm>>
    %dma_start3A_14 = tpu.memref_slice %arg12[%dma_start3A_12] : memref<3x!tpu.dma_semaphore, #tpu.memory_space<semaphore_mem>> -> memref<1x!tpu.dma_semaphore, #tpu.memory_space<semaphore_mem>>
    %dma_start3A_15 = tpu.memref_squeeze %dma_start3A_14 : memref<1x!tpu.dma_semaphore, #tpu.memory_space<semaphore_mem>> -> memref<!tpu.dma_semaphore, #tpu.memory_space<semaphore_mem>>
    %dma_start3A_16 = tpu.memref_slice %arg3[%add3A_7] : memref<2097152xf32, #tpu.memory_space<hbm>> -> memref<16384xf32, #tpu.memory_space<hbm>>
    tpu.enqueue_dma source(%dma_start3A_16 : memref<16384xf32, #tpu.memory_space<hbm>>) target(%arg8 : memref<16384xf32, #tpu.memory_space<vmem>>) target_semaphore(%dma_start3A_15 : memref<!tpu.dma_semaphore, #tpu.memory_space<semaphore_mem>>)
    %add3A_17 = arith.constant 16384 : i32
    %add3A_18 = arith.addi %mul3A_2, %add3A_17 : i32
    %add3A_19 = arith.constant 16384 : i32
    %add3A_20 = arith.addi %rem3A_3, %add3A_19 : i32
    %dma_start3A_21 = arith.constant 1 : i32
    %dma_start3A_22 = tpu.memref_slice %arg2[%add3A_18] : memref<8388608xf32, #tpu.memory_space<hbm>> -> memref<16384xf32, #tpu.memory_space<hbm>>
    %dma_start3A_23 = tpu.memref_slice %arg11[%dma_start3A_21] : memref<3x!tpu.dma_semaphore, #tpu.memory_space<semaphore_mem>> -> memref<1x!tpu.dma_semaphore, #tpu.memory_space<semaphore_mem>>
    %dma_start3A_24 = tpu.memref_squeeze %dma_start3A_23 : memref<1x!tpu.dma_semaphore, #tpu.memory_space<semaphore_mem>> -> memref<!tpu.dma_semaphore, #tpu.memory_space<semaphore_mem>>
    %dma_start3A_25 = tpu.memref_slice %arg2[%add3A_18] : memref<8388608xf32, #tpu.memory_space<hbm>> -> memref<16384xf32, #tpu.memory_space<hbm>>
    tpu.enqueue_dma source(%dma_start3A_25 : memref<16384xf32, #tpu.memory_space<hbm>>) target(%arg6 : memref<16384xf32, #tpu.memory_space<vmem>>) target_semaphore(%dma_start3A_24 : memref<!tpu.dma_semaphore, #tpu.memory_space<semaphore_mem>>)
    %dma_start3A_26 = arith.constant 1 : i32
    %dma_start3A_27 = tpu.memref_slice %arg3[%add3A_20] : memref<2097152xf32, #tpu.memory_space<hbm>> -> memref<16384xf32, #tpu.memory_space<hbm>>
    %dma_start3A_28 = tpu.memref_slice %arg12[%dma_start3A_26] : memref<3x!tpu.dma_semaphore, #tpu.memory_space<semaphore_mem>> -> memref<1x!tpu.dma_semaphore, #tpu.memory_space<semaphore_mem>>
    %dma_start3A_29 = tpu.memref_squeeze %dma_start3A_28 : memref<1x!tpu.dma_semaphore, #tpu.memory_space<semaphore_mem>> -> memref<!tpu.dma_semaphore, #tpu.memory_space<semaphore_mem>>
    %dma_start3A_30 = tpu.memref_slice %arg3[%add3A_20] : memref<2097152xf32, #tpu.memory_space<hbm>> -> memref<16384xf32, #tpu.memory_space<hbm>>
    tpu.enqueue_dma source(%dma_start3A_30 : memref<16384xf32, #tpu.memory_space<hbm>>) target(%arg9 : memref<16384xf32, #tpu.memory_space<vmem>>) target_semaphore(%dma_start3A_29 : memref<!tpu.dma_semaphore, #tpu.memory_space<semaphore_mem>>)
    %add3A_31 = arith.constant 32768 : i32
    %add3A_32 = arith.addi %mul3A_2, %add3A_31 : i32
    %add3A_33 = arith.constant 32768 : i32
    %add3A_34 = arith.addi %rem3A_3, %add3A_33 : i32
    %dma_start3A_35 = arith.constant 2 : i32
    %dma_start3A_36 = tpu.memref_slice %arg2[%add3A_32] : memref<8388608xf32, #tpu.memory_space<hbm>> -> memref<16384xf32, #tpu.memory_space<hbm>>
    %dma_start3A_37 = tpu.memref_slice %arg11[%dma_start3A_35] : memref<3x!tpu.dma_semaphore, #tpu.memory_space<semaphore_mem>> -> memref<1x!tpu.dma_semaphore, #tpu.memory_space<semaphore_mem>>
    %dma_start3A_38 = tpu.memref_squeeze %dma_start3A_37 : memref<1x!tpu.dma_semaphore, #tpu.memory_space<semaphore_mem>> -> memref<!tpu.dma_semaphore, #tpu.memory_space<semaphore_mem>>
    %dma_start3A_39 = tpu.memref_slice %arg2[%add3A_32] : memref<8388608xf32, #tpu.memory_space<hbm>> -> memref<16384xf32, #tpu.memory_space<hbm>>
    tpu.enqueue_dma source(%dma_start3A_39 : memref<16384xf32, #tpu.memory_space<hbm>>) target(%arg7 : memref<16384xf32, #tpu.memory_space<vmem>>) target_semaphore(%dma_start3A_38 : memref<!tpu.dma_semaphore, #tpu.memory_space<semaphore_mem>>)
    %dma_start3A_40 = arith.constant 2 : i32
    %dma_start3A_41 = tpu.memref_slice %arg3[%add3A_34] : memref<2097152xf32, #tpu.memory_space<hbm>> -> memref<16384xf32, #tpu.memory_space<hbm>>
    %dma_start3A_42 = tpu.memref_slice %arg12[%dma_start3A_40] : memref<3x!tpu.dma_semaphore, #tpu.memory_space<semaphore_mem>> -> memref<1x!tpu.dma_semaphore, #tpu.memory_space<semaphore_mem>>
    %dma_start3A_43 = tpu.memref_squeeze %dma_start3A_42 : memref<1x!tpu.dma_semaphore, #tpu.memory_space<semaphore_mem>> -> memref<!tpu.dma_semaphore, #tpu.memory_space<semaphore_mem>>
    %dma_start3A_44 = tpu.memref_slice %arg3[%add3A_34] : memref<2097152xf32, #tpu.memory_space<hbm>> -> memref<16384xf32, #tpu.memory_space<hbm>>
    tpu.enqueue_dma source(%dma_start3A_44 : memref<16384xf32, #tpu.memory_space<hbm>>) target(%arg10 : memref<16384xf32, #tpu.memory_space<vmem>>) target_semaphore(%dma_start3A_43 : memref<!tpu.dma_semaphore, #tpu.memory_space<semaphore_mem>>)
    %dma_wait3A = arith.constant 0 : i32
    %dma_wait3A_45 = tpu.memref_slice %arg2[%add3A_5] : memref<8388608xf32, #tpu.memory_space<hbm>> -> memref<16384xf32, #tpu.memory_space<hbm>>
    %dma_wait3A_46 = tpu.memref_slice %arg11[%dma_wait3A] : memref<3x!tpu.dma_semaphore, #tpu.memory_space<semaphore_mem>> -> memref<1x!tpu.dma_semaphore, #tpu.memory_space<semaphore_mem>>
    %dma_wait3A_47 = tpu.memref_squeeze %dma_wait3A_46 : memref<1x!tpu.dma_semaphore, #tpu.memory_space<semaphore_mem>> -> memref<!tpu.dma_semaphore, #tpu.memory_space<semaphore_mem>>
    %dma_wait3A_48 = tpu.memref_slice %arg2[%add3A_5] : memref<8388608xf32, #tpu.memory_space<hbm>> -> memref<16384xf32, #tpu.memory_space<hbm>>
    tpu.wait_dma2 semaphore(%dma_wait3A_47 : memref<!tpu.dma_semaphore, #tpu.memory_space<semaphore_mem>>) src(%dma_wait3A_48 : memref<16384xf32, #tpu.memory_space<hbm>>) dst(%arg5 : memref<16384xf32, #tpu.memory_space<vmem>>)
    %dma_wait3A_49 = arith.constant 0 : i32
    %dma_wait3A_50 = tpu.memref_slice %arg3[%add3A_7] : memref<2097152xf32, #tpu.memory_space<hbm>> -> memref<16384xf32, #tpu.memory_space<hbm>>
    %dma_wait3A_51 = tpu.memref_slice %arg12[%dma_wait3A_49] : memref<3x!tpu.dma_semaphore, #tpu.memory_space<semaphore_mem>> -> memref<1x!tpu.dma_semaphore, #tpu.memory_space<semaphore_mem>>
    %dma_wait3A_52 = tpu.memref_squeeze %dma_wait3A_51 : memref<1x!tpu.dma_semaphore, #tpu.memory_space<semaphore_mem>> -> memref<!tpu.dma_semaphore, #tpu.memory_space<semaphore_mem>>
    %dma_wait3A_53 = tpu.memref_slice %arg3[%add3A_7] : memref<2097152xf32, #tpu.memory_space<hbm>> -> memref<16384xf32, #tpu.memory_space<hbm>>
    tpu.wait_dma2 semaphore(%dma_wait3A_52 : memref<!tpu.dma_semaphore, #tpu.memory_space<semaphore_mem>>) src(%dma_wait3A_53 : memref<16384xf32, #tpu.memory_space<hbm>>) dst(%arg8 : memref<16384xf32, #tpu.memory_space<vmem>>)
    %parallel_loop3A = arith.constant 0 : i32
    %parallel_loop3A_54 = arith.constant 16384 : i32
    %parallel_loop3A_55 = arith.constant 16 : i32
    scf.for %parallel_loop3A_625 = %parallel_loop3A to %parallel_loop3A_54 step %parallel_loop3A_55  : i32 {
      %parallel_loop3A_626 = arith.index_cast %parallel_loop3A_625 : i32 to index
      %parallel_loop3A_627 = tpu.vector_load %arg5[%parallel_loop3A_626] {strides = array<i32>} : memref<16384xf32, #tpu.memory_space<vmem>>, vector<16xf32>,
      %parallel_loop3A_628 = vector.shape_cast %parallel_loop3A_627 : vector<16xf32> to vector<16xf32>
      %parallel_loop3A_629 = arith.index_cast %parallel_loop3A_625 : i32 to index
      %parallel_loop3A_630 = tpu.vector_load %arg8[%parallel_loop3A_629] {strides = array<i32>} : memref<16384xf32, #tpu.memory_space<vmem>>, vector<16xf32>,
      %parallel_loop3A_631 = vector.shape_cast %parallel_loop3A_630 : vector<16xf32> to vector<16xf32>
      %parallel_loop3A_632 = arith.addf %parallel_loop3A_628, %parallel_loop3A_631 : vector<16xf32>
      %parallel_loop3A_633 = arith.index_cast %parallel_loop3A_625 : i32 to index
      %parallel_loop3A_634 = tpu.vector_load %arg5[%parallel_loop3A_633] {strides = array<i32>} : memref<16384xf32, #tpu.memory_space<vmem>>, vector<16xf32>,
      %parallel_loop3A_635 = vector.shape_cast %parallel_loop3A_634 : vector<16xf32> to vector<16xf32>
      %parallel_loop3A_636 = vector.shape_cast %parallel_loop3A_632 : vector<16xf32> to vector<16xf32>
      tpu.vector_store %arg5[%parallel_loop3A_633], %parallel_loop3A_636 {strides = array<i32>} : memref<16384xf32, #tpu.memory_space<vmem>>, vector<16xf32>,
    } {sc.loop_unroll_factor = 16 : i64, sc.parallel_access}
    %add3A_56 = arith.constant 0 : i32
    %add3A_57 = arith.addi %mul3A_2, %add3A_56 : i32
    %dma_start3A_58 = arith.constant 0 : i32
    %dma_start3A_59 = tpu.memref_slice %arg4[%add3A_57] : memref<8388608xf32, #tpu.memory_space<hbm>> -> memref<16384xf32, #tpu.memory_space<hbm>>
    %dma_start3A_60 = tpu.memref_slice %arg13[%dma_start3A_58] : memref<3x!tpu.dma_semaphore, #tpu.memory_space<semaphore_mem>> -> memref<1x!tpu.dma_semaphore, #tpu.memory_space<semaphore_mem>>
    %dma_start3A_61 = tpu.memref_squeeze %dma_start3A_60 : memref<1x!tpu.dma_semaphore, #tpu.memory_space<semaphore_mem>> -> memref<!tpu.dma_semaphore, #tpu.memory_space<semaphore_mem>>
    %dma_start3A_62 = tpu.memref_slice %arg4[%add3A_57] : memref<8388608xf32, #tpu.memory_space<hbm>> -> memref<16384xf32, #tpu.memory_space<hbm>>
    tpu.enqueue_dma source(%arg5 : memref<16384xf32, #tpu.memory_space<vmem>>) target(%dma_start3A_62 : memref<16384xf32, #tpu.memory_space<hbm>>) target_semaphore(%dma_start3A_61 : memref<!tpu.dma_semaphore, #tpu.memory_space<semaphore_mem>>)
    %dma_wait3A_63 = arith.constant 0 : i32
    %dma_wait3A_64 = tpu.memref_slice %arg4[%add3A_57] : memref<8388608xf32, #tpu.memory_space<hbm>> -> memref<16384xf32, #tpu.memory_space<hbm>>
    %dma_wait3A_65 = tpu.memref_slice %arg13[%dma_wait3A_63] : memref<3x!tpu.dma_semaphore, #tpu.memory_space<semaphore_mem>> -> memref<1x!tpu.dma_semaphore, #tpu.memory_space<semaphore_mem>>
    %dma_wait3A_66 = tpu.memref_squeeze %dma_wait3A_65 : memref<1x!tpu.dma_semaphore, #tpu.memory_space<semaphore_mem>> -> memref<!tpu.dma_semaphore, #tpu.memory_space<semaphore_mem>>
    %dma_wait3A_67 = tpu.memref_slice %arg4[%add3A_57] : memref<8388608xf32, #tpu.memory_space<hbm>> -> memref<16384xf32, #tpu.memory_space<hbm>>
    tpu.wait_dma2 semaphore(%dma_wait3A_66 : memref<!tpu.dma_semaphore, #tpu.memory_space<semaphore_mem>>) src(%arg5 : memref<16384xf32, #tpu.memory_space<vmem>>) dst(%dma_wait3A_67 : memref<16384xf32, #tpu.memory_space<hbm>>)
    %add3A_68 = arith.constant 49152 : i32
    %add3A_69 = arith.addi %mul3A_2, %add3A_68 : i32
    %add3A_70 = arith.constant 49152 : i32
    %add3A_71 = arith.addi %rem3A_3, %add3A_70 : i32
    %dma_start3A_72 = arith.constant 0 : i32
    %dma_start3A_73 = tpu.memref_slice %arg2[%add3A_69] : memref<8388608xf32, #tpu.memory_space<hbm>> -> memref<16384xf32, #tpu.memory_space<hbm>>
    %dma_start3A_74 = tpu.memref_slice %arg11[%dma_start3A_72] : memref<3x!tpu.dma_semaphore, #tpu.memory_space<semaphore_mem>> -> memref<1x!tpu.dma_semaphore, #tpu.memory_space<semaphore_mem>>
    %dma_start3A_75 = tpu.memref_squeeze %dma_start3A_74 : memref<1x!tpu.dma_semaphore, #tpu.memory_space<semaphore_mem>> -> memref<!tpu.dma_semaphore, #tpu.memory_space<semaphore_mem>>
    %dma_start3A_76 = tpu.memref_slice %arg2[%add3A_69] : memref<8388608xf32, #tpu.memory_space<hbm>> -> memref<16384xf32, #tpu.memory_space<hbm>>
    tpu.enqueue_dma source(%dma_start3A_76 : memref<16384xf32, #tpu.memory_space<hbm>>) target(%arg5 : memref<16384xf32, #tpu.memory_space<vmem>>) target_semaphore(%dma_start3A_75 : memref<!tpu.dma_semaphore, #tpu.memory_space<semaphore_mem>>)
    %dma_start3A_77 = arith.constant 0 : i32
    %dma_start3A_78 = tpu.memref_slice %arg3[%add3A_71] : memref<2097152xf32, #tpu.memory_space<hbm>> -> memref<16384xf32, #tpu.memory_space<hbm>>
    %dma_start3A_79 = tpu.memref_slice %arg12[%dma_start3A_77] : memref<3x!tpu.dma_semaphore, #tpu.memory_space<semaphore_mem>> -> memref<1x!tpu.dma_semaphore, #tpu.memory_space<semaphore_mem>>
    %dma_start3A_80 = tpu.memref_squeeze %dma_start3A_79 : memref<1x!tpu.dma_semaphore, #tpu.memory_space<semaphore_mem>> -> memref<!tpu.dma_semaphore, #tpu.memory_space<semaphore_mem>>
    %dma_start3A_81 = tpu.memref_slice %arg3[%add3A_71] : memref<2097152xf32, #tpu.memory_space<hbm>> -> memref<16384xf32, #tpu.memory_space<hbm>>
    tpu.enqueue_dma source(%dma_start3A_81 : memref<16384xf32, #tpu.memory_space<hbm>>) target(%arg8 : memref<16384xf32, #tpu.memory_space<vmem>>) target_semaphore(%dma_start3A_80 : memref<!tpu.dma_semaphore, #tpu.memory_space<semaphore_mem>>)
    %dma_wait3A_82 = arith.constant 1 : i32
    %dma_wait3A_83 = tpu.memref_slice %arg2[%add3A_18] : memref<8388608xf32, #tpu.memory_space<hbm>> -> memref<16384xf32, #tpu.memory_space<hbm>>
    %dma_wait3A_84 = tpu.memref_slice %arg11[%dma_wait3A_82] : memref<3x!tpu.dma_semaphore, #tpu.memory_space<semaphore_mem>> -> memref<1x!tpu.dma_semaphore, #tpu.memory_space<semaphore_mem>>
    %dma_wait3A_85 = tpu.memref_squeeze %dma_wait3A_84 : memref<1x!tpu.dma_semaphore, #tpu.memory_space<semaphore_mem>> -> memref<!tpu.dma_semaphore, #tpu.memory_space<semaphore_mem>>
    %dma_wait3A_86 = tpu.memref_slice %arg2[%add3A_18] : memref<8388608xf32, #tpu.memory_space<hbm>> -> memref<16384xf32, #tpu.memory_space<hbm>>
    tpu.wait_dma2 semaphore(%dma_wait3A_85 : memref<!tpu.dma_semaphore, #tpu.memory_space<semaphore_mem>>) src(%dma_wait3A_86 : memref<16384xf32, #tpu.memory_space<hbm>>) dst(%arg6 : memref<16384xf32, #tpu.memory_space<vmem>>)
    %dma_wait3A_87 = arith.constant 1 : i32
    %dma_wait3A_88 = tpu.memref_slice %arg3[%add3A_20] : memref<2097152xf32, #tpu.memory_space<hbm>> -> memref<16384xf32, #tpu.memory_space<hbm>>
    %dma_wait3A_89 = tpu.memref_slice %arg12[%dma_wait3A_87] : memref<3x!tpu.dma_semaphore, #tpu.memory_space<semaphore_mem>> -> memref<1x!tpu.dma_semaphore, #tpu.memory_space<semaphore_mem>>
    %dma_wait3A_90 = tpu.memref_squeeze %dma_wait3A_89 : memref<1x!tpu.dma_semaphore, #tpu.memory_space<semaphore_mem>> -> memref<!tpu.dma_semaphore, #tpu.memory_space<semaphore_mem>>
    %dma_wait3A_91 = tpu.memref_slice %arg3[%add3A_20] : memref<2097152xf32, #tpu.memory_space<hbm>> -> memref<16384xf32, #tpu.memory_space<hbm>>
    tpu.wait_dma2 semaphore(%dma_wait3A_90 : memref<!tpu.dma_semaphore, #tpu.memory_space<semaphore_mem>>) src(%dma_wait3A_91 : memref<16384xf32, #tpu.memory_space<hbm>>) dst(%arg9 : memref<16384xf32, #tpu.memory_space<vmem>>)
    %parallel_loop3A_92 = arith.constant 0 : i32
    %parallel_loop3A_93 = arith.constant 16384 : i32
    %parallel_loop3A_94 = arith.constant 16 : i32
    scf.for %parallel_loop3A_625 = %parallel_loop3A_92 to %parallel_loop3A_93 step %parallel_loop3A_94  : i32 {
      %parallel_loop3A_626 = arith.index_cast %parallel_loop3A_625 : i32 to index
      %parallel_loop3A_627 = tpu.vector_load %arg6[%parallel_loop3A_626] {strides = array<i32>} : memref<16384xf32, #tpu.memory_space<vmem>>, vector<16xf32>,
      %parallel_loop3A_628 = vector.shape_cast %parallel_loop3A_627 : vector<16xf32> to vector<16xf32>
      %parallel_loop3A_629 = arith.index_cast %parallel_loop3A_625 : i32 to index
      %parallel_loop3A_630 = tpu.vector_load %arg9[%parallel_loop3A_629] {strides = array<i32>} : memref<16384xf32, #tpu.memory_space<vmem>>, vector<16xf32>,
      %parallel_loop3A_631 = vector.shape_cast %parallel_loop3A_630 : vector<16xf32> to vector<16xf32>
      %parallel_loop3A_632 = arith.addf %parallel_loop3A_628, %parallel_loop3A_631 : vector<16xf32>
      %parallel_loop3A_633 = arith.index_cast %parallel_loop3A_625 : i32 to index
      %parallel_loop3A_634 = tpu.vector_load %arg6[%parallel_loop3A_633] {strides = array<i32>} : memref<16384xf32, #tpu.memory_space<vmem>>, vector<16xf32>,
      %parallel_loop3A_635 = vector.shape_cast %parallel_loop3A_634 : vector<16xf32> to vector<16xf32>
      %parallel_loop3A_636 = vector.shape_cast %parallel_loop3A_632 : vector<16xf32> to vector<16xf32>
      tpu.vector_store %arg6[%parallel_loop3A_633], %parallel_loop3A_636 {strides = array<i32>} : memref<16384xf32, #tpu.memory_space<vmem>>, vector<16xf32>,
    } {sc.loop_unroll_factor = 16 : i64, sc.parallel_access}
    %add3A_95 = arith.constant 16384 : i32
    %add3A_96 = arith.addi %mul3A_2, %add3A_95 : i32
    %dma_start3A_97 = arith.constant 1 : i32
    %dma_start3A_98 = tpu.memref_slice %arg4[%add3A_96] : memref<8388608xf32, #tpu.memory_space<hbm>> -> memref<16384xf32, #tpu.memory_space<hbm>>
    %dma_start3A_99 = tpu.memref_slice %arg13[%dma_start3A_97] : memref<3x!tpu.dma_semaphore, #tpu.memory_space<semaphore_mem>> -> memref<1x!tpu.dma_semaphore, #tpu.memory_space<semaphore_mem>>
    %dma_start3A_100 = tpu.memref_squeeze %dma_start3A_99 : memref<1x!tpu.dma_semaphore, #tpu.memory_space<semaphore_mem>> -> memref<!tpu.dma_semaphore, #tpu.memory_space<semaphore_mem>>
    %dma_start3A_101 = tpu.memref_slice %arg4[%add3A_96] : memref<8388608xf32, #tpu.memory_space<hbm>> -> memref<16384xf32, #tpu.memory_space<hbm>>
    tpu.enqueue_dma source(%arg6 : memref<16384xf32, #tpu.memory_space<vmem>>) target(%dma_start3A_101 : memref<16384xf32, #tpu.memory_space<hbm>>) target_semaphore(%dma_start3A_100 : memref<!tpu.dma_semaphore, #tpu.memory_space<semaphore_mem>>)
    %dma_wait3A_102 = arith.constant 1 : i32
    %dma_wait3A_103 = tpu.memref_slice %arg4[%add3A_96] : memref<8388608xf32, #tpu.memory_space<hbm>> -> memref<16384xf32, #tpu.memory_space<hbm>>
    %dma_wait3A_104 = tpu.memref_slice %arg13[%dma_wait3A_102] : memref<3x!tpu.dma_semaphore, #tpu.memory_space<semaphore_mem>> -> memref<1x!tpu.dma_semaphore, #tpu.memory_space<semaphore_mem>>
    %dma_wait3A_105 = tpu.memref_squeeze %dma_wait3A_104 : memref<1x!tpu.dma_semaphore, #tpu.memory_space<semaphore_mem>> -> memref<!tpu.dma_semaphore, #tpu.memory_space<semaphore_mem>>
    %dma_wait3A_106 = tpu.memref_slice %arg4[%add3A_96] : memref<8388608xf32, #tpu.memory_space<hbm>> -> memref<16384xf32, #tpu.memory_space<hbm>>
    tpu.wait_dma2 semaphore(%dma_wait3A_105 : memref<!tpu.dma_semaphore, #tpu.memory_space<semaphore_mem>>) src(%arg6 : memref<16384xf32, #tpu.memory_space<vmem>>) dst(%dma_wait3A_106 : memref<16384xf32, #tpu.memory_space<hbm>>)
    %add3A_107 = arith.constant 65536 : i32
    %add3A_108 = arith.addi %mul3A_2, %add3A_107 : i32
    %add3A_109 = arith.constant 65536 : i32
    %add3A_110 = arith.addi %rem3A_3, %add3A_109 : i32
    %dma_start3A_111 = arith.constant 1 : i32
    %dma_start3A_112 = tpu.memref_slice %arg2[%add3A_108] : memref<8388608xf32, #tpu.memory_space<hbm>> -> memref<16384xf32, #tpu.memory_space<hbm>>
    %dma_start3A_113 = tpu.memref_slice %arg11[%dma_start3A_111] : memref<3x!tpu.dma_semaphore, #tpu.memory_space<semaphore_mem>> -> memref<1x!tpu.dma_semaphore, #tpu.memory_space<semaphore_mem>>
    %dma_start3A_114 = tpu.memref_squeeze %dma_start3A_113 : memref<1x!tpu.dma_semaphore, #tpu.memory_space<semaphore_mem>> -> memref<!tpu.dma_semaphore, #tpu.memory_space<semaphore_mem>>
    %dma_start3A_115 = tpu.memref_slice %arg2[%add3A_108] : memref<8388608xf32, #tpu.memory_space<hbm>> -> memref<16384xf32, #tpu.memory_space<hbm>>
    tpu.enqueue_dma source(%dma_start3A_115 : memref<16384xf32, #tpu.memory_space<hbm>>) target(%arg6 : memref<16384xf32, #tpu.memory_space<vmem>>) target_semaphore(%dma_start3A_114 : memref<!tpu.dma_semaphore, #tpu.memory_space<semaphore_mem>>)
    %dma_start3A_116 = arith.constant 1 : i32
    %dma_start3A_117 = tpu.memref_slice %arg3[%add3A_110] : memref<2097152xf32, #tpu.memory_space<hbm>> -> memref<16384xf32, #tpu.memory_space<hbm>>
    %dma_start3A_118 = tpu.memref_slice %arg12[%dma_start3A_116] : memref<3x!tpu.dma_semaphore, #tpu.memory_space<semaphore_mem>> -> memref<1x!tpu.dma_semaphore, #tpu.memory_space<semaphore_mem>>
    %dma_start3A_119 = tpu.memref_squeeze %dma_start3A_118 : memref<1x!tpu.dma_semaphore, #tpu.memory_space<semaphore_mem>> -> memref<!tpu.dma_semaphore, #tpu.memory_space<semaphore_mem>>
    %dma_start3A_120 = tpu.memref_slice %arg3[%add3A_110] : memref<2097152xf32, #tpu.memory_space<hbm>> -> memref<16384xf32, #tpu.memory_space<hbm>>
    tpu.enqueue_dma source(%dma_start3A_120 : memref<16384xf32, #tpu.memory_space<hbm>>) target(%arg9 : memref<16384xf32, #tpu.memory_space<vmem>>) target_semaphore(%dma_start3A_119 : memref<!tpu.dma_semaphore, #tpu.memory_space<semaphore_mem>>)
    %dma_wait3A_121 = arith.constant 2 : i32
    %dma_wait3A_122 = tpu.memref_slice %arg2[%add3A_32] : memref<8388608xf32, #tpu.memory_space<hbm>> -> memref<16384xf32, #tpu.memory_space<hbm>>
    %dma_wait3A_123 = tpu.memref_slice %arg11[%dma_wait3A_121] : memref<3x!tpu.dma_semaphore, #tpu.memory_space<semaphore_mem>> -> memref<1x!tpu.dma_semaphore, #tpu.memory_space<semaphore_mem>>
    %dma_wait3A_124 = tpu.memref_squeeze %dma_wait3A_123 : memref<1x!tpu.dma_semaphore, #tpu.memory_space<semaphore_mem>> -> memref<!tpu.dma_semaphore, #tpu.memory_space<semaphore_mem>>
    %dma_wait3A_125 = tpu.memref_slice %arg2[%add3A_32] : memref<8388608xf32, #tpu.memory_space<hbm>> -> memref<16384xf32, #tpu.memory_space<hbm>>
    tpu.wait_dma2 semaphore(%dma_wait3A_124 : memref<!tpu.dma_semaphore, #tpu.memory_space<semaphore_mem>>) src(%dma_wait3A_125 : memref<16384xf32, #tpu.memory_space<hbm>>) dst(%arg7 : memref<16384xf32, #tpu.memory_space<vmem>>)
    %dma_wait3A_126 = arith.constant 2 : i32
    %dma_wait3A_127 = tpu.memref_slice %arg3[%add3A_34] : memref<2097152xf32, #tpu.memory_space<hbm>> -> memref<16384xf32, #tpu.memory_space<hbm>>
    %dma_wait3A_128 = tpu.memref_slice %arg12[%dma_wait3A_126] : memref<3x!tpu.dma_semaphore, #tpu.memory_space<semaphore_mem>> -> memref<1x!tpu.dma_semaphore, #tpu.memory_space<semaphore_mem>>
    %dma_wait3A_129 = tpu.memref_squeeze %dma_wait3A_128 : memref<1x!tpu.dma_semaphore, #tpu.memory_space<semaphore_mem>> -> memref<!tpu.dma_semaphore, #tpu.memory_space<semaphore_mem>>
    %dma_wait3A_130 = tpu.memref_slice %arg3[%add3A_34] : memref<2097152xf32, #tpu.memory_space<hbm>> -> memref<16384xf32, #tpu.memory_space<hbm>>
    tpu.wait_dma2 semaphore(%dma_wait3A_129 : memref<!tpu.dma_semaphore, #tpu.memory_space<semaphore_mem>>) src(%dma_wait3A_130 : memref<16384xf32, #tpu.memory_space<hbm>>) dst(%arg10 : memref<16384xf32, #tpu.memory_space<vmem>>)
    %parallel_loop3A_131 = arith.constant 0 : i32
    %parallel_loop3A_132 = arith.constant 16384 : i32
    %parallel_loop3A_133 = arith.constant 16 : i32
    scf.for %parallel_loop3A_625 = %parallel_loop3A_131 to %parallel_loop3A_132 step %parallel_loop3A_133  : i32 {
      %parallel_loop3A_626 = arith.index_cast %parallel_loop3A_625 : i32 to index
      %parallel_loop3A_627 = tpu.vector_load %arg7[%parallel_loop3A_626] {strides = array<i32>} : memref<16384xf32, #tpu.memory_space<vmem>>, vector<16xf32>,
      %parallel_loop3A_628 = vector.shape_cast %parallel_loop3A_627 : vector<16xf32> to vector<16xf32>
      %parallel_loop3A_629 = arith.index_cast %parallel_loop3A_625 : i32 to index
      %parallel_loop3A_630 = tpu.vector_load %arg10[%parallel_loop3A_629] {strides = array<i32>} : memref<16384xf32, #tpu.memory_space<vmem>>, vector<16xf32>,
      %parallel_loop3A_631 = vector.shape_cast %parallel_loop3A_630 : vector<16xf32> to vector<16xf32>
      %parallel_loop3A_632 = arith.addf %parallel_loop3A_628, %parallel_loop3A_631 : vector<16xf32>
      %parallel_loop3A_633 = arith.index_cast %parallel_loop3A_625 : i32 to index
      %parallel_loop3A_634 = tpu.vector_load %arg7[%parallel_loop3A_633] {strides = array<i32>} : memref<16384xf32, #tpu.memory_space<vmem>>, vector<16xf32>,
      %parallel_loop3A_635 = vector.shape_cast %parallel_loop3A_634 : vector<16xf32> to vector<16xf32>
      %parallel_loop3A_636 = vector.shape_cast %parallel_loop3A_632 : vector<16xf32> to vector<16xf32>
      tpu.vector_store %arg7[%parallel_loop3A_633], %parallel_loop3A_636 {strides = array<i32>} : memref<16384xf32, #tpu.memory_space<vmem>>, vector<16xf32>,
    } {sc.loop_unroll_factor = 16 : i64, sc.parallel_access}
    %add3A_134 = arith.constant 32768 : i32
    %add3A_135 = arith.addi %mul3A_2, %add3A_134 : i32
    %dma_start3A_136 = arith.constant 2 : i32
    %dma_start3A_137 = tpu.memref_slice %arg4[%add3A_135] : memref<8388608xf32, #tpu.memory_space<hbm>> -> memref<16384xf32, #tpu.memory_space<hbm>>
    %dma_start3A_138 = tpu.memref_slice %arg13[%dma_start3A_136] : memref<3x!tpu.dma_semaphore, #tpu.memory_space<semaphore_mem>> -> memref<1x!tpu.dma_semaphore, #tpu.memory_space<semaphore_mem>>
    %dma_start3A_139 = tpu.memref_squeeze %dma_start3A_138 : memref<1x!tpu.dma_semaphore, #tpu.memory_space<semaphore_mem>> -> memref<!tpu.dma_semaphore, #tpu.memory_space<semaphore_mem>>
    %dma_start3A_140 = tpu.memref_slice %arg4[%add3A_135] : memref<8388608xf32, #tpu.memory_space<hbm>> -> memref<16384xf32, #tpu.memory_space<hbm>>
    tpu.enqueue_dma source(%arg7 : memref<16384xf32, #tpu.memory_space<vmem>>) target(%dma_start3A_140 : memref<16384xf32, #tpu.memory_space<hbm>>) target_semaphore(%dma_start3A_139 : memref<!tpu.dma_semaphore, #tpu.memory_space<semaphore_mem>>)
    %dma_wait3A_141 = arith.constant 2 : i32
    %dma_wait3A_142 = tpu.memref_slice %arg4[%add3A_135] : memref<8388608xf32, #tpu.memory_space<hbm>> -> memref<16384xf32, #tpu.memory_space<hbm>>
    %dma_wait3A_143 = tpu.memref_slice %arg13[%dma_wait3A_141] : memref<3x!tpu.dma_semaphore, #tpu.memory_space<semaphore_mem>> -> memref<1x!tpu.dma_semaphore, #tpu.memory_space<semaphore_mem>>
    %dma_wait3A_144 = tpu.memref_squeeze %dma_wait3A_143 : memref<1x!tpu.dma_semaphore, #tpu.memory_space<semaphore_mem>> -> memref<!tpu.dma_semaphore, #tpu.memory_space<semaphore_mem>>
    %dma_wait3A_145 = tpu.memref_slice %arg4[%add3A_135] : memref<8388608xf32, #tpu.memory_space<hbm>> -> memref<16384xf32, #tpu.memory_space<hbm>>
    tpu.wait_dma2 semaphore(%dma_wait3A_144 : memref<!tpu.dma_semaphore, #tpu.memory_space<semaphore_mem>>) src(%arg7 : memref<16384xf32, #tpu.memory_space<vmem>>) dst(%dma_wait3A_145 : memref<16384xf32, #tpu.memory_space<hbm>>)
    %add3A_146 = arith.constant 81920 : i32
    %add3A_147 = arith.addi %mul3A_2, %add3A_146 : i32
    %add3A_148 = arith.constant 81920 : i32
    %add3A_149 = arith.addi %rem3A_3, %add3A_148 : i32
    %dma_start3A_150 = arith.constant 2 : i32
    %dma_start3A_151 = tpu.memref_slice %arg2[%add3A_147] : memref<8388608xf32, #tpu.memory_space<hbm>> -> memref<16384xf32, #tpu.memory_space<hbm>>
    %dma_start3A_152 = tpu.memref_slice %arg11[%dma_start3A_150] : memref<3x!tpu.dma_semaphore, #tpu.memory_space<semaphore_mem>> -> memref<1x!tpu.dma_semaphore, #tpu.memory_space<semaphore_mem>>
    %dma_start3A_153 = tpu.memref_squeeze %dma_start3A_152 : memref<1x!tpu.dma_semaphore, #tpu.memory_space<semaphore_mem>> -> memref<!tpu.dma_semaphore, #tpu.memory_space<semaphore_mem>>
    %dma_start3A_154 = tpu.memref_slice %arg2[%add3A_147] : memref<8388608xf32, #tpu.memory_space<hbm>> -> memref<16384xf32, #tpu.memory_space<hbm>>
    tpu.enqueue_dma source(%dma_start3A_154 : memref<16384xf32, #tpu.memory_space<hbm>>) target(%arg7 : memref<16384xf32, #tpu.memory_space<vmem>>) target_semaphore(%dma_start3A_153 : memref<!tpu.dma_semaphore, #tpu.memory_space<semaphore_mem>>)
    %dma_start3A_155 = arith.constant 2 : i32
    %dma_start3A_156 = tpu.memref_slice %arg3[%add3A_149] : memref<2097152xf32, #tpu.memory_space<hbm>> -> memref<16384xf32, #tpu.memory_space<hbm>>
    %dma_start3A_157 = tpu.memref_slice %arg12[%dma_start3A_155] : memref<3x!tpu.dma_semaphore, #tpu.memory_space<semaphore_mem>> -> memref<1x!tpu.dma_semaphore, #tpu.memory_space<semaphore_mem>>
    %dma_start3A_158 = tpu.memref_squeeze %dma_start3A_157 : memref<1x!tpu.dma_semaphore, #tpu.memory_space<semaphore_mem>> -> memref<!tpu.dma_semaphore, #tpu.memory_space<semaphore_mem>>
    %dma_start3A_159 = tpu.memref_slice %arg3[%add3A_149] : memref<2097152xf32, #tpu.memory_space<hbm>> -> memref<16384xf32, #tpu.memory_space<hbm>>
    tpu.enqueue_dma source(%dma_start3A_159 : memref<16384xf32, #tpu.memory_space<hbm>>) target(%arg10 : memref<16384xf32, #tpu.memory_space<vmem>>) target_semaphore(%dma_start3A_158 : memref<!tpu.dma_semaphore, #tpu.memory_space<semaphore_mem>>)
    %dma_wait3A_160 = arith.constant 0 : i32
    %dma_wait3A_161 = tpu.memref_slice %arg2[%add3A_69] : memref<8388608xf32, #tpu.memory_space<hbm>> -> memref<16384xf32, #tpu.memory_space<hbm>>
    %dma_wait3A_162 = tpu.memref_slice %arg11[%dma_wait3A_160] : memref<3x!tpu.dma_semaphore, #tpu.memory_space<semaphore_mem>> -> memref<1x!tpu.dma_semaphore, #tpu.memory_space<semaphore_mem>>
    %dma_wait3A_163 = tpu.memref_squeeze %dma_wait3A_162 : memref<1x!tpu.dma_semaphore, #tpu.memory_space<semaphore_mem>> -> memref<!tpu.dma_semaphore, #tpu.memory_space<semaphore_mem>>
    %dma_wait3A_164 = tpu.memref_slice %arg2[%add3A_69] : memref<8388608xf32, #tpu.memory_space<hbm>> -> memref<16384xf32, #tpu.memory_space<hbm>>
    tpu.wait_dma2 semaphore(%dma_wait3A_163 : memref<!tpu.dma_semaphore, #tpu.memory_space<semaphore_mem>>) src(%dma_wait3A_164 : memref<16384xf32, #tpu.memory_space<hbm>>) dst(%arg5 : memref<16384xf32, #tpu.memory_space<vmem>>)
    %dma_wait3A_165 = arith.constant 0 : i32
    %dma_wait3A_166 = tpu.memref_slice %arg3[%add3A_71] : memref<2097152xf32, #tpu.memory_space<hbm>> -> memref<16384xf32, #tpu.memory_space<hbm>>
    %dma_wait3A_167 = tpu.memref_slice %arg12[%dma_wait3A_165] : memref<3x!tpu.dma_semaphore, #tpu.memory_space<semaphore_mem>> -> memref<1x!tpu.dma_semaphore, #tpu.memory_space<semaphore_mem>>
    %dma_wait3A_168 = tpu.memref_squeeze %dma_wait3A_167 : memref<1x!tpu.dma_semaphore, #tpu.memory_space<semaphore_mem>> -> memref<!tpu.dma_semaphore, #tpu.memory_space<semaphore_mem>>
    %dma_wait3A_169 = tpu.memref_slice %arg3[%add3A_71] : memref<2097152xf32, #tpu.memory_space<hbm>> -> memref<16384xf32, #tpu.memory_space<hbm>>
    tpu.wait_dma2 semaphore(%dma_wait3A_168 : memref<!tpu.dma_semaphore, #tpu.memory_space<semaphore_mem>>) src(%dma_wait3A_169 : memref<16384xf32, #tpu.memory_space<hbm>>) dst(%arg8 : memref<16384xf32, #tpu.memory_space<vmem>>)
    %parallel_loop3A_170 = arith.constant 0 : i32
    %parallel_loop3A_171 = arith.constant 16384 : i32
    %parallel_loop3A_172 = arith.constant 16 : i32
    scf.for %parallel_loop3A_625 = %parallel_loop3A_170 to %parallel_loop3A_171 step %parallel_loop3A_172  : i32 {
      %parallel_loop3A_626 = arith.index_cast %parallel_loop3A_625 : i32 to index
      %parallel_loop3A_627 = tpu.vector_load %arg5[%parallel_loop3A_626] {strides = array<i32>} : memref<16384xf32, #tpu.memory_space<vmem>>, vector<16xf32>,
      %parallel_loop3A_628 = vector.shape_cast %parallel_loop3A_627 : vector<16xf32> to vector<16xf32>
      %parallel_loop3A_629 = arith.index_cast %parallel_loop3A_625 : i32 to index
      %parallel_loop3A_630 = tpu.vector_load %arg8[%parallel_loop3A_629] {strides = array<i32>} : memref<16384xf32, #tpu.memory_space<vmem>>, vector<16xf32>,
      %parallel_loop3A_631 = vector.shape_cast %parallel_loop3A_630 : vector<16xf32> to vector<16xf32>
      %parallel_loop3A_632 = arith.addf %parallel_loop3A_628, %parallel_loop3A_631 : vector<16xf32>
      %parallel_loop3A_633 = arith.index_cast %parallel_loop3A_625 : i32 to index
      %parallel_loop3A_634 = tpu.vector_load %arg5[%parallel_loop3A_633] {strides = array<i32>} : memref<16384xf32, #tpu.memory_space<vmem>>, vector<16xf32>,
      %parallel_loop3A_635 = vector.shape_cast %parallel_loop3A_634 : vector<16xf32> to vector<16xf32>
      %parallel_loop3A_636 = vector.shape_cast %parallel_loop3A_632 : vector<16xf32> to vector<16xf32>
      tpu.vector_store %arg5[%parallel_loop3A_633], %parallel_loop3A_636 {strides = array<i32>} : memref<16384xf32, #tpu.memory_space<vmem>>, vector<16xf32>,
    } {sc.loop_unroll_factor = 16 : i64, sc.parallel_access}
    %add3A_173 = arith.constant 49152 : i32
    %add3A_174 = arith.addi %mul3A_2, %add3A_173 : i32
    %dma_start3A_175 = arith.constant 0 : i32
    %dma_start3A_176 = tpu.memref_slice %arg4[%add3A_174] : memref<8388608xf32, #tpu.memory_space<hbm>> -> memref<16384xf32, #tpu.memory_space<hbm>>
    %dma_start3A_177 = tpu.memref_slice %arg13[%dma_start3A_175] : memref<3x!tpu.dma_semaphore, #tpu.memory_space<semaphore_mem>> -> memref<1x!tpu.dma_semaphore, #tpu.memory_space<semaphore_mem>>
    %dma_start3A_178 = tpu.memref_squeeze %dma_start3A_177 : memref<1x!tpu.dma_semaphore, #tpu.memory_space<semaphore_mem>> -> memref<!tpu.dma_semaphore, #tpu.memory_space<semaphore_mem>>
    %dma_start3A_179 = tpu.memref_slice %arg4[%add3A_174] : memref<8388608xf32, #tpu.memory_space<hbm>> -> memref<16384xf32, #tpu.memory_space<hbm>>
    tpu.enqueue_dma source(%arg5 : memref<16384xf32, #tpu.memory_space<vmem>>) target(%dma_start3A_179 : memref<16384xf32, #tpu.memory_space<hbm>>) target_semaphore(%dma_start3A_178 : memref<!tpu.dma_semaphore, #tpu.memory_space<semaphore_mem>>)
    %dma_wait3A_180 = arith.constant 0 : i32
    %dma_wait3A_181 = tpu.memref_slice %arg4[%add3A_174] : memref<8388608xf32, #tpu.memory_space<hbm>> -> memref<16384xf32, #tpu.memory_space<hbm>>
    %dma_wait3A_182 = tpu.memref_slice %arg13[%dma_wait3A_180] : memref<3x!tpu.dma_semaphore, #tpu.memory_space<semaphore_mem>> -> memref<1x!tpu.dma_semaphore, #tpu.memory_space<semaphore_mem>>
    %dma_wait3A_183 = tpu.memref_squeeze %dma_wait3A_182 : memref<1x!tpu.dma_semaphore, #tpu.memory_space<semaphore_mem>> -> memref<!tpu.dma_semaphore, #tpu.memory_space<semaphore_mem>>
    %dma_wait3A_184 = tpu.memref_slice %arg4[%add3A_174] : memref<8388608xf32, #tpu.memory_space<hbm>> -> memref<16384xf32, #tpu.memory_space<hbm>>
    tpu.wait_dma2 semaphore(%dma_wait3A_183 : memref<!tpu.dma_semaphore, #tpu.memory_space<semaphore_mem>>) src(%arg5 : memref<16384xf32, #tpu.memory_space<vmem>>) dst(%dma_wait3A_184 : memref<16384xf32, #tpu.memory_space<hbm>>)
    %add3A_185 = arith.constant 98304 : i32
    %add3A_186 = arith.addi %mul3A_2, %add3A_185 : i32
    %add3A_187 = arith.constant 98304 : i32
    %add3A_188 = arith.addi %rem3A_3, %add3A_187 : i32
    %dma_start3A_189 = arith.constant 0 : i32
    %dma_start3A_190 = tpu.memref_slice %arg2[%add3A_186] : memref<8388608xf32, #tpu.memory_space<hbm>> -> memref<16384xf32, #tpu.memory_space<hbm>>
    %dma_start3A_191 = tpu.memref_slice %arg11[%dma_start3A_189] : memref<3x!tpu.dma_semaphore, #tpu.memory_space<semaphore_mem>> -> memref<1x!tpu.dma_semaphore, #tpu.memory_space<semaphore_mem>>
    %dma_start3A_192 = tpu.memref_squeeze %dma_start3A_191 : memref<1x!tpu.dma_semaphore, #tpu.memory_space<semaphore_mem>> -> memref<!tpu.dma_semaphore, #tpu.memory_space<semaphore_mem>>
    %dma_start3A_193 = tpu.memref_slice %arg2[%add3A_186] : memref<8388608xf32, #tpu.memory_space<hbm>> -> memref<16384xf32, #tpu.memory_space<hbm>>
    tpu.enqueue_dma source(%dma_start3A_193 : memref<16384xf32, #tpu.memory_space<hbm>>) target(%arg5 : memref<16384xf32, #tpu.memory_space<vmem>>) target_semaphore(%dma_start3A_192 : memref<!tpu.dma_semaphore, #tpu.memory_space<semaphore_mem>>)
    %dma_start3A_194 = arith.constant 0 : i32
    %dma_start3A_195 = tpu.memref_slice %arg3[%add3A_188] : memref<2097152xf32, #tpu.memory_space<hbm>> -> memref<16384xf32, #tpu.memory_space<hbm>>
    %dma_start3A_196 = tpu.memref_slice %arg12[%dma_start3A_194] : memref<3x!tpu.dma_semaphore, #tpu.memory_space<semaphore_mem>> -> memref<1x!tpu.dma_semaphore, #tpu.memory_space<semaphore_mem>>
    %dma_start3A_197 = tpu.memref_squeeze %dma_start3A_196 : memref<1x!tpu.dma_semaphore, #tpu.memory_space<semaphore_mem>> -> memref<!tpu.dma_semaphore, #tpu.memory_space<semaphore_mem>>
    %dma_start3A_198 = tpu.memref_slice %arg3[%add3A_188] : memref<2097152xf32, #tpu.memory_space<hbm>> -> memref<16384xf32, #tpu.memory_space<hbm>>
    tpu.enqueue_dma source(%dma_start3A_198 : memref<16384xf32, #tpu.memory_space<hbm>>) target(%arg8 : memref<16384xf32, #tpu.memory_space<vmem>>) target_semaphore(%dma_start3A_197 : memref<!tpu.dma_semaphore, #tpu.memory_space<semaphore_mem>>)
    %dma_wait3A_199 = arith.constant 1 : i32
    %dma_wait3A_200 = tpu.memref_slice %arg2[%add3A_108] : memref<8388608xf32, #tpu.memory_space<hbm>> -> memref<16384xf32, #tpu.memory_space<hbm>>
    %dma_wait3A_201 = tpu.memref_slice %arg11[%dma_wait3A_199] : memref<3x!tpu.dma_semaphore, #tpu.memory_space<semaphore_mem>> -> memref<1x!tpu.dma_semaphore, #tpu.memory_space<semaphore_mem>>
    %dma_wait3A_202 = tpu.memref_squeeze %dma_wait3A_201 : memref<1x!tpu.dma_semaphore, #tpu.memory_space<semaphore_mem>> -> memref<!tpu.dma_semaphore, #tpu.memory_space<semaphore_mem>>
    %dma_wait3A_203 = tpu.memref_slice %arg2[%add3A_108] : memref<8388608xf32, #tpu.memory_space<hbm>> -> memref<16384xf32, #tpu.memory_space<hbm>>
    tpu.wait_dma2 semaphore(%dma_wait3A_202 : memref<!tpu.dma_semaphore, #tpu.memory_space<semaphore_mem>>) src(%dma_wait3A_203 : memref<16384xf32, #tpu.memory_space<hbm>>) dst(%arg6 : memref<16384xf32, #tpu.memory_space<vmem>>)
    %dma_wait3A_204 = arith.constant 1 : i32
    %dma_wait3A_205 = tpu.memref_slice %arg3[%add3A_110] : memref<2097152xf32, #tpu.memory_space<hbm>> -> memref<16384xf32, #tpu.memory_space<hbm>>
    %dma_wait3A_206 = tpu.memref_slice %arg12[%dma_wait3A_204] : memref<3x!tpu.dma_semaphore, #tpu.memory_space<semaphore_mem>> -> memref<1x!tpu.dma_semaphore, #tpu.memory_space<semaphore_mem>>
    %dma_wait3A_207 = tpu.memref_squeeze %dma_wait3A_206 : memref<1x!tpu.dma_semaphore, #tpu.memory_space<semaphore_mem>> -> memref<!tpu.dma_semaphore, #tpu.memory_space<semaphore_mem>>
    %dma_wait3A_208 = tpu.memref_slice %arg3[%add3A_110] : memref<2097152xf32, #tpu.memory_space<hbm>> -> memref<16384xf32, #tpu.memory_space<hbm>>
    tpu.wait_dma2 semaphore(%dma_wait3A_207 : memref<!tpu.dma_semaphore, #tpu.memory_space<semaphore_mem>>) src(%dma_wait3A_208 : memref<16384xf32, #tpu.memory_space<hbm>>) dst(%arg9 : memref<16384xf32, #tpu.memory_space<vmem>>)
    %parallel_loop3A_209 = arith.constant 0 : i32
    %parallel_loop3A_210 = arith.constant 16384 : i32
    %parallel_loop3A_211 = arith.constant 16 : i32
    scf.for %parallel_loop3A_625 = %parallel_loop3A_209 to %parallel_loop3A_210 step %parallel_loop3A_211  : i32 {
      %parallel_loop3A_626 = arith.index_cast %parallel_loop3A_625 : i32 to index
      %parallel_loop3A_627 = tpu.vector_load %arg6[%parallel_loop3A_626] {strides = array<i32>} : memref<16384xf32, #tpu.memory_space<vmem>>, vector<16xf32>,
      %parallel_loop3A_628 = vector.shape_cast %parallel_loop3A_627 : vector<16xf32> to vector<16xf32>
      %parallel_loop3A_629 = arith.index_cast %parallel_loop3A_625 : i32 to index
      %parallel_loop3A_630 = tpu.vector_load %arg9[%parallel_loop3A_629] {strides = array<i32>} : memref<16384xf32, #tpu.memory_space<vmem>>, vector<16xf32>,
      %parallel_loop3A_631 = vector.shape_cast %parallel_loop3A_630 : vector<16xf32> to vector<16xf32>
      %parallel_loop3A_632 = arith.addf %parallel_loop3A_628, %parallel_loop3A_631 : vector<16xf32>
      %parallel_loop3A_633 = arith.index_cast %parallel_loop3A_625 : i32 to index
      %parallel_loop3A_634 = tpu.vector_load %arg6[%parallel_loop3A_633] {strides = array<i32>} : memref<16384xf32, #tpu.memory_space<vmem>>, vector<16xf32>,
      %parallel_loop3A_635 = vector.shape_cast %parallel_loop3A_634 : vector<16xf32> to vector<16xf32>
      %parallel_loop3A_636 = vector.shape_cast %parallel_loop3A_632 : vector<16xf32> to vector<16xf32>
      tpu.vector_store %arg6[%parallel_loop3A_633], %parallel_loop3A_636 {strides = array<i32>} : memref<16384xf32, #tpu.memory_space<vmem>>, vector<16xf32>,
    } {sc.loop_unroll_factor = 16 : i64, sc.parallel_access}
    %add3A_212 = arith.constant 65536 : i32
    %add3A_213 = arith.addi %mul3A_2, %add3A_212 : i32
    %dma_start3A_214 = arith.constant 1 : i32
    %dma_start3A_215 = tpu.memref_slice %arg4[%add3A_213] : memref<8388608xf32, #tpu.memory_space<hbm>> -> memref<16384xf32, #tpu.memory_space<hbm>>
    %dma_start3A_216 = tpu.memref_slice %arg13[%dma_start3A_214] : memref<3x!tpu.dma_semaphore, #tpu.memory_space<semaphore_mem>> -> memref<1x!tpu.dma_semaphore, #tpu.memory_space<semaphore_mem>>
    %dma_start3A_217 = tpu.memref_squeeze %dma_start3A_216 : memref<1x!tpu.dma_semaphore, #tpu.memory_space<semaphore_mem>> -> memref<!tpu.dma_semaphore, #tpu.memory_space<semaphore_mem>>
    %dma_start3A_218 = tpu.memref_slice %arg4[%add3A_213] : memref<8388608xf32, #tpu.memory_space<hbm>> -> memref<16384xf32, #tpu.memory_space<hbm>>
    tpu.enqueue_dma source(%arg6 : memref<16384xf32, #tpu.memory_space<vmem>>) target(%dma_start3A_218 : memref<16384xf32, #tpu.memory_space<hbm>>) target_semaphore(%dma_start3A_217 : memref<!tpu.dma_semaphore, #tpu.memory_space<semaphore_mem>>)
    %dma_wait3A_219 = arith.constant 1 : i32
    %dma_wait3A_220 = tpu.memref_slice %arg4[%add3A_213] : memref<8388608xf32, #tpu.memory_space<hbm>> -> memref<16384xf32, #tpu.memory_space<hbm>>
    %dma_wait3A_221 = tpu.memref_slice %arg13[%dma_wait3A_219] : memref<3x!tpu.dma_semaphore, #tpu.memory_space<semaphore_mem>> -> memref<1x!tpu.dma_semaphore, #tpu.memory_space<semaphore_mem>>
    %dma_wait3A_222 = tpu.memref_squeeze %dma_wait3A_221 : memref<1x!tpu.dma_semaphore, #tpu.memory_space<semaphore_mem>> -> memref<!tpu.dma_semaphore, #tpu.memory_space<semaphore_mem>>
    %dma_wait3A_223 = tpu.memref_slice %arg4[%add3A_213] : memref<8388608xf32, #tpu.memory_space<hbm>> -> memref<16384xf32, #tpu.memory_space<hbm>>
    tpu.wait_dma2 semaphore(%dma_wait3A_222 : memref<!tpu.dma_semaphore, #tpu.memory_space<semaphore_mem>>) src(%arg6 : memref<16384xf32, #tpu.memory_space<vmem>>) dst(%dma_wait3A_223 : memref<16384xf32, #tpu.memory_space<hbm>>)
    %add3A_224 = arith.constant 114688 : i32
    %add3A_225 = arith.addi %mul3A_2, %add3A_224 : i32
    %add3A_226 = arith.constant 114688 : i32
    %add3A_227 = arith.addi %rem3A_3, %add3A_226 : i32
    %dma_start3A_228 = arith.constant 1 : i32
    %dma_start3A_229 = tpu.memref_slice %arg2[%add3A_225] : memref<8388608xf32, #tpu.memory_space<hbm>> -> memref<16384xf32, #tpu.memory_space<hbm>>
    %dma_start3A_230 = tpu.memref_slice %arg11[%dma_start3A_228] : memref<3x!tpu.dma_semaphore, #tpu.memory_space<semaphore_mem>> -> memref<1x!tpu.dma_semaphore, #tpu.memory_space<semaphore_mem>>
    %dma_start3A_231 = tpu.memref_squeeze %dma_start3A_230 : memref<1x!tpu.dma_semaphore, #tpu.memory_space<semaphore_mem>> -> memref<!tpu.dma_semaphore, #tpu.memory_space<semaphore_mem>>
    %dma_start3A_232 = tpu.memref_slice %arg2[%add3A_225] : memref<8388608xf32, #tpu.memory_space<hbm>> -> memref<16384xf32, #tpu.memory_space<hbm>>
    tpu.enqueue_dma source(%dma_start3A_232 : memref<16384xf32, #tpu.memory_space<hbm>>) target(%arg6 : memref<16384xf32, #tpu.memory_space<vmem>>) target_semaphore(%dma_start3A_231 : memref<!tpu.dma_semaphore, #tpu.memory_space<semaphore_mem>>)
    %dma_start3A_233 = arith.constant 1 : i32
    %dma_start3A_234 = tpu.memref_slice %arg3[%add3A_227] : memref<2097152xf32, #tpu.memory_space<hbm>> -> memref<16384xf32, #tpu.memory_space<hbm>>
    %dma_start3A_235 = tpu.memref_slice %arg12[%dma_start3A_233] : memref<3x!tpu.dma_semaphore, #tpu.memory_space<semaphore_mem>> -> memref<1x!tpu.dma_semaphore, #tpu.memory_space<semaphore_mem>>
    %dma_start3A_236 = tpu.memref_squeeze %dma_start3A_235 : memref<1x!tpu.dma_semaphore, #tpu.memory_space<semaphore_mem>> -> memref<!tpu.dma_semaphore, #tpu.memory_space<semaphore_mem>>
    %dma_start3A_237 = tpu.memref_slice %arg3[%add3A_227] : memref<2097152xf32, #tpu.memory_space<hbm>> -> memref<16384xf32, #tpu.memory_space<hbm>>
    tpu.enqueue_dma source(%dma_start3A_237 : memref<16384xf32, #tpu.memory_space<hbm>>) target(%arg9 : memref<16384xf32, #tpu.memory_space<vmem>>) target_semaphore(%dma_start3A_236 : memref<!tpu.dma_semaphore, #tpu.memory_space<semaphore_mem>>)
    %dma_wait3A_238 = arith.constant 2 : i32
    %dma_wait3A_239 = tpu.memref_slice %arg2[%add3A_147] : memref<8388608xf32, #tpu.memory_space<hbm>> -> memref<16384xf32, #tpu.memory_space<hbm>>
    %dma_wait3A_240 = tpu.memref_slice %arg11[%dma_wait3A_238] : memref<3x!tpu.dma_semaphore, #tpu.memory_space<semaphore_mem>> -> memref<1x!tpu.dma_semaphore, #tpu.memory_space<semaphore_mem>>
    %dma_wait3A_241 = tpu.memref_squeeze %dma_wait3A_240 : memref<1x!tpu.dma_semaphore, #tpu.memory_space<semaphore_mem>> -> memref<!tpu.dma_semaphore, #tpu.memory_space<semaphore_mem>>
    %dma_wait3A_242 = tpu.memref_slice %arg2[%add3A_147] : memref<8388608xf32, #tpu.memory_space<hbm>> -> memref<16384xf32, #tpu.memory_space<hbm>>
    tpu.wait_dma2 semaphore(%dma_wait3A_241 : memref<!tpu.dma_semaphore, #tpu.memory_space<semaphore_mem>>) src(%dma_wait3A_242 : memref<16384xf32, #tpu.memory_space<hbm>>) dst(%arg7 : memref<16384xf32, #tpu.memory_space<vmem>>)
    %dma_wait3A_243 = arith.constant 2 : i32
    %dma_wait3A_244 = tpu.memref_slice %arg3[%add3A_149] : memref<2097152xf32, #tpu.memory_space<hbm>> -> memref<16384xf32, #tpu.memory_space<hbm>>
    %dma_wait3A_245 = tpu.memref_slice %arg12[%dma_wait3A_243] : memref<3x!tpu.dma_semaphore, #tpu.memory_space<semaphore_mem>> -> memref<1x!tpu.dma_semaphore, #tpu.memory_space<semaphore_mem>>
    %dma_wait3A_246 = tpu.memref_squeeze %dma_wait3A_245 : memref<1x!tpu.dma_semaphore, #tpu.memory_space<semaphore_mem>> -> memref<!tpu.dma_semaphore, #tpu.memory_space<semaphore_mem>>
    %dma_wait3A_247 = tpu.memref_slice %arg3[%add3A_149] : memref<2097152xf32, #tpu.memory_space<hbm>> -> memref<16384xf32, #tpu.memory_space<hbm>>
    tpu.wait_dma2 semaphore(%dma_wait3A_246 : memref<!tpu.dma_semaphore, #tpu.memory_space<semaphore_mem>>) src(%dma_wait3A_247 : memref<16384xf32, #tpu.memory_space<hbm>>) dst(%arg10 : memref<16384xf32, #tpu.memory_space<vmem>>)
    %parallel_loop3A_248 = arith.constant 0 : i32
    %parallel_loop3A_249 = arith.constant 16384 : i32
    %parallel_loop3A_250 = arith.constant 16 : i32
    scf.for %parallel_loop3A_625 = %parallel_loop3A_248 to %parallel_loop3A_249 step %parallel_loop3A_250  : i32 {
      %parallel_loop3A_626 = arith.index_cast %parallel_loop3A_625 : i32 to index
      %parallel_loop3A_627 = tpu.vector_load %arg7[%parallel_loop3A_626] {strides = array<i32>} : memref<16384xf32, #tpu.memory_space<vmem>>, vector<16xf32>,
      %parallel_loop3A_628 = vector.shape_cast %parallel_loop3A_627 : vector<16xf32> to vector<16xf32>
      %parallel_loop3A_629 = arith.index_cast %parallel_loop3A_625 : i32 to index
      %parallel_loop3A_630 = tpu.vector_load %arg10[%parallel_loop3A_629] {strides = array<i32>} : memref<16384xf32, #tpu.memory_space<vmem>>, vector<16xf32>,
      %parallel_loop3A_631 = vector.shape_cast %parallel_loop3A_630 : vector<16xf32> to vector<16xf32>
      %parallel_loop3A_632 = arith.addf %parallel_loop3A_628, %parallel_loop3A_631 : vector<16xf32>
      %parallel_loop3A_633 = arith.index_cast %parallel_loop3A_625 : i32 to index
      %parallel_loop3A_634 = tpu.vector_load %arg7[%parallel_loop3A_633] {strides = array<i32>} : memref<16384xf32, #tpu.memory_space<vmem>>, vector<16xf32>,
      %parallel_loop3A_635 = vector.shape_cast %parallel_loop3A_634 : vector<16xf32> to vector<16xf32>
      %parallel_loop3A_636 = vector.shape_cast %parallel_loop3A_632 : vector<16xf32> to vector<16xf32>
      tpu.vector_store %arg7[%parallel_loop3A_633], %parallel_loop3A_636 {strides = array<i32>} : memref<16384xf32, #tpu.memory_space<vmem>>, vector<16xf32>,
    } {sc.loop_unroll_factor = 16 : i64, sc.parallel_access}
    %add3A_251 = arith.constant 81920 : i32
    %add3A_252 = arith.addi %mul3A_2, %add3A_251 : i32
    %dma_start3A_253 = arith.constant 2 : i32
    %dma_start3A_254 = tpu.memref_slice %arg4[%add3A_252] : memref<8388608xf32, #tpu.memory_space<hbm>> -> memref<16384xf32, #tpu.memory_space<hbm>>
    %dma_start3A_255 = tpu.memref_slice %arg13[%dma_start3A_253] : memref<3x!tpu.dma_semaphore, #tpu.memory_space<semaphore_mem>> -> memref<1x!tpu.dma_semaphore, #tpu.memory_space<semaphore_mem>>
    %dma_start3A_256 = tpu.memref_squeeze %dma_start3A_255 : memref<1x!tpu.dma_semaphore, #tpu.memory_space<semaphore_mem>> -> memref<!tpu.dma_semaphore, #tpu.memory_space<semaphore_mem>>
    %dma_start3A_257 = tpu.memref_slice %arg4[%add3A_252] : memref<8388608xf32, #tpu.memory_space<hbm>> -> memref<16384xf32, #tpu.memory_space<hbm>>
    tpu.enqueue_dma source(%arg7 : memref<16384xf32, #tpu.memory_space<vmem>>) target(%dma_start3A_257 : memref<16384xf32, #tpu.memory_space<hbm>>) target_semaphore(%dma_start3A_256 : memref<!tpu.dma_semaphore, #tpu.memory_space<semaphore_mem>>)
    %dma_wait3A_258 = arith.constant 2 : i32
    %dma_wait3A_259 = tpu.memref_slice %arg4[%add3A_252] : memref<8388608xf32, #tpu.memory_space<hbm>> -> memref<16384xf32, #tpu.memory_space<hbm>>
    %dma_wait3A_260 = tpu.memref_slice %arg13[%dma_wait3A_258] : memref<3x!tpu.dma_semaphore, #tpu.memory_space<semaphore_mem>> -> memref<1x!tpu.dma_semaphore, #tpu.memory_space<semaphore_mem>>
    %dma_wait3A_261 = tpu.memref_squeeze %dma_wait3A_260 : memref<1x!tpu.dma_semaphore, #tpu.memory_space<semaphore_mem>> -> memref<!tpu.dma_semaphore, #tpu.memory_space<semaphore_mem>>
    %dma_wait3A_262 = tpu.memref_slice %arg4[%add3A_252] : memref<8388608xf32, #tpu.memory_space<hbm>> -> memref<16384xf32, #tpu.memory_space<hbm>>
    tpu.wait_dma2 semaphore(%dma_wait3A_261 : memref<!tpu.dma_semaphore, #tpu.memory_space<semaphore_mem>>) src(%arg7 : memref<16384xf32, #tpu.memory_space<vmem>>) dst(%dma_wait3A_262 : memref<16384xf32, #tpu.memory_space<hbm>>)
    %add3A_263 = arith.constant 131072 : i32
    %add3A_264 = arith.addi %mul3A_2, %add3A_263 : i32
    %add3A_265 = arith.constant 131072 : i32
    %add3A_266 = arith.addi %rem3A_3, %add3A_265 : i32
    %dma_start3A_267 = arith.constant 2 : i32
    %dma_start3A_268 = tpu.memref_slice %arg2[%add3A_264] : memref<8388608xf32, #tpu.memory_space<hbm>> -> memref<16384xf32, #tpu.memory_space<hbm>>
    %dma_start3A_269 = tpu.memref_slice %arg11[%dma_start3A_267] : memref<3x!tpu.dma_semaphore, #tpu.memory_space<semaphore_mem>> -> memref<1x!tpu.dma_semaphore, #tpu.memory_space<semaphore_mem>>
    %dma_start3A_270 = tpu.memref_squeeze %dma_start3A_269 : memref<1x!tpu.dma_semaphore, #tpu.memory_space<semaphore_mem>> -> memref<!tpu.dma_semaphore, #tpu.memory_space<semaphore_mem>>
    %dma_start3A_271 = tpu.memref_slice %arg2[%add3A_264] : memref<8388608xf32, #tpu.memory_space<hbm>> -> memref<16384xf32, #tpu.memory_space<hbm>>
    tpu.enqueue_dma source(%dma_start3A_271 : memref<16384xf32, #tpu.memory_space<hbm>>) target(%arg7 : memref<16384xf32, #tpu.memory_space<vmem>>) target_semaphore(%dma_start3A_270 : memref<!tpu.dma_semaphore, #tpu.memory_space<semaphore_mem>>)
    %dma_start3A_272 = arith.constant 2 : i32
    %dma_start3A_273 = tpu.memref_slice %arg3[%add3A_266] : memref<2097152xf32, #tpu.memory_space<hbm>> -> memref<16384xf32, #tpu.memory_space<hbm>>
    %dma_start3A_274 = tpu.memref_slice %arg12[%dma_start3A_272] : memref<3x!tpu.dma_semaphore, #tpu.memory_space<semaphore_mem>> -> memref<1x!tpu.dma_semaphore, #tpu.memory_space<semaphore_mem>>
    %dma_start3A_275 = tpu.memref_squeeze %dma_start3A_274 : memref<1x!tpu.dma_semaphore, #tpu.memory_space<semaphore_mem>> -> memref<!tpu.dma_semaphore, #tpu.memory_space<semaphore_mem>>
    %dma_start3A_276 = tpu.memref_slice %arg3[%add3A_266] : memref<2097152xf32, #tpu.memory_space<hbm>> -> memref<16384xf32, #tpu.memory_space<hbm>>
    tpu.enqueue_dma source(%dma_start3A_276 : memref<16384xf32, #tpu.memory_space<hbm>>) target(%arg10 : memref<16384xf32, #tpu.memory_space<vmem>>) target_semaphore(%dma_start3A_275 : memref<!tpu.dma_semaphore, #tpu.memory_space<semaphore_mem>>)
    %dma_wait3A_277 = arith.constant 0 : i32
    %dma_wait3A_278 = tpu.memref_slice %arg2[%add3A_186] : memref<8388608xf32, #tpu.memory_space<hbm>> -> memref<16384xf32, #tpu.memory_space<hbm>>
    %dma_wait3A_279 = tpu.memref_slice %arg11[%dma_wait3A_277] : memref<3x!tpu.dma_semaphore, #tpu.memory_space<semaphore_mem>> -> memref<1x!tpu.dma_semaphore, #tpu.memory_space<semaphore_mem>>
    %dma_wait3A_280 = tpu.memref_squeeze %dma_wait3A_279 : memref<1x!tpu.dma_semaphore, #tpu.memory_space<semaphore_mem>> -> memref<!tpu.dma_semaphore, #tpu.memory_space<semaphore_mem>>
    %dma_wait3A_281 = tpu.memref_slice %arg2[%add3A_186] : memref<8388608xf32, #tpu.memory_space<hbm>> -> memref<16384xf32, #tpu.memory_space<hbm>>
    tpu.wait_dma2 semaphore(%dma_wait3A_280 : memref<!tpu.dma_semaphore, #tpu.memory_space<semaphore_mem>>) src(%dma_wait3A_281 : memref<16384xf32, #tpu.memory_space<hbm>>) dst(%arg5 : memref<16384xf32, #tpu.memory_space<vmem>>)
    %dma_wait3A_282 = arith.constant 0 : i32
    %dma_wait3A_283 = tpu.memref_slice %arg3[%add3A_188] : memref<2097152xf32, #tpu.memory_space<hbm>> -> memref<16384xf32, #tpu.memory_space<hbm>>
    %dma_wait3A_284 = tpu.memref_slice %arg12[%dma_wait3A_282] : memref<3x!tpu.dma_semaphore, #tpu.memory_space<semaphore_mem>> -> memref<1x!tpu.dma_semaphore, #tpu.memory_space<semaphore_mem>>
    %dma_wait3A_285 = tpu.memref_squeeze %dma_wait3A_284 : memref<1x!tpu.dma_semaphore, #tpu.memory_space<semaphore_mem>> -> memref<!tpu.dma_semaphore, #tpu.memory_space<semaphore_mem>>
    %dma_wait3A_286 = tpu.memref_slice %arg3[%add3A_188] : memref<2097152xf32, #tpu.memory_space<hbm>> -> memref<16384xf32, #tpu.memory_space<hbm>>
    tpu.wait_dma2 semaphore(%dma_wait3A_285 : memref<!tpu.dma_semaphore, #tpu.memory_space<semaphore_mem>>) src(%dma_wait3A_286 : memref<16384xf32, #tpu.memory_space<hbm>>) dst(%arg8 : memref<16384xf32, #tpu.memory_space<vmem>>)
    %parallel_loop3A_287 = arith.constant 0 : i32
    %parallel_loop3A_288 = arith.constant 16384 : i32
    %parallel_loop3A_289 = arith.constant 16 : i32
    scf.for %parallel_loop3A_625 = %parallel_loop3A_287 to %parallel_loop3A_288 step %parallel_loop3A_289  : i32 {
      %parallel_loop3A_626 = arith.index_cast %parallel_loop3A_625 : i32 to index
      %parallel_loop3A_627 = tpu.vector_load %arg5[%parallel_loop3A_626] {strides = array<i32>} : memref<16384xf32, #tpu.memory_space<vmem>>, vector<16xf32>,
      %parallel_loop3A_628 = vector.shape_cast %parallel_loop3A_627 : vector<16xf32> to vector<16xf32>
      %parallel_loop3A_629 = arith.index_cast %parallel_loop3A_625 : i32 to index
      %parallel_loop3A_630 = tpu.vector_load %arg8[%parallel_loop3A_629] {strides = array<i32>} : memref<16384xf32, #tpu.memory_space<vmem>>, vector<16xf32>,
      %parallel_loop3A_631 = vector.shape_cast %parallel_loop3A_630 : vector<16xf32> to vector<16xf32>
      %parallel_loop3A_632 = arith.addf %parallel_loop3A_628, %parallel_loop3A_631 : vector<16xf32>
      %parallel_loop3A_633 = arith.index_cast %parallel_loop3A_625 : i32 to index
      %parallel_loop3A_634 = tpu.vector_load %arg5[%parallel_loop3A_633] {strides = array<i32>} : memref<16384xf32, #tpu.memory_space<vmem>>, vector<16xf32>,
      %parallel_loop3A_635 = vector.shape_cast %parallel_loop3A_634 : vector<16xf32> to vector<16xf32>
      %parallel_loop3A_636 = vector.shape_cast %parallel_loop3A_632 : vector<16xf32> to vector<16xf32>
      tpu.vector_store %arg5[%parallel_loop3A_633], %parallel_loop3A_636 {strides = array<i32>} : memref<16384xf32, #tpu.memory_space<vmem>>, vector<16xf32>,
    } {sc.loop_unroll_factor = 16 : i64, sc.parallel_access}
    %add3A_290 = arith.constant 98304 : i32
    %add3A_291 = arith.addi %mul3A_2, %add3A_290 : i32
    %dma_start3A_292 = arith.constant 0 : i32
    %dma_start3A_293 = tpu.memref_slice %arg4[%add3A_291] : memref<8388608xf32, #tpu.memory_space<hbm>> -> memref<16384xf32, #tpu.memory_space<hbm>>
    %dma_start3A_294 = tpu.memref_slice %arg13[%dma_start3A_292] : memref<3x!tpu.dma_semaphore, #tpu.memory_space<semaphore_mem>> -> memref<1x!tpu.dma_semaphore, #tpu.memory_space<semaphore_mem>>
    %dma_start3A_295 = tpu.memref_squeeze %dma_start3A_294 : memref<1x!tpu.dma_semaphore, #tpu.memory_space<semaphore_mem>> -> memref<!tpu.dma_semaphore, #tpu.memory_space<semaphore_mem>>
    %dma_start3A_296 = tpu.memref_slice %arg4[%add3A_291] : memref<8388608xf32, #tpu.memory_space<hbm>> -> memref<16384xf32, #tpu.memory_space<hbm>>
    tpu.enqueue_dma source(%arg5 : memref<16384xf32, #tpu.memory_space<vmem>>) target(%dma_start3A_296 : memref<16384xf32, #tpu.memory_space<hbm>>) target_semaphore(%dma_start3A_295 : memref<!tpu.dma_semaphore, #tpu.memory_space<semaphore_mem>>)
    %dma_wait3A_297 = arith.constant 0 : i32
    %dma_wait3A_298 = tpu.memref_slice %arg4[%add3A_291] : memref<8388608xf32, #tpu.memory_space<hbm>> -> memref<16384xf32, #tpu.memory_space<hbm>>
    %dma_wait3A_299 = tpu.memref_slice %arg13[%dma_wait3A_297] : memref<3x!tpu.dma_semaphore, #tpu.memory_space<semaphore_mem>> -> memref<1x!tpu.dma_semaphore, #tpu.memory_space<semaphore_mem>>
    %dma_wait3A_300 = tpu.memref_squeeze %dma_wait3A_299 : memref<1x!tpu.dma_semaphore, #tpu.memory_space<semaphore_mem>> -> memref<!tpu.dma_semaphore, #tpu.memory_space<semaphore_mem>>
    %dma_wait3A_301 = tpu.memref_slice %arg4[%add3A_291] : memref<8388608xf32, #tpu.memory_space<hbm>> -> memref<16384xf32, #tpu.memory_space<hbm>>
    tpu.wait_dma2 semaphore(%dma_wait3A_300 : memref<!tpu.dma_semaphore, #tpu.memory_space<semaphore_mem>>) src(%arg5 : memref<16384xf32, #tpu.memory_space<vmem>>) dst(%dma_wait3A_301 : memref<16384xf32, #tpu.memory_space<hbm>>)
    %add3A_302 = arith.constant 147456 : i32
    %add3A_303 = arith.addi %mul3A_2, %add3A_302 : i32
    %add3A_304 = arith.constant 147456 : i32
    %add3A_305 = arith.addi %rem3A_3, %add3A_304 : i32
    %dma_start3A_306 = arith.constant 0 : i32
    %dma_start3A_307 = tpu.memref_slice %arg2[%add3A_303] : memref<8388608xf32, #tpu.memory_space<hbm>> -> memref<16384xf32, #tpu.memory_space<hbm>>
    %dma_start3A_308 = tpu.memref_slice %arg11[%dma_start3A_306] : memref<3x!tpu.dma_semaphore, #tpu.memory_space<semaphore_mem>> -> memref<1x!tpu.dma_semaphore, #tpu.memory_space<semaphore_mem>>
    %dma_start3A_309 = tpu.memref_squeeze %dma_start3A_308 : memref<1x!tpu.dma_semaphore, #tpu.memory_space<semaphore_mem>> -> memref<!tpu.dma_semaphore, #tpu.memory_space<semaphore_mem>>
    %dma_start3A_310 = tpu.memref_slice %arg2[%add3A_303] : memref<8388608xf32, #tpu.memory_space<hbm>> -> memref<16384xf32, #tpu.memory_space<hbm>>
    tpu.enqueue_dma source(%dma_start3A_310 : memref<16384xf32, #tpu.memory_space<hbm>>) target(%arg5 : memref<16384xf32, #tpu.memory_space<vmem>>) target_semaphore(%dma_start3A_309 : memref<!tpu.dma_semaphore, #tpu.memory_space<semaphore_mem>>)
    %dma_start3A_311 = arith.constant 0 : i32
    %dma_start3A_312 = tpu.memref_slice %arg3[%add3A_305] : memref<2097152xf32, #tpu.memory_space<hbm>> -> memref<16384xf32, #tpu.memory_space<hbm>>
    %dma_start3A_313 = tpu.memref_slice %arg12[%dma_start3A_311] : memref<3x!tpu.dma_semaphore, #tpu.memory_space<semaphore_mem>> -> memref<1x!tpu.dma_semaphore, #tpu.memory_space<semaphore_mem>>
    %dma_start3A_314 = tpu.memref_squeeze %dma_start3A_313 : memref<1x!tpu.dma_semaphore, #tpu.memory_space<semaphore_mem>> -> memref<!tpu.dma_semaphore, #tpu.memory_space<semaphore_mem>>
    %dma_start3A_315 = tpu.memref_slice %arg3[%add3A_305] : memref<2097152xf32, #tpu.memory_space<hbm>> -> memref<16384xf32, #tpu.memory_space<hbm>>
    tpu.enqueue_dma source(%dma_start3A_315 : memref<16384xf32, #tpu.memory_space<hbm>>) target(%arg8 : memref<16384xf32, #tpu.memory_space<vmem>>) target_semaphore(%dma_start3A_314 : memref<!tpu.dma_semaphore, #tpu.memory_space<semaphore_mem>>)
    %dma_wait3A_316 = arith.constant 1 : i32
    %dma_wait3A_317 = tpu.memref_slice %arg2[%add3A_225] : memref<8388608xf32, #tpu.memory_space<hbm>> -> memref<16384xf32, #tpu.memory_space<hbm>>
    %dma_wait3A_318 = tpu.memref_slice %arg11[%dma_wait3A_316] : memref<3x!tpu.dma_semaphore, #tpu.memory_space<semaphore_mem>> -> memref<1x!tpu.dma_semaphore, #tpu.memory_space<semaphore_mem>>
    %dma_wait3A_319 = tpu.memref_squeeze %dma_wait3A_318 : memref<1x!tpu.dma_semaphore, #tpu.memory_space<semaphore_mem>> -> memref<!tpu.dma_semaphore, #tpu.memory_space<semaphore_mem>>
    %dma_wait3A_320 = tpu.memref_slice %arg2[%add3A_225] : memref<8388608xf32, #tpu.memory_space<hbm>> -> memref<16384xf32, #tpu.memory_space<hbm>>
    tpu.wait_dma2 semaphore(%dma_wait3A_319 : memref<!tpu.dma_semaphore, #tpu.memory_space<semaphore_mem>>) src(%dma_wait3A_320 : memref<16384xf32, #tpu.memory_space<hbm>>) dst(%arg6 : memref<16384xf32, #tpu.memory_space<vmem>>)
    %dma_wait3A_321 = arith.constant 1 : i32
    %dma_wait3A_322 = tpu.memref_slice %arg3[%add3A_227] : memref<2097152xf32, #tpu.memory_space<hbm>> -> memref<16384xf32, #tpu.memory_space<hbm>>
    %dma_wait3A_323 = tpu.memref_slice %arg12[%dma_wait3A_321] : memref<3x!tpu.dma_semaphore, #tpu.memory_space<semaphore_mem>> -> memref<1x!tpu.dma_semaphore, #tpu.memory_space<semaphore_mem>>
    %dma_wait3A_324 = tpu.memref_squeeze %dma_wait3A_323 : memref<1x!tpu.dma_semaphore, #tpu.memory_space<semaphore_mem>> -> memref<!tpu.dma_semaphore, #tpu.memory_space<semaphore_mem>>
    %dma_wait3A_325 = tpu.memref_slice %arg3[%add3A_227] : memref<2097152xf32, #tpu.memory_space<hbm>> -> memref<16384xf32, #tpu.memory_space<hbm>>
    tpu.wait_dma2 semaphore(%dma_wait3A_324 : memref<!tpu.dma_semaphore, #tpu.memory_space<semaphore_mem>>) src(%dma_wait3A_325 : memref<16384xf32, #tpu.memory_space<hbm>>) dst(%arg9 : memref<16384xf32, #tpu.memory_space<vmem>>)
    %parallel_loop3A_326 = arith.constant 0 : i32
    %parallel_loop3A_327 = arith.constant 16384 : i32
    %parallel_loop3A_328 = arith.constant 16 : i32
    scf.for %parallel_loop3A_625 = %parallel_loop3A_326 to %parallel_loop3A_327 step %parallel_loop3A_328  : i32 {
      %parallel_loop3A_626 = arith.index_cast %parallel_loop3A_625 : i32 to index
      %parallel_loop3A_627 = tpu.vector_load %arg6[%parallel_loop3A_626] {strides = array<i32>} : memref<16384xf32, #tpu.memory_space<vmem>>, vector<16xf32>,
      %parallel_loop3A_628 = vector.shape_cast %parallel_loop3A_627 : vector<16xf32> to vector<16xf32>
      %parallel_loop3A_629 = arith.index_cast %parallel_loop3A_625 : i32 to index
      %parallel_loop3A_630 = tpu.vector_load %arg9[%parallel_loop3A_629] {strides = array<i32>} : memref<16384xf32, #tpu.memory_space<vmem>>, vector<16xf32>,
      %parallel_loop3A_631 = vector.shape_cast %parallel_loop3A_630 : vector<16xf32> to vector<16xf32>
      %parallel_loop3A_632 = arith.addf %parallel_loop3A_628, %parallel_loop3A_631 : vector<16xf32>
      %parallel_loop3A_633 = arith.index_cast %parallel_loop3A_625 : i32 to index
      %parallel_loop3A_634 = tpu.vector_load %arg6[%parallel_loop3A_633] {strides = array<i32>} : memref<16384xf32, #tpu.memory_space<vmem>>, vector<16xf32>,
      %parallel_loop3A_635 = vector.shape_cast %parallel_loop3A_634 : vector<16xf32> to vector<16xf32>
      %parallel_loop3A_636 = vector.shape_cast %parallel_loop3A_632 : vector<16xf32> to vector<16xf32>
      tpu.vector_store %arg6[%parallel_loop3A_633], %parallel_loop3A_636 {strides = array<i32>} : memref<16384xf32, #tpu.memory_space<vmem>>, vector<16xf32>,
    } {sc.loop_unroll_factor = 16 : i64, sc.parallel_access}
    %add3A_329 = arith.constant 114688 : i32
    %add3A_330 = arith.addi %mul3A_2, %add3A_329 : i32
    %dma_start3A_331 = arith.constant 1 : i32
    %dma_start3A_332 = tpu.memref_slice %arg4[%add3A_330] : memref<8388608xf32, #tpu.memory_space<hbm>> -> memref<16384xf32, #tpu.memory_space<hbm>>
    %dma_start3A_333 = tpu.memref_slice %arg13[%dma_start3A_331] : memref<3x!tpu.dma_semaphore, #tpu.memory_space<semaphore_mem>> -> memref<1x!tpu.dma_semaphore, #tpu.memory_space<semaphore_mem>>
    %dma_start3A_334 = tpu.memref_squeeze %dma_start3A_333 : memref<1x!tpu.dma_semaphore, #tpu.memory_space<semaphore_mem>> -> memref<!tpu.dma_semaphore, #tpu.memory_space<semaphore_mem>>
    %dma_start3A_335 = tpu.memref_slice %arg4[%add3A_330] : memref<8388608xf32, #tpu.memory_space<hbm>> -> memref<16384xf32, #tpu.memory_space<hbm>>
    tpu.enqueue_dma source(%arg6 : memref<16384xf32, #tpu.memory_space<vmem>>) target(%dma_start3A_335 : memref<16384xf32, #tpu.memory_space<hbm>>) target_semaphore(%dma_start3A_334 : memref<!tpu.dma_semaphore, #tpu.memory_space<semaphore_mem>>)
    %dma_wait3A_336 = arith.constant 1 : i32
    %dma_wait3A_337 = tpu.memref_slice %arg4[%add3A_330] : memref<8388608xf32, #tpu.memory_space<hbm>> -> memref<16384xf32, #tpu.memory_space<hbm>>
    %dma_wait3A_338 = tpu.memref_slice %arg13[%dma_wait3A_336] : memref<3x!tpu.dma_semaphore, #tpu.memory_space<semaphore_mem>> -> memref<1x!tpu.dma_semaphore, #tpu.memory_space<semaphore_mem>>
    %dma_wait3A_339 = tpu.memref_squeeze %dma_wait3A_338 : memref<1x!tpu.dma_semaphore, #tpu.memory_space<semaphore_mem>> -> memref<!tpu.dma_semaphore, #tpu.memory_space<semaphore_mem>>
    %dma_wait3A_340 = tpu.memref_slice %arg4[%add3A_330] : memref<8388608xf32, #tpu.memory_space<hbm>> -> memref<16384xf32, #tpu.memory_space<hbm>>
    tpu.wait_dma2 semaphore(%dma_wait3A_339 : memref<!tpu.dma_semaphore, #tpu.memory_space<semaphore_mem>>) src(%arg6 : memref<16384xf32, #tpu.memory_space<vmem>>) dst(%dma_wait3A_340 : memref<16384xf32, #tpu.memory_space<hbm>>)
    %add3A_341 = arith.constant 163840 : i32
    %add3A_342 = arith.addi %mul3A_2, %add3A_341 : i32
    %add3A_343 = arith.constant 163840 : i32
    %add3A_344 = arith.addi %rem3A_3, %add3A_343 : i32
    %dma_start3A_345 = arith.constant 1 : i32
    %dma_start3A_346 = tpu.memref_slice %arg2[%add3A_342] : memref<8388608xf32, #tpu.memory_space<hbm>> -> memref<16384xf32, #tpu.memory_space<hbm>>
    %dma_start3A_347 = tpu.memref_slice %arg11[%dma_start3A_345] : memref<3x!tpu.dma_semaphore, #tpu.memory_space<semaphore_mem>> -> memref<1x!tpu.dma_semaphore, #tpu.memory_space<semaphore_mem>>
    %dma_start3A_348 = tpu.memref_squeeze %dma_start3A_347 : memref<1x!tpu.dma_semaphore, #tpu.memory_space<semaphore_mem>> -> memref<!tpu.dma_semaphore, #tpu.memory_space<semaphore_mem>>
    %dma_start3A_349 = tpu.memref_slice %arg2[%add3A_342] : memref<8388608xf32, #tpu.memory_space<hbm>> -> memref<16384xf32, #tpu.memory_space<hbm>>
    tpu.enqueue_dma source(%dma_start3A_349 : memref<16384xf32, #tpu.memory_space<hbm>>) target(%arg6 : memref<16384xf32, #tpu.memory_space<vmem>>) target_semaphore(%dma_start3A_348 : memref<!tpu.dma_semaphore, #tpu.memory_space<semaphore_mem>>)
    %dma_start3A_350 = arith.constant 1 : i32
    %dma_start3A_351 = tpu.memref_slice %arg3[%add3A_344] : memref<2097152xf32, #tpu.memory_space<hbm>> -> memref<16384xf32, #tpu.memory_space<hbm>>
    %dma_start3A_352 = tpu.memref_slice %arg12[%dma_start3A_350] : memref<3x!tpu.dma_semaphore, #tpu.memory_space<semaphore_mem>> -> memref<1x!tpu.dma_semaphore, #tpu.memory_space<semaphore_mem>>
    %dma_start3A_353 = tpu.memref_squeeze %dma_start3A_352 : memref<1x!tpu.dma_semaphore, #tpu.memory_space<semaphore_mem>> -> memref<!tpu.dma_semaphore, #tpu.memory_space<semaphore_mem>>
    %dma_start3A_354 = tpu.memref_slice %arg3[%add3A_344] : memref<2097152xf32, #tpu.memory_space<hbm>> -> memref<16384xf32, #tpu.memory_space<hbm>>
    tpu.enqueue_dma source(%dma_start3A_354 : memref<16384xf32, #tpu.memory_space<hbm>>) target(%arg9 : memref<16384xf32, #tpu.memory_space<vmem>>) target_semaphore(%dma_start3A_353 : memref<!tpu.dma_semaphore, #tpu.memory_space<semaphore_mem>>)
    %dma_wait3A_355 = arith.constant 2 : i32
    %dma_wait3A_356 = tpu.memref_slice %arg2[%add3A_264] : memref<8388608xf32, #tpu.memory_space<hbm>> -> memref<16384xf32, #tpu.memory_space<hbm>>
    %dma_wait3A_357 = tpu.memref_slice %arg11[%dma_wait3A_355] : memref<3x!tpu.dma_semaphore, #tpu.memory_space<semaphore_mem>> -> memref<1x!tpu.dma_semaphore, #tpu.memory_space<semaphore_mem>>
    %dma_wait3A_358 = tpu.memref_squeeze %dma_wait3A_357 : memref<1x!tpu.dma_semaphore, #tpu.memory_space<semaphore_mem>> -> memref<!tpu.dma_semaphore, #tpu.memory_space<semaphore_mem>>
    %dma_wait3A_359 = tpu.memref_slice %arg2[%add3A_264] : memref<8388608xf32, #tpu.memory_space<hbm>> -> memref<16384xf32, #tpu.memory_space<hbm>>
    tpu.wait_dma2 semaphore(%dma_wait3A_358 : memref<!tpu.dma_semaphore, #tpu.memory_space<semaphore_mem>>) src(%dma_wait3A_359 : memref<16384xf32, #tpu.memory_space<hbm>>) dst(%arg7 : memref<16384xf32, #tpu.memory_space<vmem>>)
    %dma_wait3A_360 = arith.constant 2 : i32
    %dma_wait3A_361 = tpu.memref_slice %arg3[%add3A_266] : memref<2097152xf32, #tpu.memory_space<hbm>> -> memref<16384xf32, #tpu.memory_space<hbm>>
    %dma_wait3A_362 = tpu.memref_slice %arg12[%dma_wait3A_360] : memref<3x!tpu.dma_semaphore, #tpu.memory_space<semaphore_mem>> -> memref<1x!tpu.dma_semaphore, #tpu.memory_space<semaphore_mem>>
    %dma_wait3A_363 = tpu.memref_squeeze %dma_wait3A_362 : memref<1x!tpu.dma_semaphore, #tpu.memory_space<semaphore_mem>> -> memref<!tpu.dma_semaphore, #tpu.memory_space<semaphore_mem>>
    %dma_wait3A_364 = tpu.memref_slice %arg3[%add3A_266] : memref<2097152xf32, #tpu.memory_space<hbm>> -> memref<16384xf32, #tpu.memory_space<hbm>>
    tpu.wait_dma2 semaphore(%dma_wait3A_363 : memref<!tpu.dma_semaphore, #tpu.memory_space<semaphore_mem>>) src(%dma_wait3A_364 : memref<16384xf32, #tpu.memory_space<hbm>>) dst(%arg10 : memref<16384xf32, #tpu.memory_space<vmem>>)
    %parallel_loop3A_365 = arith.constant 0 : i32
    %parallel_loop3A_366 = arith.constant 16384 : i32
    %parallel_loop3A_367 = arith.constant 16 : i32
    scf.for %parallel_loop3A_625 = %parallel_loop3A_365 to %parallel_loop3A_366 step %parallel_loop3A_367  : i32 {
      %parallel_loop3A_626 = arith.index_cast %parallel_loop3A_625 : i32 to index
      %parallel_loop3A_627 = tpu.vector_load %arg7[%parallel_loop3A_626] {strides = array<i32>} : memref<16384xf32, #tpu.memory_space<vmem>>, vector<16xf32>,
      %parallel_loop3A_628 = vector.shape_cast %parallel_loop3A_627 : vector<16xf32> to vector<16xf32>
      %parallel_loop3A_629 = arith.index_cast %parallel_loop3A_625 : i32 to index
      %parallel_loop3A_630 = tpu.vector_load %arg10[%parallel_loop3A_629] {strides = array<i32>} : memref<16384xf32, #tpu.memory_space<vmem>>, vector<16xf32>,
      %parallel_loop3A_631 = vector.shape_cast %parallel_loop3A_630 : vector<16xf32> to vector<16xf32>
      %parallel_loop3A_632 = arith.addf %parallel_loop3A_628, %parallel_loop3A_631 : vector<16xf32>
      %parallel_loop3A_633 = arith.index_cast %parallel_loop3A_625 : i32 to index
      %parallel_loop3A_634 = tpu.vector_load %arg7[%parallel_loop3A_633] {strides = array<i32>} : memref<16384xf32, #tpu.memory_space<vmem>>, vector<16xf32>,
      %parallel_loop3A_635 = vector.shape_cast %parallel_loop3A_634 : vector<16xf32> to vector<16xf32>
      %parallel_loop3A_636 = vector.shape_cast %parallel_loop3A_632 : vector<16xf32> to vector<16xf32>
      tpu.vector_store %arg7[%parallel_loop3A_633], %parallel_loop3A_636 {strides = array<i32>} : memref<16384xf32, #tpu.memory_space<vmem>>, vector<16xf32>,
    } {sc.loop_unroll_factor = 16 : i64, sc.parallel_access}
    %add3A_368 = arith.constant 131072 : i32
    %add3A_369 = arith.addi %mul3A_2, %add3A_368 : i32
    %dma_start3A_370 = arith.constant 2 : i32
    %dma_start3A_371 = tpu.memref_slice %arg4[%add3A_369] : memref<8388608xf32, #tpu.memory_space<hbm>> -> memref<16384xf32, #tpu.memory_space<hbm>>
    %dma_start3A_372 = tpu.memref_slice %arg13[%dma_start3A_370] : memref<3x!tpu.dma_semaphore, #tpu.memory_space<semaphore_mem>> -> memref<1x!tpu.dma_semaphore, #tpu.memory_space<semaphore_mem>>
    %dma_start3A_373 = tpu.memref_squeeze %dma_start3A_372 : memref<1x!tpu.dma_semaphore, #tpu.memory_space<semaphore_mem>> -> memref<!tpu.dma_semaphore, #tpu.memory_space<semaphore_mem>>
    %dma_start3A_374 = tpu.memref_slice %arg4[%add3A_369] : memref<8388608xf32, #tpu.memory_space<hbm>> -> memref<16384xf32, #tpu.memory_space<hbm>>
    tpu.enqueue_dma source(%arg7 : memref<16384xf32, #tpu.memory_space<vmem>>) target(%dma_start3A_374 : memref<16384xf32, #tpu.memory_space<hbm>>) target_semaphore(%dma_start3A_373 : memref<!tpu.dma_semaphore, #tpu.memory_space<semaphore_mem>>)
    %dma_wait3A_375 = arith.constant 2 : i32
    %dma_wait3A_376 = tpu.memref_slice %arg4[%add3A_369] : memref<8388608xf32, #tpu.memory_space<hbm>> -> memref<16384xf32, #tpu.memory_space<hbm>>
    %dma_wait3A_377 = tpu.memref_slice %arg13[%dma_wait3A_375] : memref<3x!tpu.dma_semaphore, #tpu.memory_space<semaphore_mem>> -> memref<1x!tpu.dma_semaphore, #tpu.memory_space<semaphore_mem>>
    %dma_wait3A_378 = tpu.memref_squeeze %dma_wait3A_377 : memref<1x!tpu.dma_semaphore, #tpu.memory_space<semaphore_mem>> -> memref<!tpu.dma_semaphore, #tpu.memory_space<semaphore_mem>>
    %dma_wait3A_379 = tpu.memref_slice %arg4[%add3A_369] : memref<8388608xf32, #tpu.memory_space<hbm>> -> memref<16384xf32, #tpu.memory_space<hbm>>
    tpu.wait_dma2 semaphore(%dma_wait3A_378 : memref<!tpu.dma_semaphore, #tpu.memory_space<semaphore_mem>>) src(%arg7 : memref<16384xf32, #tpu.memory_space<vmem>>) dst(%dma_wait3A_379 : memref<16384xf32, #tpu.memory_space<hbm>>)
    %add3A_380 = arith.constant 180224 : i32
    %add3A_381 = arith.addi %mul3A_2, %add3A_380 : i32
    %add3A_382 = arith.constant 180224 : i32
    %add3A_383 = arith.addi %rem3A_3, %add3A_382 : i32
    %dma_start3A_384 = arith.constant 2 : i32
    %dma_start3A_385 = tpu.memref_slice %arg2[%add3A_381] : memref<8388608xf32, #tpu.memory_space<hbm>> -> memref<16384xf32, #tpu.memory_space<hbm>>
    %dma_start3A_386 = tpu.memref_slice %arg11[%dma_start3A_384] : memref<3x!tpu.dma_semaphore, #tpu.memory_space<semaphore_mem>> -> memref<1x!tpu.dma_semaphore, #tpu.memory_space<semaphore_mem>>
    %dma_start3A_387 = tpu.memref_squeeze %dma_start3A_386 : memref<1x!tpu.dma_semaphore, #tpu.memory_space<semaphore_mem>> -> memref<!tpu.dma_semaphore, #tpu.memory_space<semaphore_mem>>
    %dma_start3A_388 = tpu.memref_slice %arg2[%add3A_381] : memref<8388608xf32, #tpu.memory_space<hbm>> -> memref<16384xf32, #tpu.memory_space<hbm>>
    tpu.enqueue_dma source(%dma_start3A_388 : memref<16384xf32, #tpu.memory_space<hbm>>) target(%arg7 : memref<16384xf32, #tpu.memory_space<vmem>>) target_semaphore(%dma_start3A_387 : memref<!tpu.dma_semaphore, #tpu.memory_space<semaphore_mem>>)
    %dma_start3A_389 = arith.constant 2 : i32
    %dma_start3A_390 = tpu.memref_slice %arg3[%add3A_383] : memref<2097152xf32, #tpu.memory_space<hbm>> -> memref<16384xf32, #tpu.memory_space<hbm>>
    %dma_start3A_391 = tpu.memref_slice %arg12[%dma_start3A_389] : memref<3x!tpu.dma_semaphore, #tpu.memory_space<semaphore_mem>> -> memref<1x!tpu.dma_semaphore, #tpu.memory_space<semaphore_mem>>
    %dma_start3A_392 = tpu.memref_squeeze %dma_start3A_391 : memref<1x!tpu.dma_semaphore, #tpu.memory_space<semaphore_mem>> -> memref<!tpu.dma_semaphore, #tpu.memory_space<semaphore_mem>>
    %dma_start3A_393 = tpu.memref_slice %arg3[%add3A_383] : memref<2097152xf32, #tpu.memory_space<hbm>> -> memref<16384xf32, #tpu.memory_space<hbm>>
    tpu.enqueue_dma source(%dma_start3A_393 : memref<16384xf32, #tpu.memory_space<hbm>>) target(%arg10 : memref<16384xf32, #tpu.memory_space<vmem>>) target_semaphore(%dma_start3A_392 : memref<!tpu.dma_semaphore, #tpu.memory_space<semaphore_mem>>)
    %dma_wait3A_394 = arith.constant 0 : i32
    %dma_wait3A_395 = tpu.memref_slice %arg2[%add3A_303] : memref<8388608xf32, #tpu.memory_space<hbm>> -> memref<16384xf32, #tpu.memory_space<hbm>>
    %dma_wait3A_396 = tpu.memref_slice %arg11[%dma_wait3A_394] : memref<3x!tpu.dma_semaphore, #tpu.memory_space<semaphore_mem>> -> memref<1x!tpu.dma_semaphore, #tpu.memory_space<semaphore_mem>>
    %dma_wait3A_397 = tpu.memref_squeeze %dma_wait3A_396 : memref<1x!tpu.dma_semaphore, #tpu.memory_space<semaphore_mem>> -> memref<!tpu.dma_semaphore, #tpu.memory_space<semaphore_mem>>
    %dma_wait3A_398 = tpu.memref_slice %arg2[%add3A_303] : memref<8388608xf32, #tpu.memory_space<hbm>> -> memref<16384xf32, #tpu.memory_space<hbm>>
    tpu.wait_dma2 semaphore(%dma_wait3A_397 : memref<!tpu.dma_semaphore, #tpu.memory_space<semaphore_mem>>) src(%dma_wait3A_398 : memref<16384xf32, #tpu.memory_space<hbm>>) dst(%arg5 : memref<16384xf32, #tpu.memory_space<vmem>>)
    %dma_wait3A_399 = arith.constant 0 : i32
    %dma_wait3A_400 = tpu.memref_slice %arg3[%add3A_305] : memref<2097152xf32, #tpu.memory_space<hbm>> -> memref<16384xf32, #tpu.memory_space<hbm>>
    %dma_wait3A_401 = tpu.memref_slice %arg12[%dma_wait3A_399] : memref<3x!tpu.dma_semaphore, #tpu.memory_space<semaphore_mem>> -> memref<1x!tpu.dma_semaphore, #tpu.memory_space<semaphore_mem>>
    %dma_wait3A_402 = tpu.memref_squeeze %dma_wait3A_401 : memref<1x!tpu.dma_semaphore, #tpu.memory_space<semaphore_mem>> -> memref<!tpu.dma_semaphore, #tpu.memory_space<semaphore_mem>>
    %dma_wait3A_403 = tpu.memref_slice %arg3[%add3A_305] : memref<2097152xf32, #tpu.memory_space<hbm>> -> memref<16384xf32, #tpu.memory_space<hbm>>
    tpu.wait_dma2 semaphore(%dma_wait3A_402 : memref<!tpu.dma_semaphore, #tpu.memory_space<semaphore_mem>>) src(%dma_wait3A_403 : memref<16384xf32, #tpu.memory_space<hbm>>) dst(%arg8 : memref<16384xf32, #tpu.memory_space<vmem>>)
    %parallel_loop3A_404 = arith.constant 0 : i32
    %parallel_loop3A_405 = arith.constant 16384 : i32
    %parallel_loop3A_406 = arith.constant 16 : i32
    scf.for %parallel_loop3A_625 = %parallel_loop3A_404 to %parallel_loop3A_405 step %parallel_loop3A_406  : i32 {
      %parallel_loop3A_626 = arith.index_cast %parallel_loop3A_625 : i32 to index
      %parallel_loop3A_627 = tpu.vector_load %arg5[%parallel_loop3A_626] {strides = array<i32>} : memref<16384xf32, #tpu.memory_space<vmem>>, vector<16xf32>,
      %parallel_loop3A_628 = vector.shape_cast %parallel_loop3A_627 : vector<16xf32> to vector<16xf32>
      %parallel_loop3A_629 = arith.index_cast %parallel_loop3A_625 : i32 to index
      %parallel_loop3A_630 = tpu.vector_load %arg8[%parallel_loop3A_629] {strides = array<i32>} : memref<16384xf32, #tpu.memory_space<vmem>>, vector<16xf32>,
      %parallel_loop3A_631 = vector.shape_cast %parallel_loop3A_630 : vector<16xf32> to vector<16xf32>
      %parallel_loop3A_632 = arith.addf %parallel_loop3A_628, %parallel_loop3A_631 : vector<16xf32>
      %parallel_loop3A_633 = arith.index_cast %parallel_loop3A_625 : i32 to index
      %parallel_loop3A_634 = tpu.vector_load %arg5[%parallel_loop3A_633] {strides = array<i32>} : memref<16384xf32, #tpu.memory_space<vmem>>, vector<16xf32>,
      %parallel_loop3A_635 = vector.shape_cast %parallel_loop3A_634 : vector<16xf32> to vector<16xf32>
      %parallel_loop3A_636 = vector.shape_cast %parallel_loop3A_632 : vector<16xf32> to vector<16xf32>
      tpu.vector_store %arg5[%parallel_loop3A_633], %parallel_loop3A_636 {strides = array<i32>} : memref<16384xf32, #tpu.memory_space<vmem>>, vector<16xf32>,
    } {sc.loop_unroll_factor = 16 : i64, sc.parallel_access}
    %add3A_407 = arith.constant 147456 : i32
    %add3A_408 = arith.addi %mul3A_2, %add3A_407 : i32
    %dma_start3A_409 = arith.constant 0 : i32
    %dma_start3A_410 = tpu.memref_slice %arg4[%add3A_408] : memref<8388608xf32, #tpu.memory_space<hbm>> -> memref<16384xf32, #tpu.memory_space<hbm>>
    %dma_start3A_411 = tpu.memref_slice %arg13[%dma_start3A_409] : memref<3x!tpu.dma_semaphore, #tpu.memory_space<semaphore_mem>> -> memref<1x!tpu.dma_semaphore, #tpu.memory_space<semaphore_mem>>
    %dma_start3A_412 = tpu.memref_squeeze %dma_start3A_411 : memref<1x!tpu.dma_semaphore, #tpu.memory_space<semaphore_mem>> -> memref<!tpu.dma_semaphore, #tpu.memory_space<semaphore_mem>>
    %dma_start3A_413 = tpu.memref_slice %arg4[%add3A_408] : memref<8388608xf32, #tpu.memory_space<hbm>> -> memref<16384xf32, #tpu.memory_space<hbm>>
    tpu.enqueue_dma source(%arg5 : memref<16384xf32, #tpu.memory_space<vmem>>) target(%dma_start3A_413 : memref<16384xf32, #tpu.memory_space<hbm>>) target_semaphore(%dma_start3A_412 : memref<!tpu.dma_semaphore, #tpu.memory_space<semaphore_mem>>)
    %dma_wait3A_414 = arith.constant 0 : i32
    %dma_wait3A_415 = tpu.memref_slice %arg4[%add3A_408] : memref<8388608xf32, #tpu.memory_space<hbm>> -> memref<16384xf32, #tpu.memory_space<hbm>>
    %dma_wait3A_416 = tpu.memref_slice %arg13[%dma_wait3A_414] : memref<3x!tpu.dma_semaphore, #tpu.memory_space<semaphore_mem>> -> memref<1x!tpu.dma_semaphore, #tpu.memory_space<semaphore_mem>>
    %dma_wait3A_417 = tpu.memref_squeeze %dma_wait3A_416 : memref<1x!tpu.dma_semaphore, #tpu.memory_space<semaphore_mem>> -> memref<!tpu.dma_semaphore, #tpu.memory_space<semaphore_mem>>
    %dma_wait3A_418 = tpu.memref_slice %arg4[%add3A_408] : memref<8388608xf32, #tpu.memory_space<hbm>> -> memref<16384xf32, #tpu.memory_space<hbm>>
    tpu.wait_dma2 semaphore(%dma_wait3A_417 : memref<!tpu.dma_semaphore, #tpu.memory_space<semaphore_mem>>) src(%arg5 : memref<16384xf32, #tpu.memory_space<vmem>>) dst(%dma_wait3A_418 : memref<16384xf32, #tpu.memory_space<hbm>>)
    %add3A_419 = arith.constant 196608 : i32
    %add3A_420 = arith.addi %mul3A_2, %add3A_419 : i32
    %add3A_421 = arith.constant 196608 : i32
    %add3A_422 = arith.addi %rem3A_3, %add3A_421 : i32
    %dma_start3A_423 = arith.constant 0 : i32
    %dma_start3A_424 = tpu.memref_slice %arg2[%add3A_420] : memref<8388608xf32, #tpu.memory_space<hbm>> -> memref<16384xf32, #tpu.memory_space<hbm>>
    %dma_start3A_425 = tpu.memref_slice %arg11[%dma_start3A_423] : memref<3x!tpu.dma_semaphore, #tpu.memory_space<semaphore_mem>> -> memref<1x!tpu.dma_semaphore, #tpu.memory_space<semaphore_mem>>
    %dma_start3A_426 = tpu.memref_squeeze %dma_start3A_425 : memref<1x!tpu.dma_semaphore, #tpu.memory_space<semaphore_mem>> -> memref<!tpu.dma_semaphore, #tpu.memory_space<semaphore_mem>>
    %dma_start3A_427 = tpu.memref_slice %arg2[%add3A_420] : memref<8388608xf32, #tpu.memory_space<hbm>> -> memref<16384xf32, #tpu.memory_space<hbm>>
    tpu.enqueue_dma source(%dma_start3A_427 : memref<16384xf32, #tpu.memory_space<hbm>>) target(%arg5 : memref<16384xf32, #tpu.memory_space<vmem>>) target_semaphore(%dma_start3A_426 : memref<!tpu.dma_semaphore, #tpu.memory_space<semaphore_mem>>)
    %dma_start3A_428 = arith.constant 0 : i32
    %dma_start3A_429 = tpu.memref_slice %arg3[%add3A_422] : memref<2097152xf32, #tpu.memory_space<hbm>> -> memref<16384xf32, #tpu.memory_space<hbm>>
    %dma_start3A_430 = tpu.memref_slice %arg12[%dma_start3A_428] : memref<3x!tpu.dma_semaphore, #tpu.memory_space<semaphore_mem>> -> memref<1x!tpu.dma_semaphore, #tpu.memory_space<semaphore_mem>>
    %dma_start3A_431 = tpu.memref_squeeze %dma_start3A_430 : memref<1x!tpu.dma_semaphore, #tpu.memory_space<semaphore_mem>> -> memref<!tpu.dma_semaphore, #tpu.memory_space<semaphore_mem>>
    %dma_start3A_432 = tpu.memref_slice %arg3[%add3A_422] : memref<2097152xf32, #tpu.memory_space<hbm>> -> memref<16384xf32, #tpu.memory_space<hbm>>
    tpu.enqueue_dma source(%dma_start3A_432 : memref<16384xf32, #tpu.memory_space<hbm>>) target(%arg8 : memref<16384xf32, #tpu.memory_space<vmem>>) target_semaphore(%dma_start3A_431 : memref<!tpu.dma_semaphore, #tpu.memory_space<semaphore_mem>>)
    %dma_wait3A_433 = arith.constant 1 : i32
    %dma_wait3A_434 = tpu.memref_slice %arg2[%add3A_342] : memref<8388608xf32, #tpu.memory_space<hbm>> -> memref<16384xf32, #tpu.memory_space<hbm>>
    %dma_wait3A_435 = tpu.memref_slice %arg11[%dma_wait3A_433] : memref<3x!tpu.dma_semaphore, #tpu.memory_space<semaphore_mem>> -> memref<1x!tpu.dma_semaphore, #tpu.memory_space<semaphore_mem>>
    %dma_wait3A_436 = tpu.memref_squeeze %dma_wait3A_435 : memref<1x!tpu.dma_semaphore, #tpu.memory_space<semaphore_mem>> -> memref<!tpu.dma_semaphore, #tpu.memory_space<semaphore_mem>>
    %dma_wait3A_437 = tpu.memref_slice %arg2[%add3A_342] : memref<8388608xf32, #tpu.memory_space<hbm>> -> memref<16384xf32, #tpu.memory_space<hbm>>
    tpu.wait_dma2 semaphore(%dma_wait3A_436 : memref<!tpu.dma_semaphore, #tpu.memory_space<semaphore_mem>>) src(%dma_wait3A_437 : memref<16384xf32, #tpu.memory_space<hbm>>) dst(%arg6 : memref<16384xf32, #tpu.memory_space<vmem>>)
    %dma_wait3A_438 = arith.constant 1 : i32
    %dma_wait3A_439 = tpu.memref_slice %arg3[%add3A_344] : memref<2097152xf32, #tpu.memory_space<hbm>> -> memref<16384xf32, #tpu.memory_space<hbm>>
    %dma_wait3A_440 = tpu.memref_slice %arg12[%dma_wait3A_438] : memref<3x!tpu.dma_semaphore, #tpu.memory_space<semaphore_mem>> -> memref<1x!tpu.dma_semaphore, #tpu.memory_space<semaphore_mem>>
    %dma_wait3A_441 = tpu.memref_squeeze %dma_wait3A_440 : memref<1x!tpu.dma_semaphore, #tpu.memory_space<semaphore_mem>> -> memref<!tpu.dma_semaphore, #tpu.memory_space<semaphore_mem>>
    %dma_wait3A_442 = tpu.memref_slice %arg3[%add3A_344] : memref<2097152xf32, #tpu.memory_space<hbm>> -> memref<16384xf32, #tpu.memory_space<hbm>>
    tpu.wait_dma2 semaphore(%dma_wait3A_441 : memref<!tpu.dma_semaphore, #tpu.memory_space<semaphore_mem>>) src(%dma_wait3A_442 : memref<16384xf32, #tpu.memory_space<hbm>>) dst(%arg9 : memref<16384xf32, #tpu.memory_space<vmem>>)
    %parallel_loop3A_443 = arith.constant 0 : i32
    %parallel_loop3A_444 = arith.constant 16384 : i32
    %parallel_loop3A_445 = arith.constant 16 : i32
    scf.for %parallel_loop3A_625 = %parallel_loop3A_443 to %parallel_loop3A_444 step %parallel_loop3A_445  : i32 {
      %parallel_loop3A_626 = arith.index_cast %parallel_loop3A_625 : i32 to index
      %parallel_loop3A_627 = tpu.vector_load %arg6[%parallel_loop3A_626] {strides = array<i32>} : memref<16384xf32, #tpu.memory_space<vmem>>, vector<16xf32>,
      %parallel_loop3A_628 = vector.shape_cast %parallel_loop3A_627 : vector<16xf32> to vector<16xf32>
      %parallel_loop3A_629 = arith.index_cast %parallel_loop3A_625 : i32 to index
      %parallel_loop3A_630 = tpu.vector_load %arg9[%parallel_loop3A_629] {strides = array<i32>} : memref<16384xf32, #tpu.memory_space<vmem>>, vector<16xf32>,
      %parallel_loop3A_631 = vector.shape_cast %parallel_loop3A_630 : vector<16xf32> to vector<16xf32>
      %parallel_loop3A_632 = arith.addf %parallel_loop3A_628, %parallel_loop3A_631 : vector<16xf32>
      %parallel_loop3A_633 = arith.index_cast %parallel_loop3A_625 : i32 to index
      %parallel_loop3A_634 = tpu.vector_load %arg6[%parallel_loop3A_633] {strides = array<i32>} : memref<16384xf32, #tpu.memory_space<vmem>>, vector<16xf32>,
      %parallel_loop3A_635 = vector.shape_cast %parallel_loop3A_634 : vector<16xf32> to vector<16xf32>
      %parallel_loop3A_636 = vector.shape_cast %parallel_loop3A_632 : vector<16xf32> to vector<16xf32>
      tpu.vector_store %arg6[%parallel_loop3A_633], %parallel_loop3A_636 {strides = array<i32>} : memref<16384xf32, #tpu.memory_space<vmem>>, vector<16xf32>,
    } {sc.loop_unroll_factor = 16 : i64, sc.parallel_access}
    %add3A_446 = arith.constant 163840 : i32
    %add3A_447 = arith.addi %mul3A_2, %add3A_446 : i32
    %dma_start3A_448 = arith.constant 1 : i32
    %dma_start3A_449 = tpu.memref_slice %arg4[%add3A_447] : memref<8388608xf32, #tpu.memory_space<hbm>> -> memref<16384xf32, #tpu.memory_space<hbm>>
    %dma_start3A_450 = tpu.memref_slice %arg13[%dma_start3A_448] : memref<3x!tpu.dma_semaphore, #tpu.memory_space<semaphore_mem>> -> memref<1x!tpu.dma_semaphore, #tpu.memory_space<semaphore_mem>>
    %dma_start3A_451 = tpu.memref_squeeze %dma_start3A_450 : memref<1x!tpu.dma_semaphore, #tpu.memory_space<semaphore_mem>> -> memref<!tpu.dma_semaphore, #tpu.memory_space<semaphore_mem>>
    %dma_start3A_452 = tpu.memref_slice %arg4[%add3A_447] : memref<8388608xf32, #tpu.memory_space<hbm>> -> memref<16384xf32, #tpu.memory_space<hbm>>
    tpu.enqueue_dma source(%arg6 : memref<16384xf32, #tpu.memory_space<vmem>>) target(%dma_start3A_452 : memref<16384xf32, #tpu.memory_space<hbm>>) target_semaphore(%dma_start3A_451 : memref<!tpu.dma_semaphore, #tpu.memory_space<semaphore_mem>>)
    %dma_wait3A_453 = arith.constant 1 : i32
    %dma_wait3A_454 = tpu.memref_slice %arg4[%add3A_447] : memref<8388608xf32, #tpu.memory_space<hbm>> -> memref<16384xf32, #tpu.memory_space<hbm>>
    %dma_wait3A_455 = tpu.memref_slice %arg13[%dma_wait3A_453] : memref<3x!tpu.dma_semaphore, #tpu.memory_space<semaphore_mem>> -> memref<1x!tpu.dma_semaphore, #tpu.memory_space<semaphore_mem>>
    %dma_wait3A_456 = tpu.memref_squeeze %dma_wait3A_455 : memref<1x!tpu.dma_semaphore, #tpu.memory_space<semaphore_mem>> -> memref<!tpu.dma_semaphore, #tpu.memory_space<semaphore_mem>>
    %dma_wait3A_457 = tpu.memref_slice %arg4[%add3A_447] : memref<8388608xf32, #tpu.memory_space<hbm>> -> memref<16384xf32, #tpu.memory_space<hbm>>
    tpu.wait_dma2 semaphore(%dma_wait3A_456 : memref<!tpu.dma_semaphore, #tpu.memory_space<semaphore_mem>>) src(%arg6 : memref<16384xf32, #tpu.memory_space<vmem>>) dst(%dma_wait3A_457 : memref<16384xf32, #tpu.memory_space<hbm>>)
    %add3A_458 = arith.constant 212992 : i32
    %add3A_459 = arith.addi %mul3A_2, %add3A_458 : i32
    %add3A_460 = arith.constant 212992 : i32
    %add3A_461 = arith.addi %rem3A_3, %add3A_460 : i32
    %dma_start3A_462 = arith.constant 1 : i32
    %dma_start3A_463 = tpu.memref_slice %arg2[%add3A_459] : memref<8388608xf32, #tpu.memory_space<hbm>> -> memref<16384xf32, #tpu.memory_space<hbm>>
    %dma_start3A_464 = tpu.memref_slice %arg11[%dma_start3A_462] : memref<3x!tpu.dma_semaphore, #tpu.memory_space<semaphore_mem>> -> memref<1x!tpu.dma_semaphore, #tpu.memory_space<semaphore_mem>>
    %dma_start3A_465 = tpu.memref_squeeze %dma_start3A_464 : memref<1x!tpu.dma_semaphore, #tpu.memory_space<semaphore_mem>> -> memref<!tpu.dma_semaphore, #tpu.memory_space<semaphore_mem>>
    %dma_start3A_466 = tpu.memref_slice %arg2[%add3A_459] : memref<8388608xf32, #tpu.memory_space<hbm>> -> memref<16384xf32, #tpu.memory_space<hbm>>
    tpu.enqueue_dma source(%dma_start3A_466 : memref<16384xf32, #tpu.memory_space<hbm>>) target(%arg6 : memref<16384xf32, #tpu.memory_space<vmem>>) target_semaphore(%dma_start3A_465 : memref<!tpu.dma_semaphore, #tpu.memory_space<semaphore_mem>>)
    %dma_start3A_467 = arith.constant 1 : i32
    %dma_start3A_468 = tpu.memref_slice %arg3[%add3A_461] : memref<2097152xf32, #tpu.memory_space<hbm>> -> memref<16384xf32, #tpu.memory_space<hbm>>
    %dma_start3A_469 = tpu.memref_slice %arg12[%dma_start3A_467] : memref<3x!tpu.dma_semaphore, #tpu.memory_space<semaphore_mem>> -> memref<1x!tpu.dma_semaphore, #tpu.memory_space<semaphore_mem>>
    %dma_start3A_470 = tpu.memref_squeeze %dma_start3A_469 : memref<1x!tpu.dma_semaphore, #tpu.memory_space<semaphore_mem>> -> memref<!tpu.dma_semaphore, #tpu.memory_space<semaphore_mem>>
    %dma_start3A_471 = tpu.memref_slice %arg3[%add3A_461] : memref<2097152xf32, #tpu.memory_space<hbm>> -> memref<16384xf32, #tpu.memory_space<hbm>>
    tpu.enqueue_dma source(%dma_start3A_471 : memref<16384xf32, #tpu.memory_space<hbm>>) target(%arg9 : memref<16384xf32, #tpu.memory_space<vmem>>) target_semaphore(%dma_start3A_470 : memref<!tpu.dma_semaphore, #tpu.memory_space<semaphore_mem>>)
    %dma_wait3A_472 = arith.constant 2 : i32
    %dma_wait3A_473 = tpu.memref_slice %arg2[%add3A_381] : memref<8388608xf32, #tpu.memory_space<hbm>> -> memref<16384xf32, #tpu.memory_space<hbm>>
    %dma_wait3A_474 = tpu.memref_slice %arg11[%dma_wait3A_472] : memref<3x!tpu.dma_semaphore, #tpu.memory_space<semaphore_mem>> -> memref<1x!tpu.dma_semaphore, #tpu.memory_space<semaphore_mem>>
    %dma_wait3A_475 = tpu.memref_squeeze %dma_wait3A_474 : memref<1x!tpu.dma_semaphore, #tpu.memory_space<semaphore_mem>> -> memref<!tpu.dma_semaphore, #tpu.memory_space<semaphore_mem>>
    %dma_wait3A_476 = tpu.memref_slice %arg2[%add3A_381] : memref<8388608xf32, #tpu.memory_space<hbm>> -> memref<16384xf32, #tpu.memory_space<hbm>>
    tpu.wait_dma2 semaphore(%dma_wait3A_475 : memref<!tpu.dma_semaphore, #tpu.memory_space<semaphore_mem>>) src(%dma_wait3A_476 : memref<16384xf32, #tpu.memory_space<hbm>>) dst(%arg7 : memref<16384xf32, #tpu.memory_space<vmem>>)
    %dma_wait3A_477 = arith.constant 2 : i32
    %dma_wait3A_478 = tpu.memref_slice %arg3[%add3A_383] : memref<2097152xf32, #tpu.memory_space<hbm>> -> memref<16384xf32, #tpu.memory_space<hbm>>
    %dma_wait3A_479 = tpu.memref_slice %arg12[%dma_wait3A_477] : memref<3x!tpu.dma_semaphore, #tpu.memory_space<semaphore_mem>> -> memref<1x!tpu.dma_semaphore, #tpu.memory_space<semaphore_mem>>
    %dma_wait3A_480 = tpu.memref_squeeze %dma_wait3A_479 : memref<1x!tpu.dma_semaphore, #tpu.memory_space<semaphore_mem>> -> memref<!tpu.dma_semaphore, #tpu.memory_space<semaphore_mem>>
    %dma_wait3A_481 = tpu.memref_slice %arg3[%add3A_383] : memref<2097152xf32, #tpu.memory_space<hbm>> -> memref<16384xf32, #tpu.memory_space<hbm>>
    tpu.wait_dma2 semaphore(%dma_wait3A_480 : memref<!tpu.dma_semaphore, #tpu.memory_space<semaphore_mem>>) src(%dma_wait3A_481 : memref<16384xf32, #tpu.memory_space<hbm>>) dst(%arg10 : memref<16384xf32, #tpu.memory_space<vmem>>)
    %parallel_loop3A_482 = arith.constant 0 : i32
    %parallel_loop3A_483 = arith.constant 16384 : i32
    %parallel_loop3A_484 = arith.constant 16 : i32
    scf.for %parallel_loop3A_625 = %parallel_loop3A_482 to %parallel_loop3A_483 step %parallel_loop3A_484  : i32 {
      %parallel_loop3A_626 = arith.index_cast %parallel_loop3A_625 : i32 to index
      %parallel_loop3A_627 = tpu.vector_load %arg7[%parallel_loop3A_626] {strides = array<i32>} : memref<16384xf32, #tpu.memory_space<vmem>>, vector<16xf32>,
      %parallel_loop3A_628 = vector.shape_cast %parallel_loop3A_627 : vector<16xf32> to vector<16xf32>
      %parallel_loop3A_629 = arith.index_cast %parallel_loop3A_625 : i32 to index
      %parallel_loop3A_630 = tpu.vector_load %arg10[%parallel_loop3A_629] {strides = array<i32>} : memref<16384xf32, #tpu.memory_space<vmem>>, vector<16xf32>,
      %parallel_loop3A_631 = vector.shape_cast %parallel_loop3A_630 : vector<16xf32> to vector<16xf32>
      %parallel_loop3A_632 = arith.addf %parallel_loop3A_628, %parallel_loop3A_631 : vector<16xf32>
      %parallel_loop3A_633 = arith.index_cast %parallel_loop3A_625 : i32 to index
      %parallel_loop3A_634 = tpu.vector_load %arg7[%parallel_loop3A_633] {strides = array<i32>} : memref<16384xf32, #tpu.memory_space<vmem>>, vector<16xf32>,
      %parallel_loop3A_635 = vector.shape_cast %parallel_loop3A_634 : vector<16xf32> to vector<16xf32>
      %parallel_loop3A_636 = vector.shape_cast %parallel_loop3A_632 : vector<16xf32> to vector<16xf32>
      tpu.vector_store %arg7[%parallel_loop3A_633], %parallel_loop3A_636 {strides = array<i32>} : memref<16384xf32, #tpu.memory_space<vmem>>, vector<16xf32>,
    } {sc.loop_unroll_factor = 16 : i64, sc.parallel_access}
    %add3A_485 = arith.constant 180224 : i32
    %add3A_486 = arith.addi %mul3A_2, %add3A_485 : i32
    %dma_start3A_487 = arith.constant 2 : i32
    %dma_start3A_488 = tpu.memref_slice %arg4[%add3A_486] : memref<8388608xf32, #tpu.memory_space<hbm>> -> memref<16384xf32, #tpu.memory_space<hbm>>
    %dma_start3A_489 = tpu.memref_slice %arg13[%dma_start3A_487] : memref<3x!tpu.dma_semaphore, #tpu.memory_space<semaphore_mem>> -> memref<1x!tpu.dma_semaphore, #tpu.memory_space<semaphore_mem>>
    %dma_start3A_490 = tpu.memref_squeeze %dma_start3A_489 : memref<1x!tpu.dma_semaphore, #tpu.memory_space<semaphore_mem>> -> memref<!tpu.dma_semaphore, #tpu.memory_space<semaphore_mem>>
    %dma_start3A_491 = tpu.memref_slice %arg4[%add3A_486] : memref<8388608xf32, #tpu.memory_space<hbm>> -> memref<16384xf32, #tpu.memory_space<hbm>>
    tpu.enqueue_dma source(%arg7 : memref<16384xf32, #tpu.memory_space<vmem>>) target(%dma_start3A_491 : memref<16384xf32, #tpu.memory_space<hbm>>) target_semaphore(%dma_start3A_490 : memref<!tpu.dma_semaphore, #tpu.memory_space<semaphore_mem>>)
    %dma_wait3A_492 = arith.constant 2 : i32
    %dma_wait3A_493 = tpu.memref_slice %arg4[%add3A_486] : memref<8388608xf32, #tpu.memory_space<hbm>> -> memref<16384xf32, #tpu.memory_space<hbm>>
    %dma_wait3A_494 = tpu.memref_slice %arg13[%dma_wait3A_492] : memref<3x!tpu.dma_semaphore, #tpu.memory_space<semaphore_mem>> -> memref<1x!tpu.dma_semaphore, #tpu.memory_space<semaphore_mem>>
    %dma_wait3A_495 = tpu.memref_squeeze %dma_wait3A_494 : memref<1x!tpu.dma_semaphore, #tpu.memory_space<semaphore_mem>> -> memref<!tpu.dma_semaphore, #tpu.memory_space<semaphore_mem>>
    %dma_wait3A_496 = tpu.memref_slice %arg4[%add3A_486] : memref<8388608xf32, #tpu.memory_space<hbm>> -> memref<16384xf32, #tpu.memory_space<hbm>>
    tpu.wait_dma2 semaphore(%dma_wait3A_495 : memref<!tpu.dma_semaphore, #tpu.memory_space<semaphore_mem>>) src(%arg7 : memref<16384xf32, #tpu.memory_space<vmem>>) dst(%dma_wait3A_496 : memref<16384xf32, #tpu.memory_space<hbm>>)
    %add3A_497 = arith.constant 229376 : i32
    %add3A_498 = arith.addi %mul3A_2, %add3A_497 : i32
    %add3A_499 = arith.constant 229376 : i32
    %add3A_500 = arith.addi %rem3A_3, %add3A_499 : i32
    %dma_start3A_501 = arith.constant 2 : i32
    %dma_start3A_502 = tpu.memref_slice %arg2[%add3A_498] : memref<8388608xf32, #tpu.memory_space<hbm>> -> memref<16384xf32, #tpu.memory_space<hbm>>
    %dma_start3A_503 = tpu.memref_slice %arg11[%dma_start3A_501] : memref<3x!tpu.dma_semaphore, #tpu.memory_space<semaphore_mem>> -> memref<1x!tpu.dma_semaphore, #tpu.memory_space<semaphore_mem>>
    %dma_start3A_504 = tpu.memref_squeeze %dma_start3A_503 : memref<1x!tpu.dma_semaphore, #tpu.memory_space<semaphore_mem>> -> memref<!tpu.dma_semaphore, #tpu.memory_space<semaphore_mem>>
    %dma_start3A_505 = tpu.memref_slice %arg2[%add3A_498] : memref<8388608xf32, #tpu.memory_space<hbm>> -> memref<16384xf32, #tpu.memory_space<hbm>>
    tpu.enqueue_dma source(%dma_start3A_505 : memref<16384xf32, #tpu.memory_space<hbm>>) target(%arg7 : memref<16384xf32, #tpu.memory_space<vmem>>) target_semaphore(%dma_start3A_504 : memref<!tpu.dma_semaphore, #tpu.memory_space<semaphore_mem>>)
    %dma_start3A_506 = arith.constant 2 : i32
    %dma_start3A_507 = tpu.memref_slice %arg3[%add3A_500] : memref<2097152xf32, #tpu.memory_space<hbm>> -> memref<16384xf32, #tpu.memory_space<hbm>>
    %dma_start3A_508 = tpu.memref_slice %arg12[%dma_start3A_506] : memref<3x!tpu.dma_semaphore, #tpu.memory_space<semaphore_mem>> -> memref<1x!tpu.dma_semaphore, #tpu.memory_space<semaphore_mem>>
    %dma_start3A_509 = tpu.memref_squeeze %dma_start3A_508 : memref<1x!tpu.dma_semaphore, #tpu.memory_space<semaphore_mem>> -> memref<!tpu.dma_semaphore, #tpu.memory_space<semaphore_mem>>
    %dma_start3A_510 = tpu.memref_slice %arg3[%add3A_500] : memref<2097152xf32, #tpu.memory_space<hbm>> -> memref<16384xf32, #tpu.memory_space<hbm>>
    tpu.enqueue_dma source(%dma_start3A_510 : memref<16384xf32, #tpu.memory_space<hbm>>) target(%arg10 : memref<16384xf32, #tpu.memory_space<vmem>>) target_semaphore(%dma_start3A_509 : memref<!tpu.dma_semaphore, #tpu.memory_space<semaphore_mem>>)
    %dma_wait3A_511 = arith.constant 0 : i32
    %dma_wait3A_512 = tpu.memref_slice %arg2[%add3A_420] : memref<8388608xf32, #tpu.memory_space<hbm>> -> memref<16384xf32, #tpu.memory_space<hbm>>
    %dma_wait3A_513 = tpu.memref_slice %arg11[%dma_wait3A_511] : memref<3x!tpu.dma_semaphore, #tpu.memory_space<semaphore_mem>> -> memref<1x!tpu.dma_semaphore, #tpu.memory_space<semaphore_mem>>
    %dma_wait3A_514 = tpu.memref_squeeze %dma_wait3A_513 : memref<1x!tpu.dma_semaphore, #tpu.memory_space<semaphore_mem>> -> memref<!tpu.dma_semaphore, #tpu.memory_space<semaphore_mem>>
    %dma_wait3A_515 = tpu.memref_slice %arg2[%add3A_420] : memref<8388608xf32, #tpu.memory_space<hbm>> -> memref<16384xf32, #tpu.memory_space<hbm>>
    tpu.wait_dma2 semaphore(%dma_wait3A_514 : memref<!tpu.dma_semaphore, #tpu.memory_space<semaphore_mem>>) src(%dma_wait3A_515 : memref<16384xf32, #tpu.memory_space<hbm>>) dst(%arg5 : memref<16384xf32, #tpu.memory_space<vmem>>)
    %dma_wait3A_516 = arith.constant 0 : i32
    %dma_wait3A_517 = tpu.memref_slice %arg3[%add3A_422] : memref<2097152xf32, #tpu.memory_space<hbm>> -> memref<16384xf32, #tpu.memory_space<hbm>>
    %dma_wait3A_518 = tpu.memref_slice %arg12[%dma_wait3A_516] : memref<3x!tpu.dma_semaphore, #tpu.memory_space<semaphore_mem>> -> memref<1x!tpu.dma_semaphore, #tpu.memory_space<semaphore_mem>>
    %dma_wait3A_519 = tpu.memref_squeeze %dma_wait3A_518 : memref<1x!tpu.dma_semaphore, #tpu.memory_space<semaphore_mem>> -> memref<!tpu.dma_semaphore, #tpu.memory_space<semaphore_mem>>
    %dma_wait3A_520 = tpu.memref_slice %arg3[%add3A_422] : memref<2097152xf32, #tpu.memory_space<hbm>> -> memref<16384xf32, #tpu.memory_space<hbm>>
    tpu.wait_dma2 semaphore(%dma_wait3A_519 : memref<!tpu.dma_semaphore, #tpu.memory_space<semaphore_mem>>) src(%dma_wait3A_520 : memref<16384xf32, #tpu.memory_space<hbm>>) dst(%arg8 : memref<16384xf32, #tpu.memory_space<vmem>>)
    %parallel_loop3A_521 = arith.constant 0 : i32
    %parallel_loop3A_522 = arith.constant 16384 : i32
    %parallel_loop3A_523 = arith.constant 16 : i32
    scf.for %parallel_loop3A_625 = %parallel_loop3A_521 to %parallel_loop3A_522 step %parallel_loop3A_523  : i32 {
      %parallel_loop3A_626 = arith.index_cast %parallel_loop3A_625 : i32 to index
      %parallel_loop3A_627 = tpu.vector_load %arg5[%parallel_loop3A_626] {strides = array<i32>} : memref<16384xf32, #tpu.memory_space<vmem>>, vector<16xf32>,
      %parallel_loop3A_628 = vector.shape_cast %parallel_loop3A_627 : vector<16xf32> to vector<16xf32>
      %parallel_loop3A_629 = arith.index_cast %parallel_loop3A_625 : i32 to index
      %parallel_loop3A_630 = tpu.vector_load %arg8[%parallel_loop3A_629] {strides = array<i32>} : memref<16384xf32, #tpu.memory_space<vmem>>, vector<16xf32>,
      %parallel_loop3A_631 = vector.shape_cast %parallel_loop3A_630 : vector<16xf32> to vector<16xf32>
      %parallel_loop3A_632 = arith.addf %parallel_loop3A_628, %parallel_loop3A_631 : vector<16xf32>
      %parallel_loop3A_633 = arith.index_cast %parallel_loop3A_625 : i32 to index
      %parallel_loop3A_634 = tpu.vector_load %arg5[%parallel_loop3A_633] {strides = array<i32>} : memref<16384xf32, #tpu.memory_space<vmem>>, vector<16xf32>,
      %parallel_loop3A_635 = vector.shape_cast %parallel_loop3A_634 : vector<16xf32> to vector<16xf32>
      %parallel_loop3A_636 = vector.shape_cast %parallel_loop3A_632 : vector<16xf32> to vector<16xf32>
      tpu.vector_store %arg5[%parallel_loop3A_633], %parallel_loop3A_636 {strides = array<i32>} : memref<16384xf32, #tpu.memory_space<vmem>>, vector<16xf32>,
    } {sc.loop_unroll_factor = 16 : i64, sc.parallel_access}
    %add3A_524 = arith.constant 196608 : i32
    %add3A_525 = arith.addi %mul3A_2, %add3A_524 : i32
    %dma_start3A_526 = arith.constant 0 : i32
    %dma_start3A_527 = tpu.memref_slice %arg4[%add3A_525] : memref<8388608xf32, #tpu.memory_space<hbm>> -> memref<16384xf32, #tpu.memory_space<hbm>>
    %dma_start3A_528 = tpu.memref_slice %arg13[%dma_start3A_526] : memref<3x!tpu.dma_semaphore, #tpu.memory_space<semaphore_mem>> -> memref<1x!tpu.dma_semaphore, #tpu.memory_space<semaphore_mem>>
    %dma_start3A_529 = tpu.memref_squeeze %dma_start3A_528 : memref<1x!tpu.dma_semaphore, #tpu.memory_space<semaphore_mem>> -> memref<!tpu.dma_semaphore, #tpu.memory_space<semaphore_mem>>
    %dma_start3A_530 = tpu.memref_slice %arg4[%add3A_525] : memref<8388608xf32, #tpu.memory_space<hbm>> -> memref<16384xf32, #tpu.memory_space<hbm>>
    tpu.enqueue_dma source(%arg5 : memref<16384xf32, #tpu.memory_space<vmem>>) target(%dma_start3A_530 : memref<16384xf32, #tpu.memory_space<hbm>>) target_semaphore(%dma_start3A_529 : memref<!tpu.dma_semaphore, #tpu.memory_space<semaphore_mem>>)
    %dma_wait3A_531 = arith.constant 0 : i32
    %dma_wait3A_532 = tpu.memref_slice %arg4[%add3A_525] : memref<8388608xf32, #tpu.memory_space<hbm>> -> memref<16384xf32, #tpu.memory_space<hbm>>
    %dma_wait3A_533 = tpu.memref_slice %arg13[%dma_wait3A_531] : memref<3x!tpu.dma_semaphore, #tpu.memory_space<semaphore_mem>> -> memref<1x!tpu.dma_semaphore, #tpu.memory_space<semaphore_mem>>
    %dma_wait3A_534 = tpu.memref_squeeze %dma_wait3A_533 : memref<1x!tpu.dma_semaphore, #tpu.memory_space<semaphore_mem>> -> memref<!tpu.dma_semaphore, #tpu.memory_space<semaphore_mem>>
    %dma_wait3A_535 = tpu.memref_slice %arg4[%add3A_525] : memref<8388608xf32, #tpu.memory_space<hbm>> -> memref<16384xf32, #tpu.memory_space<hbm>>
    tpu.wait_dma2 semaphore(%dma_wait3A_534 : memref<!tpu.dma_semaphore, #tpu.memory_space<semaphore_mem>>) src(%arg5 : memref<16384xf32, #tpu.memory_space<vmem>>) dst(%dma_wait3A_535 : memref<16384xf32, #tpu.memory_space<hbm>>)
    %add3A_536 = arith.constant 245760 : i32
    %add3A_537 = arith.addi %mul3A_2, %add3A_536 : i32
    %add3A_538 = arith.constant 245760 : i32
    %add3A_539 = arith.addi %rem3A_3, %add3A_538 : i32
    %dma_start3A_540 = arith.constant 0 : i32
    %dma_start3A_541 = tpu.memref_slice %arg2[%add3A_537] : memref<8388608xf32, #tpu.memory_space<hbm>> -> memref<16384xf32, #tpu.memory_space<hbm>>
    %dma_start3A_542 = tpu.memref_slice %arg11[%dma_start3A_540] : memref<3x!tpu.dma_semaphore, #tpu.memory_space<semaphore_mem>> -> memref<1x!tpu.dma_semaphore, #tpu.memory_space<semaphore_mem>>
    %dma_start3A_543 = tpu.memref_squeeze %dma_start3A_542 : memref<1x!tpu.dma_semaphore, #tpu.memory_space<semaphore_mem>> -> memref<!tpu.dma_semaphore, #tpu.memory_space<semaphore_mem>>
    %dma_start3A_544 = tpu.memref_slice %arg2[%add3A_537] : memref<8388608xf32, #tpu.memory_space<hbm>> -> memref<16384xf32, #tpu.memory_space<hbm>>
    tpu.enqueue_dma source(%dma_start3A_544 : memref<16384xf32, #tpu.memory_space<hbm>>) target(%arg5 : memref<16384xf32, #tpu.memory_space<vmem>>) target_semaphore(%dma_start3A_543 : memref<!tpu.dma_semaphore, #tpu.memory_space<semaphore_mem>>)
    %dma_start3A_545 = arith.constant 0 : i32
    %dma_start3A_546 = tpu.memref_slice %arg3[%add3A_539] : memref<2097152xf32, #tpu.memory_space<hbm>> -> memref<16384xf32, #tpu.memory_space<hbm>>
    %dma_start3A_547 = tpu.memref_slice %arg12[%dma_start3A_545] : memref<3x!tpu.dma_semaphore, #tpu.memory_space<semaphore_mem>> -> memref<1x!tpu.dma_semaphore, #tpu.memory_space<semaphore_mem>>
    %dma_start3A_548 = tpu.memref_squeeze %dma_start3A_547 : memref<1x!tpu.dma_semaphore, #tpu.memory_space<semaphore_mem>> -> memref<!tpu.dma_semaphore, #tpu.memory_space<semaphore_mem>>
    %dma_start3A_549 = tpu.memref_slice %arg3[%add3A_539] : memref<2097152xf32, #tpu.memory_space<hbm>> -> memref<16384xf32, #tpu.memory_space<hbm>>
    tpu.enqueue_dma source(%dma_start3A_549 : memref<16384xf32, #tpu.memory_space<hbm>>) target(%arg8 : memref<16384xf32, #tpu.memory_space<vmem>>) target_semaphore(%dma_start3A_548 : memref<!tpu.dma_semaphore, #tpu.memory_space<semaphore_mem>>)
    %dma_wait3A_550 = arith.constant 1 : i32
    %dma_wait3A_551 = tpu.memref_slice %arg2[%add3A_459] : memref<8388608xf32, #tpu.memory_space<hbm>> -> memref<16384xf32, #tpu.memory_space<hbm>>
    %dma_wait3A_552 = tpu.memref_slice %arg11[%dma_wait3A_550] : memref<3x!tpu.dma_semaphore, #tpu.memory_space<semaphore_mem>> -> memref<1x!tpu.dma_semaphore, #tpu.memory_space<semaphore_mem>>
    %dma_wait3A_553 = tpu.memref_squeeze %dma_wait3A_552 : memref<1x!tpu.dma_semaphore, #tpu.memory_space<semaphore_mem>> -> memref<!tpu.dma_semaphore, #tpu.memory_space<semaphore_mem>>
    %dma_wait3A_554 = tpu.memref_slice %arg2[%add3A_459] : memref<8388608xf32, #tpu.memory_space<hbm>> -> memref<16384xf32, #tpu.memory_space<hbm>>
    tpu.wait_dma2 semaphore(%dma_wait3A_553 : memref<!tpu.dma_semaphore, #tpu.memory_space<semaphore_mem>>) src(%dma_wait3A_554 : memref<16384xf32, #tpu.memory_space<hbm>>) dst(%arg6 : memref<16384xf32, #tpu.memory_space<vmem>>)
    %dma_wait3A_555 = arith.constant 1 : i32
    %dma_wait3A_556 = tpu.memref_slice %arg3[%add3A_461] : memref<2097152xf32, #tpu.memory_space<hbm>> -> memref<16384xf32, #tpu.memory_space<hbm>>
    %dma_wait3A_557 = tpu.memref_slice %arg12[%dma_wait3A_555] : memref<3x!tpu.dma_semaphore, #tpu.memory_space<semaphore_mem>> -> memref<1x!tpu.dma_semaphore, #tpu.memory_space<semaphore_mem>>
    %dma_wait3A_558 = tpu.memref_squeeze %dma_wait3A_557 : memref<1x!tpu.dma_semaphore, #tpu.memory_space<semaphore_mem>> -> memref<!tpu.dma_semaphore, #tpu.memory_space<semaphore_mem>>
    %dma_wait3A_559 = tpu.memref_slice %arg3[%add3A_461] : memref<2097152xf32, #tpu.memory_space<hbm>> -> memref<16384xf32, #tpu.memory_space<hbm>>
    tpu.wait_dma2 semaphore(%dma_wait3A_558 : memref<!tpu.dma_semaphore, #tpu.memory_space<semaphore_mem>>) src(%dma_wait3A_559 : memref<16384xf32, #tpu.memory_space<hbm>>) dst(%arg9 : memref<16384xf32, #tpu.memory_space<vmem>>)
    %parallel_loop3A_560 = arith.constant 0 : i32
    %parallel_loop3A_561 = arith.constant 16384 : i32
    %parallel_loop3A_562 = arith.constant 16 : i32
    scf.for %parallel_loop3A_625 = %parallel_loop3A_560 to %parallel_loop3A_561 step %parallel_loop3A_562  : i32 {
      %parallel_loop3A_626 = arith.index_cast %parallel_loop3A_625 : i32 to index
      %parallel_loop3A_627 = tpu.vector_load %arg6[%parallel_loop3A_626] {strides = array<i32>} : memref<16384xf32, #tpu.memory_space<vmem>>, vector<16xf32>,
      %parallel_loop3A_628 = vector.shape_cast %parallel_loop3A_627 : vector<16xf32> to vector<16xf32>
      %parallel_loop3A_629 = arith.index_cast %parallel_loop3A_625 : i32 to index
      %parallel_loop3A_630 = tpu.vector_load %arg9[%parallel_loop3A_629] {strides = array<i32>} : memref<16384xf32, #tpu.memory_space<vmem>>, vector<16xf32>,
      %parallel_loop3A_631 = vector.shape_cast %parallel_loop3A_630 : vector<16xf32> to vector<16xf32>
      %parallel_loop3A_632 = arith.addf %parallel_loop3A_628, %parallel_loop3A_631 : vector<16xf32>
      %parallel_loop3A_633 = arith.index_cast %parallel_loop3A_625 : i32 to index
      %parallel_loop3A_634 = tpu.vector_load %arg6[%parallel_loop3A_633] {strides = array<i32>} : memref<16384xf32, #tpu.memory_space<vmem>>, vector<16xf32>,
      %parallel_loop3A_635 = vector.shape_cast %parallel_loop3A_634 : vector<16xf32> to vector<16xf32>
      %parallel_loop3A_636 = vector.shape_cast %parallel_loop3A_632 : vector<16xf32> to vector<16xf32>
      tpu.vector_store %arg6[%parallel_loop3A_633], %parallel_loop3A_636 {strides = array<i32>} : memref<16384xf32, #tpu.memory_space<vmem>>, vector<16xf32>,
    } {sc.loop_unroll_factor = 16 : i64, sc.parallel_access}
    %add3A_563 = arith.constant 212992 : i32
    %add3A_564 = arith.addi %mul3A_2, %add3A_563 : i32
    %dma_start3A_565 = arith.constant 1 : i32
    %dma_start3A_566 = tpu.memref_slice %arg4[%add3A_564] : memref<8388608xf32, #tpu.memory_space<hbm>> -> memref<16384xf32, #tpu.memory_space<hbm>>
    %dma_start3A_567 = tpu.memref_slice %arg13[%dma_start3A_565] : memref<3x!tpu.dma_semaphore, #tpu.memory_space<semaphore_mem>> -> memref<1x!tpu.dma_semaphore, #tpu.memory_space<semaphore_mem>>
    %dma_start3A_568 = tpu.memref_squeeze %dma_start3A_567 : memref<1x!tpu.dma_semaphore, #tpu.memory_space<semaphore_mem>> -> memref<!tpu.dma_semaphore, #tpu.memory_space<semaphore_mem>>
    %dma_start3A_569 = tpu.memref_slice %arg4[%add3A_564] : memref<8388608xf32, #tpu.memory_space<hbm>> -> memref<16384xf32, #tpu.memory_space<hbm>>
    tpu.enqueue_dma source(%arg6 : memref<16384xf32, #tpu.memory_space<vmem>>) target(%dma_start3A_569 : memref<16384xf32, #tpu.memory_space<hbm>>) target_semaphore(%dma_start3A_568 : memref<!tpu.dma_semaphore, #tpu.memory_space<semaphore_mem>>)
    %dma_wait3A_570 = arith.constant 2 : i32
    %dma_wait3A_571 = tpu.memref_slice %arg2[%add3A_498] : memref<8388608xf32, #tpu.memory_space<hbm>> -> memref<16384xf32, #tpu.memory_space<hbm>>
    %dma_wait3A_572 = tpu.memref_slice %arg11[%dma_wait3A_570] : memref<3x!tpu.dma_semaphore, #tpu.memory_space<semaphore_mem>> -> memref<1x!tpu.dma_semaphore, #tpu.memory_space<semaphore_mem>>
    %dma_wait3A_573 = tpu.memref_squeeze %dma_wait3A_572 : memref<1x!tpu.dma_semaphore, #tpu.memory_space<semaphore_mem>> -> memref<!tpu.dma_semaphore, #tpu.memory_space<semaphore_mem>>
    %dma_wait3A_574 = tpu.memref_slice %arg2[%add3A_498] : memref<8388608xf32, #tpu.memory_space<hbm>> -> memref<16384xf32, #tpu.memory_space<hbm>>
    tpu.wait_dma2 semaphore(%dma_wait3A_573 : memref<!tpu.dma_semaphore, #tpu.memory_space<semaphore_mem>>) src(%dma_wait3A_574 : memref<16384xf32, #tpu.memory_space<hbm>>) dst(%arg7 : memref<16384xf32, #tpu.memory_space<vmem>>)
    %dma_wait3A_575 = arith.constant 2 : i32
    %dma_wait3A_576 = tpu.memref_slice %arg3[%add3A_500] : memref<2097152xf32, #tpu.memory_space<hbm>> -> memref<16384xf32, #tpu.memory_space<hbm>>
    %dma_wait3A_577 = tpu.memref_slice %arg12[%dma_wait3A_575] : memref<3x!tpu.dma_semaphore, #tpu.memory_space<semaphore_mem>> -> memref<1x!tpu.dma_semaphore, #tpu.memory_space<semaphore_mem>>
    %dma_wait3A_578 = tpu.memref_squeeze %dma_wait3A_577 : memref<1x!tpu.dma_semaphore, #tpu.memory_space<semaphore_mem>> -> memref<!tpu.dma_semaphore, #tpu.memory_space<semaphore_mem>>
    %dma_wait3A_579 = tpu.memref_slice %arg3[%add3A_500] : memref<2097152xf32, #tpu.memory_space<hbm>> -> memref<16384xf32, #tpu.memory_space<hbm>>
    tpu.wait_dma2 semaphore(%dma_wait3A_578 : memref<!tpu.dma_semaphore, #tpu.memory_space<semaphore_mem>>) src(%dma_wait3A_579 : memref<16384xf32, #tpu.memory_space<hbm>>) dst(%arg10 : memref<16384xf32, #tpu.memory_space<vmem>>)
    %parallel_loop3A_580 = arith.constant 0 : i32
    %parallel_loop3A_581 = arith.constant 16384 : i32
    %parallel_loop3A_582 = arith.constant 16 : i32
    scf.for %parallel_loop3A_625 = %parallel_loop3A_580 to %parallel_loop3A_581 step %parallel_loop3A_582  : i32 {
      %parallel_loop3A_626 = arith.index_cast %parallel_loop3A_625 : i32 to index
      %parallel_loop3A_627 = tpu.vector_load %arg7[%parallel_loop3A_626] {strides = array<i32>} : memref<16384xf32, #tpu.memory_space<vmem>>, vector<16xf32>,
      %parallel_loop3A_628 = vector.shape_cast %parallel_loop3A_627 : vector<16xf32> to vector<16xf32>
      %parallel_loop3A_629 = arith.index_cast %parallel_loop3A_625 : i32 to index
      %parallel_loop3A_630 = tpu.vector_load %arg10[%parallel_loop3A_629] {strides = array<i32>} : memref<16384xf32, #tpu.memory_space<vmem>>, vector<16xf32>,
      %parallel_loop3A_631 = vector.shape_cast %parallel_loop3A_630 : vector<16xf32> to vector<16xf32>
      %parallel_loop3A_632 = arith.addf %parallel_loop3A_628, %parallel_loop3A_631 : vector<16xf32>
      %parallel_loop3A_633 = arith.index_cast %parallel_loop3A_625 : i32 to index
      %parallel_loop3A_634 = tpu.vector_load %arg7[%parallel_loop3A_633] {strides = array<i32>} : memref<16384xf32, #tpu.memory_space<vmem>>, vector<16xf32>,
      %parallel_loop3A_635 = vector.shape_cast %parallel_loop3A_634 : vector<16xf32> to vector<16xf32>
      %parallel_loop3A_636 = vector.shape_cast %parallel_loop3A_632 : vector<16xf32> to vector<16xf32>
      tpu.vector_store %arg7[%parallel_loop3A_633], %parallel_loop3A_636 {strides = array<i32>} : memref<16384xf32, #tpu.memory_space<vmem>>, vector<16xf32>,
    } {sc.loop_unroll_factor = 16 : i64, sc.parallel_access}
    %add3A_583 = arith.constant 229376 : i32
    %add3A_584 = arith.addi %mul3A_2, %add3A_583 : i32
    %dma_start3A_585 = arith.constant 2 : i32
    %dma_start3A_586 = tpu.memref_slice %arg4[%add3A_584] : memref<8388608xf32, #tpu.memory_space<hbm>> -> memref<16384xf32, #tpu.memory_space<hbm>>
    %dma_start3A_587 = tpu.memref_slice %arg13[%dma_start3A_585] : memref<3x!tpu.dma_semaphore, #tpu.memory_space<semaphore_mem>> -> memref<1x!tpu.dma_semaphore, #tpu.memory_space<semaphore_mem>>
    %dma_start3A_588 = tpu.memref_squeeze %dma_start3A_587 : memref<1x!tpu.dma_semaphore, #tpu.memory_space<semaphore_mem>> -> memref<!tpu.dma_semaphore, #tpu.memory_space<semaphore_mem>>
    %dma_start3A_589 = tpu.memref_slice %arg4[%add3A_584] : memref<8388608xf32, #tpu.memory_space<hbm>> -> memref<16384xf32, #tpu.memory_space<hbm>>
    tpu.enqueue_dma source(%arg7 : memref<16384xf32, #tpu.memory_space<vmem>>) target(%dma_start3A_589 : memref<16384xf32, #tpu.memory_space<hbm>>) target_semaphore(%dma_start3A_588 : memref<!tpu.dma_semaphore, #tpu.memory_space<semaphore_mem>>)
    %dma_wait3A_590 = arith.constant 0 : i32
    %dma_wait3A_591 = tpu.memref_slice %arg2[%add3A_537] : memref<8388608xf32, #tpu.memory_space<hbm>> -> memref<16384xf32, #tpu.memory_space<hbm>>
    %dma_wait3A_592 = tpu.memref_slice %arg11[%dma_wait3A_590] : memref<3x!tpu.dma_semaphore, #tpu.memory_space<semaphore_mem>> -> memref<1x!tpu.dma_semaphore, #tpu.memory_space<semaphore_mem>>
    %dma_wait3A_593 = tpu.memref_squeeze %dma_wait3A_592 : memref<1x!tpu.dma_semaphore, #tpu.memory_space<semaphore_mem>> -> memref<!tpu.dma_semaphore, #tpu.memory_space<semaphore_mem>>
    %dma_wait3A_594 = tpu.memref_slice %arg2[%add3A_537] : memref<8388608xf32, #tpu.memory_space<hbm>> -> memref<16384xf32, #tpu.memory_space<hbm>>
    tpu.wait_dma2 semaphore(%dma_wait3A_593 : memref<!tpu.dma_semaphore, #tpu.memory_space<semaphore_mem>>) src(%dma_wait3A_594 : memref<16384xf32, #tpu.memory_space<hbm>>) dst(%arg5 : memref<16384xf32, #tpu.memory_space<vmem>>)
    %dma_wait3A_595 = arith.constant 0 : i32
    %dma_wait3A_596 = tpu.memref_slice %arg3[%add3A_539] : memref<2097152xf32, #tpu.memory_space<hbm>> -> memref<16384xf32, #tpu.memory_space<hbm>>
    %dma_wait3A_597 = tpu.memref_slice %arg12[%dma_wait3A_595] : memref<3x!tpu.dma_semaphore, #tpu.memory_space<semaphore_mem>> -> memref<1x!tpu.dma_semaphore, #tpu.memory_space<semaphore_mem>>
    %dma_wait3A_598 = tpu.memref_squeeze %dma_wait3A_597 : memref<1x!tpu.dma_semaphore, #tpu.memory_space<semaphore_mem>> -> memref<!tpu.dma_semaphore, #tpu.memory_space<semaphore_mem>>
    %dma_wait3A_599 = tpu.memref_slice %arg3[%add3A_539] : memref<2097152xf32, #tpu.memory_space<hbm>> -> memref<16384xf32, #tpu.memory_space<hbm>>
    tpu.wait_dma2 semaphore(%dma_wait3A_598 : memref<!tpu.dma_semaphore, #tpu.memory_space<semaphore_mem>>) src(%dma_wait3A_599 : memref<16384xf32, #tpu.memory_space<hbm>>) dst(%arg8 : memref<16384xf32, #tpu.memory_space<vmem>>)
    %parallel_loop3A_600 = arith.constant 0 : i32
    %parallel_loop3A_601 = arith.constant 16384 : i32
    %parallel_loop3A_602 = arith.constant 16 : i32
    scf.for %parallel_loop3A_625 = %parallel_loop3A_600 to %parallel_loop3A_601 step %parallel_loop3A_602  : i32 {
      %parallel_loop3A_626 = arith.index_cast %parallel_loop3A_625 : i32 to index
      %parallel_loop3A_627 = tpu.vector_load %arg5[%parallel_loop3A_626] {strides = array<i32>} : memref<16384xf32, #tpu.memory_space<vmem>>, vector<16xf32>,
      %parallel_loop3A_628 = vector.shape_cast %parallel_loop3A_627 : vector<16xf32> to vector<16xf32>
      %parallel_loop3A_629 = arith.index_cast %parallel_loop3A_625 : i32 to index
      %parallel_loop3A_630 = tpu.vector_load %arg8[%parallel_loop3A_629] {strides = array<i32>} : memref<16384xf32, #tpu.memory_space<vmem>>, vector<16xf32>,
      %parallel_loop3A_631 = vector.shape_cast %parallel_loop3A_630 : vector<16xf32> to vector<16xf32>
      %parallel_loop3A_632 = arith.addf %parallel_loop3A_628, %parallel_loop3A_631 : vector<16xf32>
      %parallel_loop3A_633 = arith.index_cast %parallel_loop3A_625 : i32 to index
      %parallel_loop3A_634 = tpu.vector_load %arg5[%parallel_loop3A_633] {strides = array<i32>} : memref<16384xf32, #tpu.memory_space<vmem>>, vector<16xf32>,
      %parallel_loop3A_635 = vector.shape_cast %parallel_loop3A_634 : vector<16xf32> to vector<16xf32>
      %parallel_loop3A_636 = vector.shape_cast %parallel_loop3A_632 : vector<16xf32> to vector<16xf32>
      tpu.vector_store %arg5[%parallel_loop3A_633], %parallel_loop3A_636 {strides = array<i32>} : memref<16384xf32, #tpu.memory_space<vmem>>, vector<16xf32>,
    } {sc.loop_unroll_factor = 16 : i64, sc.parallel_access}
    %add3A_603 = arith.constant 245760 : i32
    %add3A_604 = arith.addi %mul3A_2, %add3A_603 : i32
    %dma_start3A_605 = arith.constant 0 : i32
    %dma_start3A_606 = tpu.memref_slice %arg4[%add3A_604] : memref<8388608xf32, #tpu.memory_space<hbm>> -> memref<16384xf32, #tpu.memory_space<hbm>>
    %dma_start3A_607 = tpu.memref_slice %arg13[%dma_start3A_605] : memref<3x!tpu.dma_semaphore, #tpu.memory_space<semaphore_mem>> -> memref<1x!tpu.dma_semaphore, #tpu.memory_space<semaphore_mem>>
    %dma_start3A_608 = tpu.memref_squeeze %dma_start3A_607 : memref<1x!tpu.dma_semaphore, #tpu.memory_space<semaphore_mem>> -> memref<!tpu.dma_semaphore, #tpu.memory_space<semaphore_mem>>
    %dma_start3A_609 = tpu.memref_slice %arg4[%add3A_604] : memref<8388608xf32, #tpu.memory_space<hbm>> -> memref<16384xf32, #tpu.memory_space<hbm>>
    tpu.enqueue_dma source(%arg5 : memref<16384xf32, #tpu.memory_space<vmem>>) target(%dma_start3A_609 : memref<16384xf32, #tpu.memory_space<hbm>>) target_semaphore(%dma_start3A_608 : memref<!tpu.dma_semaphore, #tpu.memory_space<semaphore_mem>>)
    %dma_wait3A_610 = arith.constant 0 : i32
    %dma_wait3A_611 = tpu.memref_slice %arg4[%add3A_604] : memref<8388608xf32, #tpu.memory_space<hbm>> -> memref<16384xf32, #tpu.memory_space<hbm>>
    %dma_wait3A_612 = tpu.memref_slice %arg13[%dma_wait3A_610] : memref<3x!tpu.dma_semaphore, #tpu.memory_space<semaphore_mem>> -> memref<1x!tpu.dma_semaphore, #tpu.memory_space<semaphore_mem>>
    %dma_wait3A_613 = tpu.memref_squeeze %dma_wait3A_612 : memref<1x!tpu.dma_semaphore, #tpu.memory_space<semaphore_mem>> -> memref<!tpu.dma_semaphore, #tpu.memory_space<semaphore_mem>>
    %dma_wait3A_614 = tpu.memref_slice %arg4[%add3A_604] : memref<8388608xf32, #tpu.memory_space<hbm>> -> memref<16384xf32, #tpu.memory_space<hbm>>
    tpu.wait_dma2 semaphore(%dma_wait3A_613 : memref<!tpu.dma_semaphore, #tpu.memory_space<semaphore_mem>>) src(%arg5 : memref<16384xf32, #tpu.memory_space<vmem>>) dst(%dma_wait3A_614 : memref<16384xf32, #tpu.memory_space<hbm>>)
    %dma_wait3A_615 = arith.constant 1 : i32
    %dma_wait3A_616 = tpu.memref_slice %arg4[%add3A_564] : memref<8388608xf32, #tpu.memory_space<hbm>> -> memref<16384xf32, #tpu.memory_space<hbm>>
    %dma_wait3A_617 = tpu.memref_slice %arg13[%dma_wait3A_615] : memref<3x!tpu.dma_semaphore, #tpu.memory_space<semaphore_mem>> -> memref<1x!tpu.dma_semaphore, #tpu.memory_space<semaphore_mem>>
    %dma_wait3A_618 = tpu.memref_squeeze %dma_wait3A_617 : memref<1x!tpu.dma_semaphore, #tpu.memory_space<semaphore_mem>> -> memref<!tpu.dma_semaphore, #tpu.memory_space<semaphore_mem>>
    %dma_wait3A_619 = tpu.memref_slice %arg4[%add3A_564] : memref<8388608xf32, #tpu.memory_space<hbm>> -> memref<16384xf32, #tpu.memory_space<hbm>>
    tpu.wait_dma2 semaphore(%dma_wait3A_618 : memref<!tpu.dma_semaphore, #tpu.memory_space<semaphore_mem>>) src(%arg6 : memref<16384xf32, #tpu.memory_space<vmem>>) dst(%dma_wait3A_619 : memref<16384xf32, #tpu.memory_space<hbm>>)
    %dma_wait3A_620 = arith.constant 2 : i32
    %dma_wait3A_621 = tpu.memref_slice %arg4[%add3A_584] : memref<8388608xf32, #tpu.memory_space<hbm>> -> memref<16384xf32, #tpu.memory_space<hbm>>
    %dma_wait3A_622 = tpu.memref_slice %arg13[%dma_wait3A_620] : memref<3x!tpu.dma_semaphore, #tpu.memory_space<semaphore_mem>> -> memref<1x!tpu.dma_semaphore, #tpu.memory_space<semaphore_mem>>
    %dma_wait3A_623 = tpu.memref_squeeze %dma_wait3A_622 : memref<1x!tpu.dma_semaphore, #tpu.memory_space<semaphore_mem>> -> memref<!tpu.dma_semaphore, #tpu.memory_space<semaphore_mem>>
    %dma_wait3A_624 = tpu.memref_slice %arg4[%add3A_584] : memref<8388608xf32, #tpu.memory_space<hbm>> -> memref<16384xf32, #tpu.memory_space<hbm>>
    tpu.wait_dma2 semaphore(%dma_wait3A_623 : memref<!tpu.dma_semaphore, #tpu.memory_space<semaphore_mem>>) src(%arg7 : memref<16384xf32, #tpu.memory_space<vmem>>) dst(%dma_wait3A_624 : memref<16384xf32, #tpu.memory_space<hbm>>)
    return
  }
}

</mosaic_0001>

<sc_bundles>
// kernel: _sc_kernel.3.cloned.1.call-start
scs
__scs_entry_jumppad:
0x0: {  	(pc) =	sbr.rel $0x88, $3  }
0x1: {  	(tag) =	ssettag $0x0;
	lr =	simm.s32 $0x1  }
0x2: {  	[smem:$0x3F9F] =	sst lr;
	_ =	strace $0xD0000000  }
0x3: {  	_ = 	snop  }
0x4: {  	_ = 	snop  }
0x5: {  	_ = 	snop  }
0x6: {  	_ = 	snop  }
0x7: {  	_ = 	snop  }
__scs_overlays_trampoline_lowered:
0x8: {  	[smem:$0x3FAE] =	sst s0  }
0x9: {  	[smem:$0x3FAF] =	sst s1  }
0xa: {  	[smem:$0x3FB0] =	sst s2  }
0xb: {  	[smem:$0x3FB1] =	sst s3  }
0xc: {  	[smem:$0x3FB2] =	sst s4  }
0xd: {  	[smem:$0x3FB3] =	sst s5  }
0xe: {  	[smem:$0x3FB4] =	sst s6  }
0xf: {  	[smem:$0x3FB5] =	sst s7  }
0x10: {  	[smem:$0x3FB6] =	sst s8  }
0x11: {  	[smem:$0x3FB7] =	sst s9;
	s0 =	simm.s32 @!p0 $0x0  }
0x12: {  	s1 =	sld [smem:$0x3F9D];
	s0 =	simm.s32 @p0 $0x1  }
0x13: {  	[smem:$0x3FB8] =	sst s0;
	s0 =	simm.s32 @!p1 $0x0  }
0x14: {  	s2 =	sld [smem:$0x3F9C];
	s0 =	simm.s32 @p1 $0x1  }
0x15: {  	[smem:$0x3FB9] =	sst s0;
	s0 =	simm.s32 @!p2 $0x0  }
0x16: {  	s3 =	sld [smem:$0x3FDB];
	s0 =	simm.s32 @p2 $0x1  }
0x17: {  	s4 =	simm.s32 $0x1BF5;
	[smem:$0x3FBB] =	sst s0  }
0x18: {  	s0 =	sld [smem:$0x3F9E];
	_ =	swait.ge [sflag:s4], $0x0  }
0x19: {  	s7 =	sld [smem:$0x3F9F]  }
0x1a: {  	s8 =	sadd.s32 $0xFFFFE003, lr  }
0x1b: {  	s9 =	sadd.s32 $0xFFFFFEF7, lr;
	s5 =	simm.s32 $0xFFFFFFFF;
	p2 =	slt.u32 s8, $0xFFFFF086  }
0x1c: {  	p1 =	slt.u32 s9, $0xF7A;
	s5 =	simm.s32 @!p2 $0x0  }
0x1d: {  	s5 =	simm.s32 @p1 $0x1;
	p0 =	seq.s32 s7, s2  }
0x1e: {  	s7 =	smul.u32 @!p0 $0xF7A, s2;
	p2 =	seq.s32 @!p0 s5, $0x0  }
0x1f: {  	s9 =	smul.u32 $0xF7A, s1;
	s8 =	simm.s32 @!p0 $0x1BF5;
	p2 =	por !p2, p0  }
0x20: {  	[sflag:s8] =	ssyncset.s32 @!p0 $0xFFFFF086;
	s6 =	sadd.s32 @!p0 s3, s7;
	s7 =	simm.s32 @!p0 $0x108  }
0x21: {  	s3 =	sadd.s32 s3, s9;
	s6 =	sadd.s32 @!p0 $0x88, s6;
	s7 =	simm.s32 @p2 $0x1082  }
0x22: {  	[simem:s7], [sflag:s8] =	dma.local @!p0 [hbm:s6], $0xF7A  }
0x23: {  	s9 =	sor.u32 $0xD0000000, s2;
	s6 =	simm.s32 $0x108;
	_ =	swait.ge @!p0 [sflag:s8], $0x0  }
0x24: {  	s3 =	sadd.s32 $0x88, s3;
	s6 =	simm.s32 @!p1 $0x1082;
	[sflag:s4] =	ssyncset.s32 $0xFFFFF086  }
0x25: {  	[simem:s6], [sflag:s4] =	dma.local [hbm:s3], $0xF7A  }
0x26: {  	[smem:$0x3F9F] =	sst s1;
	(tag) =	ssettag s2;
	_ =	strace s9  }
0x27: {  	s1 =	sld [smem:$0x3FAF]  }
0x28: {  	s2 =	sld [smem:$0x3FB0]  }
0x29: {  	s4 =	sld [smem:$0x3FB2]  }
0x2a: {  	p0 =	seq.s32 s5, $0x0;
	s5 =	sld [smem:$0x3FB3]  }
0x2b: {  	s6 =	sld [smem:$0x3FB4]  }
0x2c: {  	s7 =	sld [smem:$0x3FB5]  }
0x2d: {  	s3 =	simm.s32 $0x108;
	s8 =	sld [smem:$0x3FB6]  }
0x2e: {  	s3 =	simm.s32 @!p0 $0x1082;
	s9 =	sld [smem:$0x3FB7]  }
0x2f: {  	lr =	sadd.s32 s0, s3;
	s0 =	sld [smem:$0x3FAE]  }
0x30: {  	s3 =	sld [smem:$0x3FB1]  }
0x31: {  	[smem:$0x3FBA] =	sst s10  }
0x32: {  	s10 =	sld [smem:$0x3FB8];
	_ =	sdelay $0x3  }
0x33: {  	p0 =	seq.s32 s10, $0x1;
	s10 =	sld [smem:$0x3FBA];
	_ =	sdelay $0x3  }
0x34: {  	[smem:$0x3FBA] =	sst s10  }
0x35: {  	s10 =	sld [smem:$0x3FB9];
	_ =	sdelay $0x3  }
0x36: {  	p1 =	seq.s32 s10, $0x1;
	s10 =	sld [smem:$0x3FBA];
	_ =	sdelay $0x3  }
0x37: {  	[smem:$0x3FBA] =	sst s10  }
0x38: {  	s10 =	sld [smem:$0x3FBB]  }
0x39: {  	_ = 	snop;
	(pc) =	sbr.ind lr, $3  }
0x3a: {  	_ = 	snop  }
0x3b: {  	_ = 	snop  }
0x3c: {  	p2 =	seq.s32 s10, $0x1;
	s10 =	sld [smem:$0x3FBA]  }
0x3d: {  	_ =	shalt  }
0x3e: {  	_ =	shalt  }
0x3f: {  	_ =	shalt  }
0x40: {  	_ =	shalt  }
0x41: {  	_ =	shalt  }
0x42: {  	_ =	shalt  }
0x43: {  	_ =	shalt  }
0x44: {  	_ =	shalt  }
0x45: {  	_ =	shalt  }
0x46: {  	_ =	shalt  }
0x47: {  	_ =	shalt  }
0x48: {  	_ =	shalt  }
0x49: {  	_ =	shalt  }
0x4a: {  	_ =	shalt  }
0x4b: {  	_ =	shalt  }
0x4c: {  	_ =	shalt  }
0x4d: {  	_ =	shalt  }
0x4e: {  	_ =	shalt  }
0x4f: {  	_ =	shalt  }
0x50: {  	_ =	shalt  }
0x51: {  	_ =	shalt  }
0x52: {  	_ =	shalt  }
0x53: {  	_ =	shalt  }
0x54: {  	_ =	shalt  }
0x55: {  	_ =	shalt  }
0x56: {  	_ =	shalt  }
0x57: {  	_ =	shalt  }
0x58: {  	_ =	shalt  }
0x59: {  	_ =	shalt  }
0x5a: {  	_ =	shalt  }
0x5b: {  	_ =	shalt  }
0x5c: {  	_ =	shalt  }
0x5d: {  	_ =	shalt  }
0x5e: {  	_ =	shalt  }
0x5f: {  	_ =	shalt  }
0x60: {  	_ =	shalt  }
0x61: {  	_ =	shalt  }
0x62: {  	_ =	shalt  }
0x63: {  	_ =	shalt  }
0x64: {  	_ =	shalt  }
0x65: {  	_ =	shalt  }
0x66: {  	_ =	shalt  }
0x67: {  	_ =	shalt  }
0x68: {  	_ =	shalt  }
0x69: {  	_ =	shalt  }
0x6a: {  	_ =	shalt  }
0x6b: {  	_ =	shalt  }
0x6c: {  	_ =	shalt  }
0x6d: {  	_ =	shalt  }
0x6e: {  	_ =	shalt  }
0x6f: {  	_ =	shalt  }
0x70: {  	_ =	shalt  }
0x71: {  	_ =	shalt  }
0x72: {  	_ =	shalt  }
0x73: {  	_ =	shalt  }
0x74: {  	_ =	shalt  }
0x75: {  	_ =	shalt  }
0x76: {  	_ =	shalt  }
0x77: {  	_ =	shalt  }
0x78: {  	_ =	shalt  }
0x79: {  	_ =	shalt  }
0x7a: {  	_ =	shalt  }
0x7b: {  	_ =	shalt  }
0x7c: {  	_ =	shalt  }
0x7d: {  	_ =	shalt  }
0x7e: {  	_ =	shalt  }
0x7f: {  	_ =	shalt  }
0x80: {  	_ =	shalt  }
0x81: {  	_ =	shalt  }
0x82: {  	_ =	shalt  }
0x83: {  	_ =	shalt  }
0x84: {  	_ =	shalt  }
0x85: {  	_ =	shalt  }
0x86: {  	_ =	shalt  }
0x87: {  	_ =	shalt  }
.Lfunc_end0:
.L_simem_size_0:
called_computation.1_lowered:
.L_overlay_start_0:
0x88: {  	s2 =	sld [smem:$0x3FD9]  }
0x89: {  	s3 =	sld [smem:$0x3FFE];
	_ =	sdelay $0x1  }
0x8a: {  	s1 =	srdreg.scid  }
0x8b: {  	s0 =	sand.u32 $0x1, s1  }
0x8c: {  	s17 =	sshll.u32 s0, $0xA;
	s2 =	sadd.s32 s3, s2  }
0x8d: {  	s2 =	sadd.s32 s2, s17  }
0x8e: {  	[smem:$0x3FC6] =	sst s2  }
0x8f: {  	_ = 	snop  }
0x90: {  	s2 =	sld [smem:$0x3FD0];
	(tm) =	ssettm $0x1  }
0x91: {  	s18 =	sld [smem:$0x3FFB];
	_ =	sdelay $0x3  }
0x92: {  	_ =	strace s18  }
0x93: {  	s3 =	sld [smem:$0x3FFC];
	_ =	sdelay $0x3  }
0x94: {  	_ =	strace s3  }
0x95: {  	s3 =	sld [smem:$0x3FFD];
	_ =	sdelay $0x3  }
0x96: {  	_ =	strace s3  }
0x97: {  	_ =	strace $0x8FFFFFFF  }
0x98: {  	s19 =	sld [smem:$0x3FDB];
	_ =	sdelay $0x1  }
0x99: {  	s4 =	simm.s32 $_scs_section_size  }
0x9a: {  	s5 =	simm.s32 $_size__tile_overlayer_lowered;
	s6 =	simm.s32 $_tile_overlayer_lowered  }
0x9b: {  	s22 =	simm.s32 $0x1BFF;
	s21 =	sshll.u32 s6, $0x1;
	s3 =	sadd.s32 s4, s19  }
0x9c: {  	s7 =	simm.s32 $0x0;
	s20 =	sshll.u32 s5, $0x1;
	s5 =	sadd.s32 s21, s3  }
0x9d: {  	[timem:s7], [sflag:s22] =	dma.local [hbm:s5], s20  }
0x9e: {  	_ =	swait.ge [sflag:s22], s20  }
0x9f: {  	s4 =	ssub.s32 $0x0, s20;
	[sflag:s22] =	ssyncset.done $0x0  }
0xa0: {  	[sflag:s22] =	ssyncadd.s32 s4;
	_ =	sdelay $0x1  }
0xa1: {  	s23 =	simm.s32 $0x1B8B  }
0xa2: {  	_ =	swait.ge [sflag:s23], $0x1  }
0xa3: {  	[sflag:s23] =	ssyncset.done $0x0  }
0xa4: {  	s25 =	simm.s32 $0x1B8E;
	s24 =	sld [smem:$0x3FFE];
	[sflag:s23] =	ssyncadd.s32 $0xFFFFFFFF  }
0xa5: {  	s26 =	simm.s32 $execute0_lowered;
	[smem:$0x3FD2] =	sst s25  }
0xa6: {  	s5 =	sshll.u32 s26, $0x1;
	_ =	strace $0x80000049;
	[dreg:$0x1] =	wrdreg $0xFFFFFFFF  }
0xa7: {  	s28 =	simm.s32 $_size_execute0_lowered;
	s3 =	sadd.s32 s3, s5;
	[dreg:$0x0] =	wrdreg $0x0  }
0xa8: {  	s5 =	sshll.u32 s28, $0x1;
	[dreg:$0x2] =	wrdreg s3  }
0xa9: {  	[dreg:$0x3] =	wrdreg s5  }
0xaa: {  	[dreg:$0x4] =	wrdreg $0xC0  }
0xab: {  	_ =	task [dreg:s7], $0x5FFFF  }
0xac: {  	[dreg:$0x1] =	wrdreg $0xFFFFFFFF  }
0xad: {  	[dreg:$0x0] =	wrdreg $0x60  }
0xae: {  	[dreg:$0x2] =	wrdreg s2  }
0xaf: {  	[dreg:$0x3] =	wrdreg s24  }
0xb0: {  	[dreg:$0x4] =	wrdreg $0x9  }
0xb1: {  	_ =	task.clear_ibuf [dreg:s7], $0x5FFFF;
	_ =	strace $0x90000049  }
0xb2: {  	s29 =	simm.s32 $0x9;
	_ =	strace $0x8000004B  }
0xb3: {  	_ =	swait.ge [sflag:s29], $0x1  }
0xb4: {  	[sflag:s29] =	ssyncadd.s32 $0xFFFFFFFF  }
0xb5: {  	_ =	strace $0x9000004B  }
0xb6: {  	_ =	sfence  }
0xb7: {  	s30 =	sld [smem:$0x0];
	_ =	sdelay $0x2  }
0xb8: {  	s31 =	sshll.u32 s1, $0xD;
	s1 =	sshrl.u32 s1, $0x2  }
0xb9: {  	s3 =	sand.u32 $0x4000, s31;
	s1 =	sadd.s32 s1, s30  }
0xba: {  	s0 =	sor.u32 s3, s0;
	s1 =	sshll.u32 s1, $0x11  }
0xbb: {  	s0 =	sor.u32 s1, s0  }
0xbc: {  	s0 =	sadd.s32 $0x8F2B, s0  }
0xbd: {  	[sflag:s0] =	ssyncadd.remote.s32 $0x1  }
0xbe: {  	_ =	sfence.sel $0xFFFF  }
0xbf: {  	[dreg:$0x0] =	wrdreg $0xFFFFFFFF;
	(pc) =	sbr.abs _section_cstart, $3  }
0xc0: {  	[dreg:$0x1] =	wrdreg $0xFFFFFFFF  }
0xc1: {  	_ =	task.clear_ibuf [dreg:s7], $0x2FFFF;
	_ =	strace $0x9FFFFFFF  }
0xc2: {  	(tm) =	ssettm $0x7FFFFFFF  }
0xc3: {  	_ =	shalt  }
tec
execute0_lowered:
.L_overlay_start_1:
0x0: {  	(tag) =	ssettag $0x1  }
0x1: {  	s0 =	srdreg.scid;
	s3 =	rddreg [dreg:$0x0]  }
0x2: {  	s1 =	stileid.u32;
	s2 =	rddreg [dreg:$0x1];
	s0 =	sand.u32 $0x1, s0  }
0x3: {  	s4 =	sshll.u32 s1, $0x10;
	s1 =	simm.s32 $0x0;
	s5 =	sshll.u32 s0, $0xF  }
0x4: {  	s7 =	sadd.s32 $0x40A00, s2;
	s19 =	ssub.s32 $0x2, s0;
	s4 =	sor.u32 s5, s4  }
0x5: {  	[smem:$0x7FF] =	sst s1;
	s6 =	sshrl.u32 s19, $0x1;
	s21 =	sor.u32 $0x800, s4  }
0x6: {  	s20 =	sand.u32 $0x38000, s4;
	s22 =	sor.u32 $0x1000, s4;
	s9 =	sadd.s32 s3, s21  }
0x7: {  	s8 =	sor.u32 $0x1800, s4;
	s23 =	sadd.s32 s3, s22;
	[dreg:$0x3] =	wrdreg s9  }
0x8: {  	s25 =	sor.u32 $0x2000, s4;
	s24 =	sadd.s32 s3, s8;
	[dreg:$0x4] =	wrdreg s23  }
0x9: {  	s26 =	sor.u32 $0x2800, s4;
	s5 =	sadd.s32 s7, s21;
	[dreg:$0x5] =	wrdreg s24  }
0xa: {  	s0 =	sadd.s32 s20, s2;
	s10 =	sadd.s32 s3, s25;
	[dreg:$0x6] =	wrdreg s5  }
0xb: {  	s2 =	ssub.s32 s19, s6;
	s6 =	sadd.s32 s7, s22;
	[dreg:$0x7] =	wrdreg s10  }
0xc: {  	s11 =	sadd.s32 s3, s26;
	[dreg:$0x8] =	wrdreg s6  }
0xd: {  	s13 =	sor.u32 $0x3000, s4;
	s12 =	sadd.s32 s7, s8;
	[dreg:$0x9] =	wrdreg s11  }
0xe: {  	s14 =	sor.u32 $0x3800, s4;
	s15 =	sadd.s32 s3, s13;
	[dreg:$0xa] =	wrdreg s12  }
0xf: {  	s16 =	sadd.s32 s3, s14;
	[dreg:$0xb] =	wrdreg s15  }
0x10: {  	s18 =	sor.u32 $0x4000, s4;
	s17 =	sadd.s32 s7, s26;
	[dreg:$0xd] =	wrdreg s16  }
0x11: {  	s20 =	sadd.s32 s3, s18;
	[dreg:$0xe] =	wrdreg s17  }
0x12: {  	s28 =	simm.s32 $0x4;
	s22 =	sadd.s32 s7, s14;
	[dreg:$0xf] =	wrdreg s20  }
0x13: {  	s30 =	simm.s32 $0x7;
	s5 =	sadd.s32 s7, s25;
	[dreg:$0x12] =	wrdreg s22  }
0x14: {  	s19 =	sor.u32 $0x4800, s4;
	s6 =	sadd.s32 s7, s13;
	[dreg:$0xc] =	wrdreg s5  }
0x15: {  	s31 =	simm.s32 $0x2;
	s21 =	sadd.s32 s3, s19;
	[dreg:$0x10] =	wrdreg s6  }
0x16: {  	s26 =	sor.u32 $0x5800, s4;
	s24 =	sadd.s32 s7, s19;
	[dreg:$0x11] =	wrdreg s21  }
0x17: {  	s29 =	simm.s32 $0x5;
	s8 =	sadd.s32 s3, s26;
	[dreg:$0x14] =	wrdreg s24  }
0x18: {  	s14 =	sor.u32 $0x6800, s4;
	s12 =	sadd.s32 s3, s4;
	[dreg:$0x17] =	wrdreg s8  }
0x19: {  	s23 =	sor.u32 $0x5000, s4;
	s13 =	sadd.s32 s7, s4;
	[dreg:$0x1b] =	wrdreg s12  }
0x1a: {  	s9 =	sor.u32 $0x6000, s4;
	s16 =	sadd.s32 s3, s14;
	[dreg:$0x1c] =	wrdreg s13  }
0x1b: {  	s15 =	sor.u32 $0x7000, s4;
	s5 =	sadd.s32 s7, s18;
	[dreg:$0x1d] =	wrdreg s16  }
0x1c: {  	s4 =	sor.u32 $0x7800, s4;
	s25 =	sadd.s32 s3, s23;
	[dreg:$0x13] =	wrdreg s5  }
0x1d: {  	s22 =	sadd.s32 $0x1200, s0;
	s6 =	sadd.s32 s7, s23;
	[dreg:$0x15] =	wrdreg s25  }
0x1e: {  	s10 =	sadd.s32 s3, s9;
	s11 =	sadd.s32 s7, s9;
	[dreg:$0x16] =	wrdreg s6  }
0x1f: {  	s17 =	sadd.s32 s3, s15;
	s3 =	sadd.s32 s3, s4;
	[dreg:$0x19] =	wrdreg s10  }
0x20: {  	s18 =	sadd.s32 s7, s14;
	s19 =	sadd.s32 s7, s15;
	[dreg:$0x1a] =	wrdreg s11  }
0x21: {  	s20 =	sadd.s32 s7, s4;
	s21 =	sadd.s32 $0xA00, s0;
	[dreg:$0x1e] =	wrdreg s17  }
0x22: {  	s23 =	sadd.s32 $0x1A00, s0;
	s24 =	sadd.s32 $0x2200, s0;
	[dreg:$0x1f] =	wrdreg s3  }
0x23: {  	s12 =	sadd.s32 $0x4A00, s0;
	s13 =	sadd.s32 $0x5200, s0;
	[smem:$0x7F5] =	sst s18  }
0x24: {  	s14 =	sadd.s32 $0x5A00, s0;
	s15 =	sadd.s32 $0x6200, s0;
	[smem:$0x7F6] =	sst s19  }
0x25: {  	s16 =	sadd.s32 $0x6A00, s0;
	s5 =	sadd.s32 s7, s26;
	[smem:$0x7F7] =	sst s20  }
0x26: {  	s4 =	simm.s32 $0x9;
	s25 =	sadd.s32 $0x2A00, s0;
	[dreg:$0x18] =	wrdreg s5  }
0x27: {  	s26 =	sadd.s32 $0x3200, s0;
	_ =	strace $0x8000004A;
	[smem:$0x7F8] =	sst s21  }
0x28: {  	s10 =	sadd.s32 $0x3A00, s0;
	s11 =	sadd.s32 $0x4200, s0;
	[smem:$0x7F9] =	sst s22  }
0x29: {  	s17 =	sadd.s32 $0x7200, s0;
	s18 =	sadd.s32 $0x7A00, s0;
	[smem:$0x7FA] =	sst s23  }
0x2a: {  	s19 =	sadd.s32 $0x8200, s0;
	s20 =	smax.u32 s2, $0x1;
	[smem:$0x7FB] =	sst s24  }
0x2b: {  	s0 =	simm.s32 $0x8;
	s2 =	simm.s32 $0x3;
	[smem:$0x7FC] =	sst s25  }
0x2c: {  	s3 =	simm.s32 $0x6;
	s5 =	simm.s32 $0x0;
	[smem:$0x7FD] =	sst s26  }
0x2d: {  	s21 =	simm.s32 $0xC000;
	s22 =	simm.s32 $0x4000;
	s23 =	simm.s32 $0x10000  }
0x2e: {  	s24 =	simm.s32 $0x8000;
	s25 =	simm.s32 $0x14000;
	s26 =	simm.s32 $0x1  }
.LBB2_1:
0x2f: {  	s6 =	rddreg [dreg:$0x1b]  }
0x30: {  	s8 =	sld [smem:$0x7F8]  }
0x31: {  	[tilespmem:s1], [sflag:$0x1] =	stream.linear.gather [hbm4b:s6+s1], $0x4000, $0x38;
	[tilespmem:$0x18000] =	vst v63  }
0x32: {  	s9 =	rddreg [dreg:$0x3]  }
0x33: {  	[tilespmem:s21], [sflag:$0x4] =	stream.linear.gather [hbm4b:s8+s1], $0x4000, $0x38;
	[tilespmem:$0x18000] =	vst v63  }
0x34: {  	s7 =	sld [smem:$0x7F9]  }
0x35: {  	[tilespmem:s22], [sflag:$0x2] =	stream.linear.gather [hbm4b:s9+s1], $0x4000, $0x38;
	[tilespmem:$0x18000] =	vst v63  }
0x36: {  	s8 =	rddreg [dreg:$0x4]  }
0x37: {  	[tilespmem:s23], [sflag:$0x5] =	stream.linear.gather [hbm4b:s7+s1], $0x4000, $0x38;
	[tilespmem:$0x18000] =	vst v63  }
0x38: {  	s9 =	sld [smem:$0x7FA]  }
0x39: {  	[tilespmem:s24], [sflag:$0x3] =	stream.linear.gather [hbm4b:s8+s1], $0x4000, $0x38;
	[tilespmem:$0x18000] =	vst v63  }
0x3a: {  	_ = 	snop  }
0x3b: {  	[tilespmem:s25], [sflag:$0x6] =	stream.linear.gather [hbm4b:s9+s1], $0x4000, $0x38;
	[tilespmem:$0x18000] =	vst v63  }
0x3c: {  	_ =	swait.ge [sflag:s26], $0x4000  }
0x3d: {  	[sflag:s26] =	ssyncset.done $0x0  }
0x3e: {  	[sflag:s26] =	ssyncadd.s32 $0xFFFFC000  }
0x3f: {  	_ =	swait.ge [sflag:s28], $0x4000  }
0x40: {  	[sflag:s28] =	ssyncset.done $0x0  }
0x41: {  	s6 =	simm.s32 $0x80;
	[sflag:s28] =	ssyncadd.s32 $0xFFFFC000  }
0x42: {  	s7 =	simm.s32 $0xC080;
	v1 =	vld [tilespmem:s6+$0x70]  }
0x43: {  	v2 =	vld [tilespmem:s7+$0x70]  }
0x44: {  	v0 =	vld [tilespmem:s7+$0xFFFFFF80]  }
0x45: {  	v3 =	vld [tilespmem:s6+$0xFFFFFF90]  }
0x46: {  	v4 =	vld [tilespmem:s7+$0xFFFFFF90]  }
0x47: {  	v5 =	vld [tilespmem:s6+$0xFFFFFFA0]  }
0x48: {  	v6 =	vld [tilespmem:s7+$0xFFFFFFA0]  }
0x49: {  	v7 =	vld [tilespmem:s6+$0xFFFFFFB0]  }
0x4a: {  	v8 =	vld [tilespmem:s7+$0xFFFFFFB0]  }
0x4b: {  	v9 =	vld [tilespmem:s6+$0xFFFFFFC0]  }
0x4c: {  	v10 =	vld [tilespmem:s7+$0xFFFFFFC0]  }
0x4d: {  	v11 =	vld [tilespmem:s6+$0xFFFFFFD0]  }
0x4e: {  	v12 =	vld [tilespmem:s7+$0xFFFFFFD0]  }
0x4f: {  	v13 =	vld [tilespmem:s6+$0xFFFFFFE0]  }
0x50: {  	v14 =	vld [tilespmem:s7+$0xFFFFFFE0]  }
0x51: {  	v15 =	vld [tilespmem:s6+$0xFFFFFFF0]  }
0x52: {  	v16 =	vld [tilespmem:s7+$0xFFFFFFF0]  }
0x53: {  	v17 =	vld [tilespmem:s6+$0x0]  }
0x54: {  	v61 =	vld [tilespmem:s7+$0x30];
	v1 =	vadd.f32 v2, v1  }
0x55: {  	v2 =	vld [tilespmem:s7+$0x0];
	v3 =	vadd.f32 v4, v3  }
0x56: {  	v4 =	vld [tilespmem:s6+$0x10];
	[tilespmem:s6+$0x70] =	vst v1;
	v1 =	vadd.f32 v6, v5  }
0x57: {  	v5 =	vld [tilespmem:s7+$0x10];
	[tilespmem:s6+$0xFFFFFF90] =	vst v3;
	v3 =	vadd.f32 v8, v7  }
0x58: {  	v6 =	vld [tilespmem:s6+$0x20];
	[tilespmem:s6+$0xFFFFFFA0] =	vst v1;
	v1 =	vadd.f32 v10, v9  }
0x59: {  	v7 =	vld [tilespmem:s7+$0x20];
	[tilespmem:s6+$0xFFFFFFB0] =	vst v3;
	v3 =	vadd.f32 v12, v11  }
0x5a: {  	v8 =	vld [tilespmem:s6+$0x30];
	v2 =	vadd.f32 v2, v17;
	[tilespmem:s6+$0xFFFFFFC0] =	vst v1  }
0x5b: {  	v62 =	vld [tilespmem:s6+$0x40];
	v1 =	vadd.f32 v14, v13;
	[tilespmem:s6+$0xFFFFFFD0] =	vst v3  }
0x5c: {  	v63 =	vld [tilespmem:s7+$0x40];
	v3 =	vadd.f32 v16, v15;
	[tilespmem:s6+$0x0] =	vst v2  }
0x5d: {  	v4 =	vadd.f32 v5, v4;
	[tilespmem:s6+$0xFFFFFFE0] =	vst v1;
	v1 =	vld [tilespmem:s6+$0x50]  }
0x5e: {  	v5 =	vadd.f32 v7, v6;
	[tilespmem:s6+$0xFFFFFFF0] =	vst v3;
	v3 =	vld [tilespmem:s7+$0x50]  }
0x5f: {  	v6 =	vadd.f32 v61, v8;
	v2 =	vld [tilespmem:s6+$0x60];
	[tilespmem:s6+$0x10] =	vst v4  }
0x60: {  	[tilespmem:s6+$0x20] =	vst v5;
	v5 =	vld [tilespmem:s7+$0x60]  }
0x61: {  	s8 =	simm.s32 $0x0;
	s9 =	simm.s32 $0x180;
	v4 =	vld [tilespmem:s6+$0xFFFFFF80];
	[tilespmem:s6+$0x30] =	vst v6;
	v6 =	vadd.f32 v63, v62  }
.LBB2_2:
0x62: {  	v7 =	vld [tilespmem:s9+$0x70];
	s7 =	sadd.s32 $0x100, s7  }
0x63: {  	s8 =	sadd.s32 $0x100, s8;
	v8 =	vld [tilespmem:s7+$0x70];
	[tilespmem:s6+$0x40] =	vst v6;
	v1 =	vadd.f32 v3, v1  }
0x64: {  	p0 =	slt.u32 s8, $0x3F00;
	v3 =	vld [tilespmem:s7+$0xFFFFFF80]  }
0x65: {  	v6 =	vld [tilespmem:s9+$0xFFFFFF90];
	[tilespmem:s6+$0x50] =	vst v1;
	v1 =	vadd.f32 v5, v2  }
0x66: {  	v2 =	vld [tilespmem:s7+$0xFFFFFF90];
	v9 =	vadd.f32 v0, v4  }
0x67: {  	v4 =	vld [tilespmem:s9+$0xFFFFFFA0];
	[tilespmem:s6+$0x60] =	vst v1  }
0x68: {  	v1 =	vld [tilespmem:s7+$0xFFFFFFA0];
	v5 =	vadd.f32 v8, v7;
	[tilespmem:s6+$0xFFFFFF80] =	vst v9;
	s6 =	smov.u32 s9  }
0x69: {  	v7 =	vld [tilespmem:s9+$0xFFFFFFB0];
	v0 =	vmov v3  }
0x6a: {  	v3 =	vld [tilespmem:s7+$0xFFFFFFB0];
	[tilespmem:s9+$0x70] =	vst v5  }
0x6b: {  	v2 =	vadd.f32 v2, v6;
	v5 =	vld [tilespmem:s9+$0xFFFFFFC0]  }
0x6c: {  	v6 =	vld [tilespmem:s7+$0xFFFFFFC0]  }
0x6d: {  	[tilespmem:s9+$0xFFFFFF90] =	vst v2;
	v1 =	vadd.f32 v1, v4;
	v2 =	vld [tilespmem:s9+$0xFFFFFFD0]  }
0x6e: {  	v4 =	vld [tilespmem:s7+$0xFFFFFFD0]  }
0x6f: {  	[tilespmem:s9+$0xFFFFFFA0] =	vst v1;
	v1 =	vadd.f32 v3, v7;
	v3 =	vld [tilespmem:s9+$0xFFFFFFE0]  }
0x70: {  	v7 =	vld [tilespmem:s7+$0xFFFFFFE0]  }
0x71: {  	[tilespmem:s9+$0xFFFFFFB0] =	vst v1;
	v1 =	vadd.f32 v6, v5;
	v5 =	vld [tilespmem:s9+$0xFFFFFFF0]  }
0x72: {  	v6 =	vld [tilespmem:s7+$0xFFFFFFF0]  }
0x73: {  	[tilespmem:s9+$0xFFFFFFC0] =	vst v1;
	v1 =	vadd.f32 v4, v2;
	v2 =	vld [tilespmem:s9+$0x0]  }
0x74: {  	v4 =	vld [tilespmem:s7+$0x0]  }
0x75: {  	[tilespmem:s9+$0xFFFFFFD0] =	vst v1;
	v1 =	vadd.f32 v7, v3;
	v3 =	vld [tilespmem:s9+$0x10]  }
0x76: {  	v7 =	vld [tilespmem:s7+$0x10]  }
0x77: {  	[tilespmem:s9+$0xFFFFFFE0] =	vst v1;
	v1 =	vadd.f32 v6, v5;
	v5 =	vld [tilespmem:s9+$0x20]  }
0x78: {  	v6 =	vld [tilespmem:s7+$0x20]  }
0x79: {  	[tilespmem:s9+$0xFFFFFFF0] =	vst v1;
	v1 =	vadd.f32 v4, v2;
	v2 =	vld [tilespmem:s9+$0x30]  }
0x7a: {  	v4 =	vld [tilespmem:s7+$0x30]  }
0x7b: {  	[tilespmem:s9+$0x0] =	vst v1;
	v1 =	vadd.f32 v7, v3;
	v7 =	vld [tilespmem:s9+$0x40]  }
0x7c: {  	v8 =	vld [tilespmem:s7+$0x40]  }
.Ltmp0:
0x7d: {  	[tilespmem:s9+$0x10] =	vst v1;
	v5 =	vadd.f32 v6, v5;
	v1 =	vld [tilespmem:s9+$0x50];
	(pc) =	sbr.rel @p0 .LBB2_2-.Ltmp0, $4  }
0x7e: {  	v3 =	vld [tilespmem:s7+$0x50]  }
0x7f: {  	[tilespmem:s9+$0x20] =	vst v5;
	v6 =	vadd.f32 v4, v2;
	v2 =	vld [tilespmem:s9+$0x60]  }
0x80: {  	v5 =	vld [tilespmem:s7+$0x60]  }
0x81: {  	s9 =	sadd.s32 $0x100, s9;
	v4 =	vld [tilespmem:s6+$0xFFFFFF80];
	[tilespmem:s6+$0x30] =	vst v6;
	v6 =	vadd.f32 v8, v7  }
0x82: {  	_ =	sdelay $0x1  }
0x83: {  	v1 =	vadd.f32 v3, v1  }
0x84: {  	[tilespmem:s6+$0x40] =	vst v6;
	v2 =	vadd.f32 v5, v2  }
0x85: {  	[tilespmem:s6+$0x50] =	vst v1;
	v0 =	vadd.f32 v0, v4  }
0x86: {  	[tilespmem:s6+$0x60] =	vst v2  }
0x87: {  	[tilespmem:s6+$0xFFFFFF80] =	vst v0  }
0x88: {  	s6 =	rddreg [dreg:$0x1c]  }
0x89: {  	[hbm4b:s6+s1] =	stream.linear.scatter [tilespmem:s1], [sflag:$0x7], $0x4000, $0x38;
	[tilespmem:$0x18000] =	vst v63  }
0x8a: {  	_ =	swait.ge [sflag:s30], $0x4000  }
0x8b: {  	[sflag:s30] =	ssyncset.done $0x0;
	s8 =	rddreg [dreg:$0x5]  }
0x8c: {  	s9 =	sld [smem:$0x7FB];
	[sflag:s30] =	ssyncadd.s32 $0xFFFFC000  }
0x8d: {  	[tilespmem:s1], [sflag:$0x1] =	stream.linear.gather [hbm4b:s8+s1], $0x4000, $0x38;
	[tilespmem:$0x18000] =	vst v63  }
0x8e: {  	_ = 	snop  }
0x8f: {  	[tilespmem:s21], [sflag:$0x4] =	stream.linear.gather [hbm4b:s9+s1], $0x4000, $0x38;
	[tilespmem:$0x18000] =	vst v63  }
0x90: {  	_ =	swait.ge [sflag:s31], $0x4000  }
0x91: {  	[sflag:s31] =	ssyncset.done $0x0  }
0x92: {  	[sflag:s31] =	ssyncadd.s32 $0xFFFFC000  }
0x93: {  	_ =	swait.ge [sflag:s29], $0x4000  }
0x94: {  	[sflag:s29] =	ssyncset.done $0x0  }
0x95: {  	s6 =	simm.s32 $0x4080;
	[sflag:s29] =	ssyncadd.s32 $0xFFFFC000  }
0x96: {  	s7 =	simm.s32 $0x10080;
	v1 =	vld [tilespmem:s6+$0x70]  }
0x97: {  	v2 =	vld [tilespmem:s7+$0x70]  }
0x98: {  	v0 =	vld [tilespmem:s7+$0xFFFFFF80]  }
0x99: {  	v3 =	vld [tilespmem:s6+$0xFFFFFF90]  }
0x9a: {  	v4 =	vld [tilespmem:s7+$0xFFFFFF90]  }
0x9b: {  	v5 =	vld [tilespmem:s6+$0xFFFFFFA0]  }
0x9c: {  	v6 =	vld [tilespmem:s7+$0xFFFFFFA0]  }
0x9d: {  	v7 =	vld [tilespmem:s6+$0xFFFFFFB0]  }
0x9e: {  	v8 =	vld [tilespmem:s7+$0xFFFFFFB0]  }
0x9f: {  	v9 =	vld [tilespmem:s6+$0xFFFFFFC0]  }
0xa0: {  	v10 =	vld [tilespmem:s7+$0xFFFFFFC0]  }
0xa1: {  	v11 =	vld [tilespmem:s6+$0xFFFFFFD0]  }
0xa2: {  	v12 =	vld [tilespmem:s7+$0xFFFFFFD0]  }
0xa3: {  	v13 =	vld [tilespmem:s6+$0xFFFFFFE0]  }
0xa4: {  	v14 =	vld [tilespmem:s7+$0xFFFFFFE0]  }
0xa5: {  	v15 =	vld [tilespmem:s6+$0xFFFFFFF0]  }
0xa6: {  	v16 =	vld [tilespmem:s7+$0xFFFFFFF0]  }
0xa7: {  	v17 =	vld [tilespmem:s6+$0x0]  }
0xa8: {  	v61 =	vld [tilespmem:s7+$0x30];
	v1 =	vadd.f32 v2, v1  }
0xa9: {  	v2 =	vld [tilespmem:s7+$0x0];
	v3 =	vadd.f32 v4, v3  }
0xaa: {  	v4 =	vld [tilespmem:s6+$0x10];
	[tilespmem:s6+$0x70] =	vst v1;
	v1 =	vadd.f32 v6, v5  }
0xab: {  	v5 =	vld [tilespmem:s7+$0x10];
	[tilespmem:s6+$0xFFFFFF90] =	vst v3;
	v3 =	vadd.f32 v8, v7  }
0xac: {  	v6 =	vld [tilespmem:s6+$0x20];
	[tilespmem:s6+$0xFFFFFFA0] =	vst v1;
	v1 =	vadd.f32 v10, v9  }
0xad: {  	v7 =	vld [tilespmem:s7+$0x20];
	[tilespmem:s6+$0xFFFFFFB0] =	vst v3;
	v3 =	vadd.f32 v12, v11  }
0xae: {  	v8 =	vld [tilespmem:s6+$0x30];
	v2 =	vadd.f32 v2, v17;
	[tilespmem:s6+$0xFFFFFFC0] =	vst v1  }
0xaf: {  	v62 =	vld [tilespmem:s6+$0x40];
	v1 =	vadd.f32 v14, v13;
	[tilespmem:s6+$0xFFFFFFD0] =	vst v3  }
0xb0: {  	v63 =	vld [tilespmem:s7+$0x40];
	v3 =	vadd.f32 v16, v15;
	[tilespmem:s6+$0x0] =	vst v2  }
0xb1: {  	v4 =	vadd.f32 v5, v4;
	[tilespmem:s6+$0xFFFFFFE0] =	vst v1;
	v1 =	vld [tilespmem:s6+$0x50]  }
0xb2: {  	v5 =	vadd.f32 v7, v6;
	[tilespmem:s6+$0xFFFFFFF0] =	vst v3;
	v3 =	vld [tilespmem:s7+$0x50]  }
0xb3: {  	v6 =	vadd.f32 v61, v8;
	v2 =	vld [tilespmem:s6+$0x60];
	[tilespmem:s6+$0x10] =	vst v4  }
0xb4: {  	[tilespmem:s6+$0x20] =	vst v5;
	v5 =	vld [tilespmem:s7+$0x60]  }
0xb5: {  	s8 =	simm.s32 $0x0;
	s9 =	simm.s32 $0x4180;
	v4 =	vld [tilespmem:s6+$0xFFFFFF80];
	[tilespmem:s6+$0x30] =	vst v6;
	v6 =	vadd.f32 v63, v62  }
.LBB2_4:
0xb6: {  	v7 =	vld [tilespmem:s9+$0x70];
	s7 =	sadd.s32 $0x100, s7  }
0xb7: {  	s8 =	sadd.s32 $0x100, s8;
	v8 =	vld [tilespmem:s7+$0x70];
	[tilespmem:s6+$0x40] =	vst v6;
	v1 =	vadd.f32 v3, v1  }
0xb8: {  	p0 =	slt.u32 s8, $0x3F00;
	v3 =	vld [tilespmem:s7+$0xFFFFFF80]  }
0xb9: {  	v6 =	vld [tilespmem:s9+$0xFFFFFF90];
	[tilespmem:s6+$0x50] =	vst v1;
	v1 =	vadd.f32 v5, v2  }
0xba: {  	v2 =	vld [tilespmem:s7+$0xFFFFFF90];
	v9 =	vadd.f32 v0, v4  }
0xbb: {  	v4 =	vld [tilespmem:s9+$0xFFFFFFA0];
	[tilespmem:s6+$0x60] =	vst v1  }
0xbc: {  	v1 =	vld [tilespmem:s7+$0xFFFFFFA0];
	v5 =	vadd.f32 v8, v7;
	[tilespmem:s6+$0xFFFFFF80] =	vst v9;
	s6 =	smov.u32 s9  }
0xbd: {  	v7 =	vld [tilespmem:s9+$0xFFFFFFB0];
	v0 =	vmov v3  }
0xbe: {  	v3 =	vld [tilespmem:s7+$0xFFFFFFB0];
	[tilespmem:s9+$0x70] =	vst v5  }
0xbf: {  	v2 =	vadd.f32 v2, v6;
	v5 =	vld [tilespmem:s9+$0xFFFFFFC0]  }
0xc0: {  	v6 =	vld [tilespmem:s7+$0xFFFFFFC0]  }
0xc1: {  	[tilespmem:s9+$0xFFFFFF90] =	vst v2;
	v1 =	vadd.f32 v1, v4;
	v2 =	vld [tilespmem:s9+$0xFFFFFFD0]  }
0xc2: {  	v4 =	vld [tilespmem:s7+$0xFFFFFFD0]  }
0xc3: {  	[tilespmem:s9+$0xFFFFFFA0] =	vst v1;
	v1 =	vadd.f32 v3, v7;
	v3 =	vld [tilespmem:s9+$0xFFFFFFE0]  }
0xc4: {  	v7 =	vld [tilespmem:s7+$0xFFFFFFE0]  }
0xc5: {  	[tilespmem:s9+$0xFFFFFFB0] =	vst v1;
	v1 =	vadd.f32 v6, v5;
	v5 =	vld [tilespmem:s9+$0xFFFFFFF0]  }
0xc6: {  	v6 =	vld [tilespmem:s7+$0xFFFFFFF0]  }
0xc7: {  	[tilespmem:s9+$0xFFFFFFC0] =	vst v1;
	v1 =	vadd.f32 v4, v2;
	v2 =	vld [tilespmem:s9+$0x0]  }
0xc8: {  	v4 =	vld [tilespmem:s7+$0x0]  }
0xc9: {  	[tilespmem:s9+$0xFFFFFFD0] =	vst v1;
	v1 =	vadd.f32 v7, v3;
	v3 =	vld [tilespmem:s9+$0x10]  }
0xca: {  	v7 =	vld [tilespmem:s7+$0x10]  }
0xcb: {  	[tilespmem:s9+$0xFFFFFFE0] =	vst v1;
	v1 =	vadd.f32 v6, v5;
	v5 =	vld [tilespmem:s9+$0x20]  }
0xcc: {  	v6 =	vld [tilespmem:s7+$0x20]  }
0xcd: {  	[tilespmem:s9+$0xFFFFFFF0] =	vst v1;
	v1 =	vadd.f32 v4, v2;
	v2 =	vld [tilespmem:s9+$0x30]  }
0xce: {  	v4 =	vld [tilespmem:s7+$0x30]  }
0xcf: {  	[tilespmem:s9+$0x0] =	vst v1;
	v1 =	vadd.f32 v7, v3;
	v7 =	vld [tilespmem:s9+$0x40]  }
0xd0: {  	v8 =	vld [tilespmem:s7+$0x40]  }
.Ltmp1:
0xd1: {  	[tilespmem:s9+$0x10] =	vst v1;
	v5 =	vadd.f32 v6, v5;
	v1 =	vld [tilespmem:s9+$0x50];
	(pc) =	sbr.rel @p0 .LBB2_4-.Ltmp1, $4  }
0xd2: {  	v3 =	vld [tilespmem:s7+$0x50]  }
0xd3: {  	[tilespmem:s9+$0x20] =	vst v5;
	v6 =	vadd.f32 v4, v2;
	v2 =	vld [tilespmem:s9+$0x60]  }
0xd4: {  	v5 =	vld [tilespmem:s7+$0x60]  }
0xd5: {  	s9 =	sadd.s32 $0x100, s9;
	v4 =	vld [tilespmem:s6+$0xFFFFFF80];
	[tilespmem:s6+$0x30] =	vst v6;
	v6 =	vadd.f32 v8, v7  }
0xd6: {  	_ =	sdelay $0x1  }
0xd7: {  	v1 =	vadd.f32 v3, v1  }
0xd8: {  	[tilespmem:s6+$0x40] =	vst v6;
	v2 =	vadd.f32 v5, v2  }
0xd9: {  	[tilespmem:s6+$0x50] =	vst v1;
	v0 =	vadd.f32 v0, v4  }
0xda: {  	[tilespmem:s6+$0x60] =	vst v2  }
0xdb: {  	[tilespmem:s6+$0xFFFFFF80] =	vst v0  }
0xdc: {  	s6 =	rddreg [dreg:$0x6]  }
0xdd: {  	[hbm4b:s6+s1] =	stream.linear.scatter [tilespmem:s22], [sflag:$0x8], $0x4000, $0x38;
	[tilespmem:$0x18000] =	vst v63  }
0xde: {  	_ =	swait.ge [sflag:s0], $0x4000  }
0xdf: {  	[sflag:s0] =	ssyncset.done $0x0;
	s8 =	rddreg [dreg:$0x7]  }
0xe0: {  	s9 =	sld [smem:$0x7FC];
	[sflag:s0] =	ssyncadd.s32 $0xFFFFC000  }
0xe1: {  	[tilespmem:s22], [sflag:$0x2] =	stream.linear.gather [hbm4b:s8+s1], $0x4000, $0x38;
	[tilespmem:$0x18000] =	vst v63  }
0xe2: {  	_ = 	snop  }
0xe3: {  	[tilespmem:s23], [sflag:$0x5] =	stream.linear.gather [hbm4b:s9+s1], $0x4000, $0x38;
	[tilespmem:$0x18000] =	vst v63  }
0xe4: {  	_ =	swait.ge [sflag:s2], $0x4000  }
0xe5: {  	[sflag:s2] =	ssyncset.done $0x0  }
0xe6: {  	[sflag:s2] =	ssyncadd.s32 $0xFFFFC000  }
0xe7: {  	_ =	swait.ge [sflag:s3], $0x4000  }
0xe8: {  	[sflag:s3] =	ssyncset.done $0x0  }
0xe9: {  	s6 =	simm.s32 $0x8080;
	[sflag:s3] =	ssyncadd.s32 $0xFFFFC000  }
0xea: {  	s7 =	simm.s32 $0x14080;
	v1 =	vld [tilespmem:s6+$0x70]  }
0xeb: {  	v2 =	vld [tilespmem:s7+$0x70]  }
0xec: {  	v0 =	vld [tilespmem:s7+$0xFFFFFF80]  }
0xed: {  	v3 =	vld [tilespmem:s6+$0xFFFFFF90]  }
0xee: {  	v4 =	vld [tilespmem:s7+$0xFFFFFF90]  }
0xef: {  	v5 =	vld [tilespmem:s6+$0xFFFFFFA0]  }
0xf0: {  	v6 =	vld [tilespmem:s7+$0xFFFFFFA0]  }
0xf1: {  	v7 =	vld [tilespmem:s6+$0xFFFFFFB0]  }
0xf2: {  	v8 =	vld [tilespmem:s7+$0xFFFFFFB0]  }
0xf3: {  	v9 =	vld [tilespmem:s6+$0xFFFFFFC0]  }
0xf4: {  	v10 =	vld [tilespmem:s7+$0xFFFFFFC0]  }
0xf5: {  	v11 =	vld [tilespmem:s6+$0xFFFFFFD0]  }
0xf6: {  	v12 =	vld [tilespmem:s7+$0xFFFFFFD0]  }
0xf7: {  	v13 =	vld [tilespmem:s6+$0xFFFFFFE0]  }
0xf8: {  	v14 =	vld [tilespmem:s7+$0xFFFFFFE0]  }
0xf9: {  	v15 =	vld [tilespmem:s6+$0xFFFFFFF0]  }
0xfa: {  	v16 =	vld [tilespmem:s7+$0xFFFFFFF0]  }
0xfb: {  	v17 =	vld [tilespmem:s6+$0x0]  }
0xfc: {  	v61 =	vld [tilespmem:s7+$0x30];
	v1 =	vadd.f32 v2, v1  }
0xfd: {  	v2 =	vld [tilespmem:s7+$0x0];
	v3 =	vadd.f32 v4, v3  }
0xfe: {  	v4 =	vld [tilespmem:s6+$0x10];
	[tilespmem:s6+$0x70] =	vst v1;
	v1 =	vadd.f32 v6, v5  }
0xff: {  	v5 =	vld [tilespmem:s7+$0x10];
	[tilespmem:s6+$0xFFFFFF90] =	vst v3;
	v3 =	vadd.f32 v8, v7  }
0x100: {  	v6 =	vld [tilespmem:s6+$0x20];
	[tilespmem:s6+$0xFFFFFFA0] =	vst v1;
	v1 =	vadd.f32 v10, v9  }
0x101: {  	v7 =	vld [tilespmem:s7+$0x20];
	[tilespmem:s6+$0xFFFFFFB0] =	vst v3;
	v3 =	vadd.f32 v12, v11  }
0x102: {  	v8 =	vld [tilespmem:s6+$0x30];
	v2 =	vadd.f32 v2, v17;
	[tilespmem:s6+$0xFFFFFFC0] =	vst v1  }
0x103: {  	v62 =	vld [tilespmem:s6+$0x40];
	v1 =	vadd.f32 v14, v13;
	[tilespmem:s6+$0xFFFFFFD0] =	vst v3  }
0x104: {  	v63 =	vld [tilespmem:s7+$0x40];
	v3 =	vadd.f32 v16, v15;
	[tilespmem:s6+$0x0] =	vst v2  }
0x105: {  	v4 =	vadd.f32 v5, v4;
	[tilespmem:s6+$0xFFFFFFE0] =	vst v1;
	v1 =	vld [tilespmem:s6+$0x50]  }
0x106: {  	v5 =	vadd.f32 v7, v6;
	[tilespmem:s6+$0xFFFFFFF0] =	vst v3;
	v3 =	vld [tilespmem:s7+$0x50]  }
0x107: {  	v6 =	vadd.f32 v61, v8;
	v2 =	vld [tilespmem:s6+$0x60];
	[tilespmem:s6+$0x10] =	vst v4  }
0x108: {  	[tilespmem:s6+$0x20] =	vst v5;
	v5 =	vld [tilespmem:s7+$0x60]  }
0x109: {  	s8 =	simm.s32 $0x0;
	s9 =	simm.s32 $0x8180;
	v4 =	vld [tilespmem:s6+$0xFFFFFF80];
	[tilespmem:s6+$0x30] =	vst v6;
	v6 =	vadd.f32 v63, v62  }
.LBB2_6:
0x10a: {  	v7 =	vld [tilespmem:s9+$0x70];
	s7 =	sadd.s32 $0x100, s7  }
0x10b: {  	s8 =	sadd.s32 $0x100, s8;
	v8 =	vld [tilespmem:s7+$0x70];
	[tilespmem:s6+$0x40] =	vst v6;
	v1 =	vadd.f32 v3, v1  }
0x10c: {  	p0 =	slt.u32 s8, $0x3F00;
	v3 =	vld [tilespmem:s7+$0xFFFFFF80]  }
0x10d: {  	v6 =	vld [tilespmem:s9+$0xFFFFFF90];
	[tilespmem:s6+$0x50] =	vst v1;
	v1 =	vadd.f32 v5, v2  }
0x10e: {  	v2 =	vld [tilespmem:s7+$0xFFFFFF90];
	v9 =	vadd.f32 v0, v4  }
0x10f: {  	v4 =	vld [tilespmem:s9+$0xFFFFFFA0];
	[tilespmem:s6+$0x60] =	vst v1  }
0x110: {  	v1 =	vld [tilespmem:s7+$0xFFFFFFA0];
	v5 =	vadd.f32 v8, v7;
	[tilespmem:s6+$0xFFFFFF80] =	vst v9;
	s6 =	smov.u32 s9  }
0x111: {  	v7 =	vld [tilespmem:s9+$0xFFFFFFB0];
	v0 =	vmov v3  }
0x112: {  	v3 =	vld [tilespmem:s7+$0xFFFFFFB0];
	[tilespmem:s9+$0x70] =	vst v5  }
0x113: {  	v2 =	vadd.f32 v2, v6;
	v5 =	vld [tilespmem:s9+$0xFFFFFFC0]  }
0x114: {  	v6 =	vld [tilespmem:s7+$0xFFFFFFC0]  }
0x115: {  	[tilespmem:s9+$0xFFFFFF90] =	vst v2;
	v1 =	vadd.f32 v1, v4;
	v2 =	vld [tilespmem:s9+$0xFFFFFFD0]  }
0x116: {  	v4 =	vld [tilespmem:s7+$0xFFFFFFD0]  }
0x117: {  	[tilespmem:s9+$0xFFFFFFA0] =	vst v1;
	v1 =	vadd.f32 v3, v7;
	v3 =	vld [tilespmem:s9+$0xFFFFFFE0]  }
0x118: {  	v7 =	vld [tilespmem:s7+$0xFFFFFFE0]  }
0x119: {  	[tilespmem:s9+$0xFFFFFFB0] =	vst v1;
	v1 =	vadd.f32 v6, v5;
	v5 =	vld [tilespmem:s9+$0xFFFFFFF0]  }
0x11a: {  	v6 =	vld [tilespmem:s7+$0xFFFFFFF0]  }
0x11b: {  	[tilespmem:s9+$0xFFFFFFC0] =	vst v1;
	v1 =	vadd.f32 v4, v2;
	v2 =	vld [tilespmem:s9+$0x0]  }
0x11c: {  	v4 =	vld [tilespmem:s7+$0x0]  }
0x11d: {  	[tilespmem:s9+$0xFFFFFFD0] =	vst v1;
	v1 =	vadd.f32 v7, v3;
	v3 =	vld [tilespmem:s9+$0x10]  }
0x11e: {  	v7 =	vld [tilespmem:s7+$0x10]  }
0x11f: {  	[tilespmem:s9+$0xFFFFFFE0] =	vst v1;
	v1 =	vadd.f32 v6, v5;
	v5 =	vld [tilespmem:s9+$0x20]  }
0x120: {  	v6 =	vld [tilespmem:s7+$0x20]  }
0x121: {  	[tilespmem:s9+$0xFFFFFFF0] =	vst v1;
	v1 =	vadd.f32 v4, v2;
	v2 =	vld [tilespmem:s9+$0x30]  }
0x122: {  	v4 =	vld [tilespmem:s7+$0x30]  }
0x123: {  	[tilespmem:s9+$0x0] =	vst v1;
	v1 =	vadd.f32 v7, v3;
	v7 =	vld [tilespmem:s9+$0x40]  }
0x124: {  	v8 =	vld [tilespmem:s7+$0x40]  }
.Ltmp2:
0x125: {  	[tilespmem:s9+$0x10] =	vst v1;
	v5 =	vadd.f32 v6, v5;
	v1 =	vld [tilespmem:s9+$0x50];
	(pc) =	sbr.rel @p0 .LBB2_6-.Ltmp2, $4  }
0x126: {  	v3 =	vld [tilespmem:s7+$0x50]  }
0x127: {  	[tilespmem:s9+$0x20] =	vst v5;
	v6 =	vadd.f32 v4, v2;
	v2 =	vld [tilespmem:s9+$0x60]  }
0x128: {  	v5 =	vld [tilespmem:s7+$0x60]  }
0x129: {  	s9 =	sadd.s32 $0x100, s9;
	v4 =	vld [tilespmem:s6+$0xFFFFFF80];
	[tilespmem:s6+$0x30] =	vst v6;
	v6 =	vadd.f32 v8, v7  }
0x12a: {  	_ =	sdelay $0x1  }
0x12b: {  	v1 =	vadd.f32 v3, v1  }
0x12c: {  	[tilespmem:s6+$0x40] =	vst v6;
	v2 =	vadd.f32 v5, v2  }
0x12d: {  	[tilespmem:s6+$0x50] =	vst v1;
	v0 =	vadd.f32 v0, v4  }
0x12e: {  	[tilespmem:s6+$0x60] =	vst v2  }
0x12f: {  	[tilespmem:s6+$0xFFFFFF80] =	vst v0  }
0x130: {  	s6 =	rddreg [dreg:$0x8]  }
0x131: {  	[hbm4b:s6+s1] =	stream.linear.scatter [tilespmem:s24], [sflag:$0x9], $0x4000, $0x38;
	[tilespmem:$0x18000] =	vst v63  }
0x132: {  	_ =	swait.ge [sflag:s4], $0x4000  }
0x133: {  	[sflag:s4] =	ssyncset.done $0x0;
	s8 =	rddreg [dreg:$0x9]  }
0x134: {  	s9 =	sld [smem:$0x7FD];
	[sflag:s4] =	ssyncadd.s32 $0xFFFFC000  }
0x135: {  	[tilespmem:s24], [sflag:$0x3] =	stream.linear.gather [hbm4b:s8+s1], $0x4000, $0x38;
	[tilespmem:$0x18000] =	vst v63  }
0x136: {  	_ = 	snop  }
0x137: {  	[tilespmem:s25], [sflag:$0x6] =	stream.linear.gather [hbm4b:s9+s1], $0x4000, $0x38;
	[tilespmem:$0x18000] =	vst v63  }
0x138: {  	_ =	swait.ge [sflag:s26], $0x4000  }
0x139: {  	[sflag:s26] =	ssyncset.done $0x0  }
0x13a: {  	[sflag:s26] =	ssyncadd.s32 $0xFFFFC000  }
0x13b: {  	_ =	swait.ge [sflag:s28], $0x4000  }
0x13c: {  	[sflag:s28] =	ssyncset.done $0x0  }
0x13d: {  	s6 =	simm.s32 $0x80;
	[sflag:s28] =	ssyncadd.s32 $0xFFFFC000  }
0x13e: {  	s7 =	simm.s32 $0xC080;
	v1 =	vld [tilespmem:s6+$0x70]  }
0x13f: {  	v2 =	vld [tilespmem:s7+$0x70]  }
0x140: {  	v0 =	vld [tilespmem:s7+$0xFFFFFF80]  }
0x141: {  	v3 =	vld [tilespmem:s6+$0xFFFFFF90]  }
0x142: {  	v4 =	vld [tilespmem:s7+$0xFFFFFF90]  }
0x143: {  	v5 =	vld [tilespmem:s6+$0xFFFFFFA0]  }
0x144: {  	v6 =	vld [tilespmem:s7+$0xFFFFFFA0]  }
0x145: {  	v7 =	vld [tilespmem:s6+$0xFFFFFFB0]  }
0x146: {  	v8 =	vld [tilespmem:s7+$0xFFFFFFB0]  }
0x147: {  	v9 =	vld [tilespmem:s6+$0xFFFFFFC0]  }
0x148: {  	v10 =	vld [tilespmem:s7+$0xFFFFFFC0]  }
0x149: {  	v11 =	vld [tilespmem:s6+$0xFFFFFFD0]  }
0x14a: {  	v12 =	vld [tilespmem:s7+$0xFFFFFFD0]  }
0x14b: {  	v13 =	vld [tilespmem:s6+$0xFFFFFFE0]  }
0x14c: {  	v14 =	vld [tilespmem:s7+$0xFFFFFFE0]  }
0x14d: {  	v15 =	vld [tilespmem:s6+$0xFFFFFFF0]  }
0x14e: {  	v16 =	vld [tilespmem:s7+$0xFFFFFFF0]  }
0x14f: {  	v17 =	vld [tilespmem:s6+$0x0]  }
0x150: {  	v61 =	vld [tilespmem:s7+$0x30];
	v1 =	vadd.f32 v2, v1  }
0x151: {  	v2 =	vld [tilespmem:s7+$0x0];
	v3 =	vadd.f32 v4, v3  }
0x152: {  	v4 =	vld [tilespmem:s6+$0x10];
	[tilespmem:s6+$0x70] =	vst v1;
	v1 =	vadd.f32 v6, v5  }
0x153: {  	v5 =	vld [tilespmem:s7+$0x10];
	[tilespmem:s6+$0xFFFFFF90] =	vst v3;
	v3 =	vadd.f32 v8, v7  }
0x154: {  	v6 =	vld [tilespmem:s6+$0x20];
	[tilespmem:s6+$0xFFFFFFA0] =	vst v1;
	v1 =	vadd.f32 v10, v9  }
0x155: {  	v7 =	vld [tilespmem:s7+$0x20];
	[tilespmem:s6+$0xFFFFFFB0] =	vst v3;
	v3 =	vadd.f32 v12, v11  }
0x156: {  	v8 =	vld [tilespmem:s6+$0x30];
	v2 =	vadd.f32 v2, v17;
	[tilespmem:s6+$0xFFFFFFC0] =	vst v1  }
0x157: {  	v62 =	vld [tilespmem:s6+$0x40];
	v1 =	vadd.f32 v14, v13;
	[tilespmem:s6+$0xFFFFFFD0] =	vst v3  }
0x158: {  	v63 =	vld [tilespmem:s7+$0x40];
	v3 =	vadd.f32 v16, v15;
	[tilespmem:s6+$0x0] =	vst v2  }
0x159: {  	v4 =	vadd.f32 v5, v4;
	[tilespmem:s6+$0xFFFFFFE0] =	vst v1;
	v1 =	vld [tilespmem:s6+$0x50]  }
0x15a: {  	v5 =	vadd.f32 v7, v6;
	[tilespmem:s6+$0xFFFFFFF0] =	vst v3;
	v3 =	vld [tilespmem:s7+$0x50]  }
0x15b: {  	v6 =	vadd.f32 v61, v8;
	v2 =	vld [tilespmem:s6+$0x60];
	[tilespmem:s6+$0x10] =	vst v4  }
0x15c: {  	[tilespmem:s6+$0x20] =	vst v5;
	v5 =	vld [tilespmem:s7+$0x60]  }
0x15d: {  	s8 =	simm.s32 $0x0;
	s9 =	simm.s32 $0x180;
	v4 =	vld [tilespmem:s6+$0xFFFFFF80];
	[tilespmem:s6+$0x30] =	vst v6;
	v6 =	vadd.f32 v63, v62  }
.LBB2_8:
0x15e: {  	v7 =	vld [tilespmem:s9+$0x70];
	s7 =	sadd.s32 $0x100, s7  }
0x15f: {  	s8 =	sadd.s32 $0x100, s8;
	v8 =	vld [tilespmem:s7+$0x70];
	[tilespmem:s6+$0x40] =	vst v6;
	v1 =	vadd.f32 v3, v1  }
0x160: {  	p0 =	slt.u32 s8, $0x3F00;
	v3 =	vld [tilespmem:s7+$0xFFFFFF80]  }
0x161: {  	v6 =	vld [tilespmem:s9+$0xFFFFFF90];
	[tilespmem:s6+$0x50] =	vst v1;
	v1 =	vadd.f32 v5, v2  }
0x162: {  	v2 =	vld [tilespmem:s7+$0xFFFFFF90];
	v9 =	vadd.f32 v0, v4  }
0x163: {  	v4 =	vld [tilespmem:s9+$0xFFFFFFA0];
	[tilespmem:s6+$0x60] =	vst v1  }
0x164: {  	v1 =	vld [tilespmem:s7+$0xFFFFFFA0];
	v5 =	vadd.f32 v8, v7;
	[tilespmem:s6+$0xFFFFFF80] =	vst v9;
	s6 =	smov.u32 s9  }
0x165: {  	v7 =	vld [tilespmem:s9+$0xFFFFFFB0];
	v0 =	vmov v3  }
0x166: {  	v3 =	vld [tilespmem:s7+$0xFFFFFFB0];
	[tilespmem:s9+$0x70] =	vst v5  }
0x167: {  	v2 =	vadd.f32 v2, v6;
	v5 =	vld [tilespmem:s9+$0xFFFFFFC0]  }
0x168: {  	v6 =	vld [tilespmem:s7+$0xFFFFFFC0]  }
0x169: {  	[tilespmem:s9+$0xFFFFFF90] =	vst v2;
	v1 =	vadd.f32 v1, v4;
	v2 =	vld [tilespmem:s9+$0xFFFFFFD0]  }
0x16a: {  	v4 =	vld [tilespmem:s7+$0xFFFFFFD0]  }
0x16b: {  	[tilespmem:s9+$0xFFFFFFA0] =	vst v1;
	v1 =	vadd.f32 v3, v7;
	v3 =	vld [tilespmem:s9+$0xFFFFFFE0]  }
0x16c: {  	v7 =	vld [tilespmem:s7+$0xFFFFFFE0]  }
0x16d: {  	[tilespmem:s9+$0xFFFFFFB0] =	vst v1;
	v1 =	vadd.f32 v6, v5;
	v5 =	vld [tilespmem:s9+$0xFFFFFFF0]  }
0x16e: {  	v6 =	vld [tilespmem:s7+$0xFFFFFFF0]  }
0x16f: {  	[tilespmem:s9+$0xFFFFFFC0] =	vst v1;
	v1 =	vadd.f32 v4, v2;
	v2 =	vld [tilespmem:s9+$0x0]  }
0x170: {  	v4 =	vld [tilespmem:s7+$0x0]  }
0x171: {  	[tilespmem:s9+$0xFFFFFFD0] =	vst v1;
	v1 =	vadd.f32 v7, v3;
	v3 =	vld [tilespmem:s9+$0x10]  }
0x172: {  	v7 =	vld [tilespmem:s7+$0x10]  }
0x173: {  	[tilespmem:s9+$0xFFFFFFE0] =	vst v1;
	v1 =	vadd.f32 v6, v5;
	v5 =	vld [tilespmem:s9+$0x20]  }
0x174: {  	v6 =	vld [tilespmem:s7+$0x20]  }
0x175: {  	[tilespmem:s9+$0xFFFFFFF0] =	vst v1;
	v1 =	vadd.f32 v4, v2;
	v2 =	vld [tilespmem:s9+$0x30]  }
0x176: {  	v4 =	vld [tilespmem:s7+$0x30]  }
0x177: {  	[tilespmem:s9+$0x0] =	vst v1;
	v1 =	vadd.f32 v7, v3;
	v7 =	vld [tilespmem:s9+$0x40]  }
0x178: {  	v8 =	vld [tilespmem:s7+$0x40]  }
.Ltmp3:
0x179: {  	[tilespmem:s9+$0x10] =	vst v1;
	v5 =	vadd.f32 v6, v5;
	v1 =	vld [tilespmem:s9+$0x50];
	(pc) =	sbr.rel @p0 .LBB2_8-.Ltmp3, $4  }
0x17a: {  	v3 =	vld [tilespmem:s7+$0x50]  }
0x17b: {  	[tilespmem:s9+$0x20] =	vst v5;
	v6 =	vadd.f32 v4, v2;
	v2 =	vld [tilespmem:s9+$0x60]  }
0x17c: {  	v5 =	vld [tilespmem:s7+$0x60]  }
0x17d: {  	s9 =	sadd.s32 $0x100, s9;
	v4 =	vld [tilespmem:s6+$0xFFFFFF80];
	[tilespmem:s6+$0x30] =	vst v6;
	v6 =	vadd.f32 v8, v7  }
0x17e: {  	_ =	sdelay $0x1  }
0x17f: {  	v1 =	vadd.f32 v3, v1  }
0x180: {  	[tilespmem:s6+$0x40] =	vst v6;
	v2 =	vadd.f32 v5, v2  }
0x181: {  	[tilespmem:s6+$0x50] =	vst v1;
	v0 =	vadd.f32 v0, v4  }
0x182: {  	[tilespmem:s6+$0x60] =	vst v2  }
0x183: {  	[tilespmem:s6+$0xFFFFFF80] =	vst v0  }
0x184: {  	s6 =	rddreg [dreg:$0xa]  }
0x185: {  	[hbm4b:s6+s1] =	stream.linear.scatter [tilespmem:s1], [sflag:$0x7], $0x4000, $0x38;
	[tilespmem:$0x18000] =	vst v63  }
0x186: {  	_ =	swait.ge [sflag:s30], $0x4000  }
0x187: {  	[sflag:s30] =	ssyncset.done $0x0  }
0x188: {  	s9 =	rddreg [dreg:$0xb];
	[sflag:s30] =	ssyncadd.s32 $0xFFFFC000  }
0x189: {  	[tilespmem:s1], [sflag:$0x1] =	stream.linear.gather [hbm4b:s9+s1], $0x4000, $0x38;
	[tilespmem:$0x18000] =	vst v63  }
0x18a: {  	_ = 	snop  }
0x18b: {  	[tilespmem:s21], [sflag:$0x4] =	stream.linear.gather [hbm4b:s10+s1], $0x4000, $0x38;
	[tilespmem:$0x18000] =	vst v63  }
0x18c: {  	_ =	swait.ge [sflag:s31], $0x4000  }
0x18d: {  	[sflag:s31] =	ssyncset.done $0x0  }
0x18e: {  	[sflag:s31] =	ssyncadd.s32 $0xFFFFC000  }
0x18f: {  	_ =	swait.ge [sflag:s29], $0x4000  }
0x190: {  	[sflag:s29] =	ssyncset.done $0x0  }
0x191: {  	s6 =	simm.s32 $0x4080;
	[sflag:s29] =	ssyncadd.s32 $0xFFFFC000  }
0x192: {  	s7 =	simm.s32 $0x10080;
	v1 =	vld [tilespmem:s6+$0x70]  }
0x193: {  	v2 =	vld [tilespmem:s7+$0x70]  }
0x194: {  	v0 =	vld [tilespmem:s7+$0xFFFFFF80]  }
0x195: {  	v3 =	vld [tilespmem:s6+$0xFFFFFF90]  }
0x196: {  	v4 =	vld [tilespmem:s7+$0xFFFFFF90]  }
0x197: {  	v5 =	vld [tilespmem:s6+$0xFFFFFFA0]  }
0x198: {  	v6 =	vld [tilespmem:s7+$0xFFFFFFA0]  }
0x199: {  	v7 =	vld [tilespmem:s6+$0xFFFFFFB0]  }
0x19a: {  	v8 =	vld [tilespmem:s7+$0xFFFFFFB0]  }
0x19b: {  	v9 =	vld [tilespmem:s6+$0xFFFFFFC0]  }
0x19c: {  	v10 =	vld [tilespmem:s7+$0xFFFFFFC0]  }
0x19d: {  	v11 =	vld [tilespmem:s6+$0xFFFFFFD0]  }
0x19e: {  	v12 =	vld [tilespmem:s7+$0xFFFFFFD0]  }
0x19f: {  	v13 =	vld [tilespmem:s6+$0xFFFFFFE0]  }
0x1a0: {  	v14 =	vld [tilespmem:s7+$0xFFFFFFE0]  }
0x1a1: {  	v15 =	vld [tilespmem:s6+$0xFFFFFFF0]  }
0x1a2: {  	v16 =	vld [tilespmem:s7+$0xFFFFFFF0]  }
0x1a3: {  	v17 =	vld [tilespmem:s6+$0x0]  }
0x1a4: {  	v61 =	vld [tilespmem:s7+$0x30];
	v1 =	vadd.f32 v2, v1  }
0x1a5: {  	v2 =	vld [tilespmem:s7+$0x0];
	v3 =	vadd.f32 v4, v3  }
0x1a6: {  	v4 =	vld [tilespmem:s6+$0x10];
	[tilespmem:s6+$0x70] =	vst v1;
	v1 =	vadd.f32 v6, v5  }
0x1a7: {  	v5 =	vld [tilespmem:s7+$0x10];
	[tilespmem:s6+$0xFFFFFF90] =	vst v3;
	v3 =	vadd.f32 v8, v7  }
0x1a8: {  	v6 =	vld [tilespmem:s6+$0x20];
	[tilespmem:s6+$0xFFFFFFA0] =	vst v1;
	v1 =	vadd.f32 v10, v9  }
0x1a9: {  	v7 =	vld [tilespmem:s7+$0x20];
	[tilespmem:s6+$0xFFFFFFB0] =	vst v3;
	v3 =	vadd.f32 v12, v11  }
0x1aa: {  	v8 =	vld [tilespmem:s6+$0x30];
	v2 =	vadd.f32 v2, v17;
	[tilespmem:s6+$0xFFFFFFC0] =	vst v1  }
0x1ab: {  	v62 =	vld [tilespmem:s6+$0x40];
	v1 =	vadd.f32 v14, v13;
	[tilespmem:s6+$0xFFFFFFD0] =	vst v3  }
0x1ac: {  	v63 =	vld [tilespmem:s7+$0x40];
	v3 =	vadd.f32 v16, v15;
	[tilespmem:s6+$0x0] =	vst v2  }
0x1ad: {  	v4 =	vadd.f32 v5, v4;
	[tilespmem:s6+$0xFFFFFFE0] =	vst v1;
	v1 =	vld [tilespmem:s6+$0x50]  }
0x1ae: {  	v5 =	vadd.f32 v7, v6;
	[tilespmem:s6+$0xFFFFFFF0] =	vst v3;
	v3 =	vld [tilespmem:s7+$0x50]  }
0x1af: {  	v6 =	vadd.f32 v61, v8;
	v2 =	vld [tilespmem:s6+$0x60];
	[tilespmem:s6+$0x10] =	vst v4  }
0x1b0: {  	[tilespmem:s6+$0x20] =	vst v5;
	v5 =	vld [tilespmem:s7+$0x60]  }
0x1b1: {  	s8 =	simm.s32 $0x0;
	s9 =	simm.s32 $0x4180;
	v4 =	vld [tilespmem:s6+$0xFFFFFF80];
	[tilespmem:s6+$0x30] =	vst v6;
	v6 =	vadd.f32 v63, v62  }
.LBB2_10:
0x1b2: {  	v7 =	vld [tilespmem:s9+$0x70];
	s7 =	sadd.s32 $0x100, s7  }
0x1b3: {  	s8 =	sadd.s32 $0x100, s8;
	v8 =	vld [tilespmem:s7+$0x70];
	[tilespmem:s6+$0x40] =	vst v6;
	v1 =	vadd.f32 v3, v1  }
0x1b4: {  	p0 =	slt.u32 s8, $0x3F00;
	v3 =	vld [tilespmem:s7+$0xFFFFFF80]  }
0x1b5: {  	v6 =	vld [tilespmem:s9+$0xFFFFFF90];
	[tilespmem:s6+$0x50] =	vst v1;
	v1 =	vadd.f32 v5, v2  }
0x1b6: {  	v2 =	vld [tilespmem:s7+$0xFFFFFF90];
	v9 =	vadd.f32 v0, v4  }
0x1b7: {  	v4 =	vld [tilespmem:s9+$0xFFFFFFA0];
	[tilespmem:s6+$0x60] =	vst v1  }
0x1b8: {  	v1 =	vld [tilespmem:s7+$0xFFFFFFA0];
	v5 =	vadd.f32 v8, v7;
	[tilespmem:s6+$0xFFFFFF80] =	vst v9;
	s6 =	smov.u32 s9  }
0x1b9: {  	v7 =	vld [tilespmem:s9+$0xFFFFFFB0];
	v0 =	vmov v3  }
0x1ba: {  	v3 =	vld [tilespmem:s7+$0xFFFFFFB0];
	[tilespmem:s9+$0x70] =	vst v5  }
0x1bb: {  	v2 =	vadd.f32 v2, v6;
	v5 =	vld [tilespmem:s9+$0xFFFFFFC0]  }
0x1bc: {  	v6 =	vld [tilespmem:s7+$0xFFFFFFC0]  }
0x1bd: {  	[tilespmem:s9+$0xFFFFFF90] =	vst v2;
	v1 =	vadd.f32 v1, v4;
	v2 =	vld [tilespmem:s9+$0xFFFFFFD0]  }
0x1be: {  	v4 =	vld [tilespmem:s7+$0xFFFFFFD0]  }
0x1bf: {  	[tilespmem:s9+$0xFFFFFFA0] =	vst v1;
	v1 =	vadd.f32 v3, v7;
	v3 =	vld [tilespmem:s9+$0xFFFFFFE0]  }
0x1c0: {  	v7 =	vld [tilespmem:s7+$0xFFFFFFE0]  }
0x1c1: {  	[tilespmem:s9+$0xFFFFFFB0] =	vst v1;
	v1 =	vadd.f32 v6, v5;
	v5 =	vld [tilespmem:s9+$0xFFFFFFF0]  }
0x1c2: {  	v6 =	vld [tilespmem:s7+$0xFFFFFFF0]  }
0x1c3: {  	[tilespmem:s9+$0xFFFFFFC0] =	vst v1;
	v1 =	vadd.f32 v4, v2;
	v2 =	vld [tilespmem:s9+$0x0]  }
0x1c4: {  	v4 =	vld [tilespmem:s7+$0x0]  }
0x1c5: {  	[tilespmem:s9+$0xFFFFFFD0] =	vst v1;
	v1 =	vadd.f32 v7, v3;
	v3 =	vld [tilespmem:s9+$0x10]  }
0x1c6: {  	v7 =	vld [tilespmem:s7+$0x10]  }
0x1c7: {  	[tilespmem:s9+$0xFFFFFFE0] =	vst v1;
	v1 =	vadd.f32 v6, v5;
	v5 =	vld [tilespmem:s9+$0x20]  }
0x1c8: {  	v6 =	vld [tilespmem:s7+$0x20]  }
0x1c9: {  	[tilespmem:s9+$0xFFFFFFF0] =	vst v1;
	v1 =	vadd.f32 v4, v2;
	v2 =	vld [tilespmem:s9+$0x30]  }
0x1ca: {  	v4 =	vld [tilespmem:s7+$0x30]  }
0x1cb: {  	[tilespmem:s9+$0x0] =	vst v1;
	v1 =	vadd.f32 v7, v3;
	v7 =	vld [tilespmem:s9+$0x40]  }
0x1cc: {  	v8 =	vld [tilespmem:s7+$0x40]  }
.Ltmp4:
0x1cd: {  	[tilespmem:s9+$0x10] =	vst v1;
	v5 =	vadd.f32 v6, v5;
	v1 =	vld [tilespmem:s9+$0x50];
	(pc) =	sbr.rel @p0 .LBB2_10-.Ltmp4, $4  }
0x1ce: {  	v3 =	vld [tilespmem:s7+$0x50]  }
0x1cf: {  	[tilespmem:s9+$0x20] =	vst v5;
	v6 =	vadd.f32 v4, v2;
	v2 =	vld [tilespmem:s9+$0x60]  }
0x1d0: {  	v5 =	vld [tilespmem:s7+$0x60]  }
0x1d1: {  	s9 =	sadd.s32 $0x100, s9;
	v4 =	vld [tilespmem:s6+$0xFFFFFF80];
	[tilespmem:s6+$0x30] =	vst v6;
	v6 =	vadd.f32 v8, v7  }
0x1d2: {  	_ =	sdelay $0x1  }
0x1d3: {  	v1 =	vadd.f32 v3, v1  }
0x1d4: {  	[tilespmem:s6+$0x40] =	vst v6;
	v2 =	vadd.f32 v5, v2  }
0x1d5: {  	[tilespmem:s6+$0x50] =	vst v1;
	v0 =	vadd.f32 v0, v4  }
0x1d6: {  	[tilespmem:s6+$0x60] =	vst v2  }
0x1d7: {  	[tilespmem:s6+$0xFFFFFF80] =	vst v0  }
0x1d8: {  	s6 =	rddreg [dreg:$0xc]  }
0x1d9: {  	[hbm4b:s6+s1] =	stream.linear.scatter [tilespmem:s22], [sflag:$0x8], $0x4000, $0x38;
	[tilespmem:$0x18000] =	vst v63  }
0x1da: {  	_ =	swait.ge [sflag:s0], $0x4000  }
0x1db: {  	[sflag:s0] =	ssyncset.done $0x0  }
0x1dc: {  	s9 =	rddreg [dreg:$0xd];
	[sflag:s0] =	ssyncadd.s32 $0xFFFFC000  }
0x1dd: {  	[tilespmem:s22], [sflag:$0x2] =	stream.linear.gather [hbm4b:s9+s1], $0x4000, $0x38;
	[tilespmem:$0x18000] =	vst v63  }
0x1de: {  	_ = 	snop  }
0x1df: {  	[tilespmem:s23], [sflag:$0x5] =	stream.linear.gather [hbm4b:s11+s1], $0x4000, $0x38;
	[tilespmem:$0x18000] =	vst v63  }
0x1e0: {  	_ =	swait.ge [sflag:s2], $0x4000  }
0x1e1: {  	[sflag:s2] =	ssyncset.done $0x0  }
0x1e2: {  	[sflag:s2] =	ssyncadd.s32 $0xFFFFC000  }
0x1e3: {  	_ =	swait.ge [sflag:s3], $0x4000  }
0x1e4: {  	[sflag:s3] =	ssyncset.done $0x0  }
0x1e5: {  	s6 =	simm.s32 $0x8080;
	[sflag:s3] =	ssyncadd.s32 $0xFFFFC000  }
0x1e6: {  	s7 =	simm.s32 $0x14080;
	v1 =	vld [tilespmem:s6+$0x70]  }
0x1e7: {  	v2 =	vld [tilespmem:s7+$0x70]  }
0x1e8: {  	v0 =	vld [tilespmem:s7+$0xFFFFFF80]  }
0x1e9: {  	v3 =	vld [tilespmem:s6+$0xFFFFFF90]  }
0x1ea: {  	v4 =	vld [tilespmem:s7+$0xFFFFFF90]  }
0x1eb: {  	v5 =	vld [tilespmem:s6+$0xFFFFFFA0]  }
0x1ec: {  	v6 =	vld [tilespmem:s7+$0xFFFFFFA0]  }
0x1ed: {  	v7 =	vld [tilespmem:s6+$0xFFFFFFB0]  }
0x1ee: {  	v8 =	vld [tilespmem:s7+$0xFFFFFFB0]  }
0x1ef: {  	v9 =	vld [tilespmem:s6+$0xFFFFFFC0]  }
0x1f0: {  	v10 =	vld [tilespmem:s7+$0xFFFFFFC0]  }
0x1f1: {  	v11 =	vld [tilespmem:s6+$0xFFFFFFD0]  }
0x1f2: {  	v12 =	vld [tilespmem:s7+$0xFFFFFFD0]  }
0x1f3: {  	v13 =	vld [tilespmem:s6+$0xFFFFFFE0]  }
0x1f4: {  	v14 =	vld [tilespmem:s7+$0xFFFFFFE0]  }
0x1f5: {  	v15 =	vld [tilespmem:s6+$0xFFFFFFF0]  }
0x1f6: {  	v16 =	vld [tilespmem:s7+$0xFFFFFFF0]  }
0x1f7: {  	v17 =	vld [tilespmem:s6+$0x0]  }
0x1f8: {  	v61 =	vld [tilespmem:s7+$0x30];
	v1 =	vadd.f32 v2, v1  }
0x1f9: {  	v2 =	vld [tilespmem:s7+$0x0];
	v3 =	vadd.f32 v4, v3  }
0x1fa: {  	v4 =	vld [tilespmem:s6+$0x10];
	[tilespmem:s6+$0x70] =	vst v1;
	v1 =	vadd.f32 v6, v5  }
0x1fb: {  	v5 =	vld [tilespmem:s7+$0x10];
	[tilespmem:s6+$0xFFFFFF90] =	vst v3;
	v3 =	vadd.f32 v8, v7  }
0x1fc: {  	v6 =	vld [tilespmem:s6+$0x20];
	[tilespmem:s6+$0xFFFFFFA0] =	vst v1;
	v1 =	vadd.f32 v10, v9  }
0x1fd: {  	v7 =	vld [tilespmem:s7+$0x20];
	[tilespmem:s6+$0xFFFFFFB0] =	vst v3;
	v3 =	vadd.f32 v12, v11  }
0x1fe: {  	v8 =	vld [tilespmem:s6+$0x30];
	v2 =	vadd.f32 v2, v17;
	[tilespmem:s6+$0xFFFFFFC0] =	vst v1  }
0x1ff: {  	v62 =	vld [tilespmem:s6+$0x40];
	v1 =	vadd.f32 v14, v13;
	[tilespmem:s6+$0xFFFFFFD0] =	vst v3  }
0x200: {  	v63 =	vld [tilespmem:s7+$0x40];
	v3 =	vadd.f32 v16, v15;
	[tilespmem:s6+$0x0] =	vst v2  }
0x201: {  	v4 =	vadd.f32 v5, v4;
	[tilespmem:s6+$0xFFFFFFE0] =	vst v1;
	v1 =	vld [tilespmem:s6+$0x50]  }
0x202: {  	v5 =	vadd.f32 v7, v6;
	[tilespmem:s6+$0xFFFFFFF0] =	vst v3;
	v3 =	vld [tilespmem:s7+$0x50]  }
0x203: {  	v6 =	vadd.f32 v61, v8;
	v2 =	vld [tilespmem:s6+$0x60];
	[tilespmem:s6+$0x10] =	vst v4  }
0x204: {  	[tilespmem:s6+$0x20] =	vst v5;
	v5 =	vld [tilespmem:s7+$0x60]  }
0x205: {  	s8 =	simm.s32 $0x0;
	s9 =	simm.s32 $0x8180;
	v4 =	vld [tilespmem:s6+$0xFFFFFF80];
	[tilespmem:s6+$0x30] =	vst v6;
	v6 =	vadd.f32 v63, v62  }
.LBB2_12:
0x206: {  	v7 =	vld [tilespmem:s9+$0x70];
	s7 =	sadd.s32 $0x100, s7  }
0x207: {  	s8 =	sadd.s32 $0x100, s8;
	v8 =	vld [tilespmem:s7+$0x70];
	[tilespmem:s6+$0x40] =	vst v6;
	v1 =	vadd.f32 v3, v1  }
0x208: {  	p0 =	slt.u32 s8, $0x3F00;
	v3 =	vld [tilespmem:s7+$0xFFFFFF80]  }
0x209: {  	v6 =	vld [tilespmem:s9+$0xFFFFFF90];
	[tilespmem:s6+$0x50] =	vst v1;
	v1 =	vadd.f32 v5, v2  }
0x20a: {  	v2 =	vld [tilespmem:s7+$0xFFFFFF90];
	v9 =	vadd.f32 v0, v4  }
0x20b: {  	v4 =	vld [tilespmem:s9+$0xFFFFFFA0];
	[tilespmem:s6+$0x60] =	vst v1  }
0x20c: {  	v1 =	vld [tilespmem:s7+$0xFFFFFFA0];
	v5 =	vadd.f32 v8, v7;
	[tilespmem:s6+$0xFFFFFF80] =	vst v9;
	s6 =	smov.u32 s9  }
0x20d: {  	v7 =	vld [tilespmem:s9+$0xFFFFFFB0];
	v0 =	vmov v3  }
0x20e: {  	v3 =	vld [tilespmem:s7+$0xFFFFFFB0];
	[tilespmem:s9+$0x70] =	vst v5  }
0x20f: {  	v2 =	vadd.f32 v2, v6;
	v5 =	vld [tilespmem:s9+$0xFFFFFFC0]  }
0x210: {  	v6 =	vld [tilespmem:s7+$0xFFFFFFC0]  }
0x211: {  	[tilespmem:s9+$0xFFFFFF90] =	vst v2;
	v1 =	vadd.f32 v1, v4;
	v2 =	vld [tilespmem:s9+$0xFFFFFFD0]  }
0x212: {  	v4 =	vld [tilespmem:s7+$0xFFFFFFD0]  }
0x213: {  	[tilespmem:s9+$0xFFFFFFA0] =	vst v1;
	v1 =	vadd.f32 v3, v7;
	v3 =	vld [tilespmem:s9+$0xFFFFFFE0]  }
0x214: {  	v7 =	vld [tilespmem:s7+$0xFFFFFFE0]  }
0x215: {  	[tilespmem:s9+$0xFFFFFFB0] =	vst v1;
	v1 =	vadd.f32 v6, v5;
	v5 =	vld [tilespmem:s9+$0xFFFFFFF0]  }
0x216: {  	v6 =	vld [tilespmem:s7+$0xFFFFFFF0]  }
0x217: {  	[tilespmem:s9+$0xFFFFFFC0] =	vst v1;
	v1 =	vadd.f32 v4, v2;
	v2 =	vld [tilespmem:s9+$0x0]  }
0x218: {  	v4 =	vld [tilespmem:s7+$0x0]  }
0x219: {  	[tilespmem:s9+$0xFFFFFFD0] =	vst v1;
	v1 =	vadd.f32 v7, v3;
	v3 =	vld [tilespmem:s9+$0x10]  }
0x21a: {  	v7 =	vld [tilespmem:s7+$0x10]  }
0x21b: {  	[tilespmem:s9+$0xFFFFFFE0] =	vst v1;
	v1 =	vadd.f32 v6, v5;
	v5 =	vld [tilespmem:s9+$0x20]  }
0x21c: {  	v6 =	vld [tilespmem:s7+$0x20]  }
0x21d: {  	[tilespmem:s9+$0xFFFFFFF0] =	vst v1;
	v1 =	vadd.f32 v4, v2;
	v2 =	vld [tilespmem:s9+$0x30]  }
0x21e: {  	v4 =	vld [tilespmem:s7+$0x30]  }
0x21f: {  	[tilespmem:s9+$0x0] =	vst v1;
	v1 =	vadd.f32 v7, v3;
	v7 =	vld [tilespmem:s9+$0x40]  }
0x220: {  	v8 =	vld [tilespmem:s7+$0x40]  }
.Ltmp5:
0x221: {  	[tilespmem:s9+$0x10] =	vst v1;
	v5 =	vadd.f32 v6, v5;
	v1 =	vld [tilespmem:s9+$0x50];
	(pc) =	sbr.rel @p0 .LBB2_12-.Ltmp5, $4  }
0x222: {  	v3 =	vld [tilespmem:s7+$0x50]  }
0x223: {  	[tilespmem:s9+$0x20] =	vst v5;
	v6 =	vadd.f32 v4, v2;
	v2 =	vld [tilespmem:s9+$0x60]  }
0x224: {  	v5 =	vld [tilespmem:s7+$0x60]  }
0x225: {  	s9 =	sadd.s32 $0x100, s9;
	v4 =	vld [tilespmem:s6+$0xFFFFFF80];
	[tilespmem:s6+$0x30] =	vst v6;
	v6 =	vadd.f32 v8, v7  }
0x226: {  	_ =	sdelay $0x1  }
0x227: {  	v1 =	vadd.f32 v3, v1  }
0x228: {  	[tilespmem:s6+$0x40] =	vst v6;
	v2 =	vadd.f32 v5, v2  }
0x229: {  	[tilespmem:s6+$0x50] =	vst v1;
	v0 =	vadd.f32 v0, v4  }
0x22a: {  	[tilespmem:s6+$0x60] =	vst v2  }
0x22b: {  	[tilespmem:s6+$0xFFFFFF80] =	vst v0  }
0x22c: {  	s6 =	rddreg [dreg:$0xe]  }
0x22d: {  	[hbm4b:s6+s1] =	stream.linear.scatter [tilespmem:s24], [sflag:$0x9], $0x4000, $0x38;
	[tilespmem:$0x18000] =	vst v63  }
0x22e: {  	_ =	swait.ge [sflag:s4], $0x4000  }
0x22f: {  	[sflag:s4] =	ssyncset.done $0x0  }
0x230: {  	s9 =	rddreg [dreg:$0xf];
	[sflag:s4] =	ssyncadd.s32 $0xFFFFC000  }
0x231: {  	[tilespmem:s24], [sflag:$0x3] =	stream.linear.gather [hbm4b:s9+s1], $0x4000, $0x38;
	[tilespmem:$0x18000] =	vst v63  }
0x232: {  	_ = 	snop  }
0x233: {  	[tilespmem:s25], [sflag:$0x6] =	stream.linear.gather [hbm4b:s12+s1], $0x4000, $0x38;
	[tilespmem:$0x18000] =	vst v63  }
0x234: {  	_ =	swait.ge [sflag:s26], $0x4000  }
0x235: {  	[sflag:s26] =	ssyncset.done $0x0  }
0x236: {  	[sflag:s26] =	ssyncadd.s32 $0xFFFFC000  }
0x237: {  	_ =	swait.ge [sflag:s28], $0x4000  }
0x238: {  	[sflag:s28] =	ssyncset.done $0x0  }
0x239: {  	s6 =	simm.s32 $0x80;
	[sflag:s28] =	ssyncadd.s32 $0xFFFFC000  }
0x23a: {  	s7 =	simm.s32 $0xC080;
	v1 =	vld [tilespmem:s6+$0x70]  }
0x23b: {  	v2 =	vld [tilespmem:s7+$0x70]  }
0x23c: {  	v0 =	vld [tilespmem:s7+$0xFFFFFF80]  }
0x23d: {  	v3 =	vld [tilespmem:s6+$0xFFFFFF90]  }
0x23e: {  	v4 =	vld [tilespmem:s7+$0xFFFFFF90]  }
0x23f: {  	v5 =	vld [tilespmem:s6+$0xFFFFFFA0]  }
0x240: {  	v6 =	vld [tilespmem:s7+$0xFFFFFFA0]  }
0x241: {  	v7 =	vld [tilespmem:s6+$0xFFFFFFB0]  }
0x242: {  	v8 =	vld [tilespmem:s7+$0xFFFFFFB0]  }
0x243: {  	v9 =	vld [tilespmem:s6+$0xFFFFFFC0]  }
0x244: {  	v10 =	vld [tilespmem:s7+$0xFFFFFFC0]  }
0x245: {  	v11 =	vld [tilespmem:s6+$0xFFFFFFD0]  }
0x246: {  	v12 =	vld [tilespmem:s7+$0xFFFFFFD0]  }
0x247: {  	v13 =	vld [tilespmem:s6+$0xFFFFFFE0]  }
0x248: {  	v14 =	vld [tilespmem:s7+$0xFFFFFFE0]  }
0x249: {  	v15 =	vld [tilespmem:s6+$0xFFFFFFF0]  }
0x24a: {  	v16 =	vld [tilespmem:s7+$0xFFFFFFF0]  }
0x24b: {  	v17 =	vld [tilespmem:s6+$0x0]  }
0x24c: {  	v61 =	vld [tilespmem:s7+$0x30];
	v1 =	vadd.f32 v2, v1  }
0x24d: {  	v2 =	vld [tilespmem:s7+$0x0];
	v3 =	vadd.f32 v4, v3  }
0x24e: {  	v4 =	vld [tilespmem:s6+$0x10];
	[tilespmem:s6+$0x70] =	vst v1;
	v1 =	vadd.f32 v6, v5  }
0x24f: {  	v5 =	vld [tilespmem:s7+$0x10];
	[tilespmem:s6+$0xFFFFFF90] =	vst v3;
	v3 =	vadd.f32 v8, v7  }
0x250: {  	v6 =	vld [tilespmem:s6+$0x20];
	[tilespmem:s6+$0xFFFFFFA0] =	vst v1;
	v1 =	vadd.f32 v10, v9  }
0x251: {  	v7 =	vld [tilespmem:s7+$0x20];
	[tilespmem:s6+$0xFFFFFFB0] =	vst v3;
	v3 =	vadd.f32 v12, v11  }
0x252: {  	v8 =	vld [tilespmem:s6+$0x30];
	v2 =	vadd.f32 v2, v17;
	[tilespmem:s6+$0xFFFFFFC0] =	vst v1  }
0x253: {  	v62 =	vld [tilespmem:s6+$0x40];
	v1 =	vadd.f32 v14, v13;
	[tilespmem:s6+$0xFFFFFFD0] =	vst v3  }
0x254: {  	v63 =	vld [tilespmem:s7+$0x40];
	v3 =	vadd.f32 v16, v15;
	[tilespmem:s6+$0x0] =	vst v2  }
0x255: {  	v4 =	vadd.f32 v5, v4;
	[tilespmem:s6+$0xFFFFFFE0] =	vst v1;
	v1 =	vld [tilespmem:s6+$0x50]  }
0x256: {  	v5 =	vadd.f32 v7, v6;
	[tilespmem:s6+$0xFFFFFFF0] =	vst v3;
	v3 =	vld [tilespmem:s7+$0x50]  }
0x257: {  	v6 =	vadd.f32 v61, v8;
	v2 =	vld [tilespmem:s6+$0x60];
	[tilespmem:s6+$0x10] =	vst v4  }
0x258: {  	[tilespmem:s6+$0x20] =	vst v5;
	v5 =	vld [tilespmem:s7+$0x60]  }
0x259: {  	s8 =	simm.s32 $0x0;
	s9 =	simm.s32 $0x180;
	v4 =	vld [tilespmem:s6+$0xFFFFFF80];
	[tilespmem:s6+$0x30] =	vst v6;
	v6 =	vadd.f32 v63, v62  }
.LBB2_14:
0x25a: {  	v7 =	vld [tilespmem:s9+$0x70];
	s7 =	sadd.s32 $0x100, s7  }
0x25b: {  	s8 =	sadd.s32 $0x100, s8;
	v8 =	vld [tilespmem:s7+$0x70];
	[tilespmem:s6+$0x40] =	vst v6;
	v1 =	vadd.f32 v3, v1  }
0x25c: {  	p0 =	slt.u32 s8, $0x3F00;
	v3 =	vld [tilespmem:s7+$0xFFFFFF80]  }
0x25d: {  	v6 =	vld [tilespmem:s9+$0xFFFFFF90];
	[tilespmem:s6+$0x50] =	vst v1;
	v1 =	vadd.f32 v5, v2  }
0x25e: {  	v2 =	vld [tilespmem:s7+$0xFFFFFF90];
	v9 =	vadd.f32 v0, v4  }
0x25f: {  	v4 =	vld [tilespmem:s9+$0xFFFFFFA0];
	[tilespmem:s6+$0x60] =	vst v1  }
0x260: {  	v1 =	vld [tilespmem:s7+$0xFFFFFFA0];
	v5 =	vadd.f32 v8, v7;
	[tilespmem:s6+$0xFFFFFF80] =	vst v9;
	s6 =	smov.u32 s9  }
0x261: {  	v7 =	vld [tilespmem:s9+$0xFFFFFFB0];
	v0 =	vmov v3  }
0x262: {  	v3 =	vld [tilespmem:s7+$0xFFFFFFB0];
	[tilespmem:s9+$0x70] =	vst v5  }
0x263: {  	v2 =	vadd.f32 v2, v6;
	v5 =	vld [tilespmem:s9+$0xFFFFFFC0]  }
0x264: {  	v6 =	vld [tilespmem:s7+$0xFFFFFFC0]  }
0x265: {  	[tilespmem:s9+$0xFFFFFF90] =	vst v2;
	v1 =	vadd.f32 v1, v4;
	v2 =	vld [tilespmem:s9+$0xFFFFFFD0]  }
0x266: {  	v4 =	vld [tilespmem:s7+$0xFFFFFFD0]  }
0x267: {  	[tilespmem:s9+$0xFFFFFFA0] =	vst v1;
	v1 =	vadd.f32 v3, v7;
	v3 =	vld [tilespmem:s9+$0xFFFFFFE0]  }
0x268: {  	v7 =	vld [tilespmem:s7+$0xFFFFFFE0]  }
0x269: {  	[tilespmem:s9+$0xFFFFFFB0] =	vst v1;
	v1 =	vadd.f32 v6, v5;
	v5 =	vld [tilespmem:s9+$0xFFFFFFF0]  }
0x26a: {  	v6 =	vld [tilespmem:s7+$0xFFFFFFF0]  }
0x26b: {  	[tilespmem:s9+$0xFFFFFFC0] =	vst v1;
	v1 =	vadd.f32 v4, v2;
	v2 =	vld [tilespmem:s9+$0x0]  }
0x26c: {  	v4 =	vld [tilespmem:s7+$0x0]  }
0x26d: {  	[tilespmem:s9+$0xFFFFFFD0] =	vst v1;
	v1 =	vadd.f32 v7, v3;
	v3 =	vld [tilespmem:s9+$0x10]  }
0x26e: {  	v7 =	vld [tilespmem:s7+$0x10]  }
0x26f: {  	[tilespmem:s9+$0xFFFFFFE0] =	vst v1;
	v1 =	vadd.f32 v6, v5;
	v5 =	vld [tilespmem:s9+$0x20]  }
0x270: {  	v6 =	vld [tilespmem:s7+$0x20]  }
0x271: {  	[tilespmem:s9+$0xFFFFFFF0] =	vst v1;
	v1 =	vadd.f32 v4, v2;
	v2 =	vld [tilespmem:s9+$0x30]  }
0x272: {  	v4 =	vld [tilespmem:s7+$0x30]  }
0x273: {  	[tilespmem:s9+$0x0] =	vst v1;
	v1 =	vadd.f32 v7, v3;
	v7 =	vld [tilespmem:s9+$0x40]  }
0x274: {  	v8 =	vld [tilespmem:s7+$0x40]  }
.Ltmp6:
0x275: {  	[tilespmem:s9+$0x10] =	vst v1;
	v5 =	vadd.f32 v6, v5;
	v1 =	vld [tilespmem:s9+$0x50];
	(pc) =	sbr.rel @p0 .LBB2_14-.Ltmp6, $4  }
0x276: {  	v3 =	vld [tilespmem:s7+$0x50]  }
0x277: {  	[tilespmem:s9+$0x20] =	vst v5;
	v6 =	vadd.f32 v4, v2;
	v2 =	vld [tilespmem:s9+$0x60]  }
0x278: {  	v5 =	vld [tilespmem:s7+$0x60]  }
0x279: {  	s9 =	sadd.s32 $0x100, s9;
	v4 =	vld [tilespmem:s6+$0xFFFFFF80];
	[tilespmem:s6+$0x30] =	vst v6;
	v6 =	vadd.f32 v8, v7  }
0x27a: {  	_ =	sdelay $0x1  }
0x27b: {  	v1 =	vadd.f32 v3, v1  }
0x27c: {  	[tilespmem:s6+$0x40] =	vst v6;
	v2 =	vadd.f32 v5, v2  }
0x27d: {  	[tilespmem:s6+$0x50] =	vst v1;
	v0 =	vadd.f32 v0, v4  }
0x27e: {  	[tilespmem:s6+$0x60] =	vst v2  }
0x27f: {  	[tilespmem:s6+$0xFFFFFF80] =	vst v0  }
0x280: {  	s6 =	rddreg [dreg:$0x10]  }
0x281: {  	[hbm4b:s6+s1] =	stream.linear.scatter [tilespmem:s1], [sflag:$0x7], $0x4000, $0x38;
	[tilespmem:$0x18000] =	vst v63  }
0x282: {  	_ =	swait.ge [sflag:s30], $0x4000  }
0x283: {  	[sflag:s30] =	ssyncset.done $0x0  }
0x284: {  	s9 =	rddreg [dreg:$0x11];
	[sflag:s30] =	ssyncadd.s32 $0xFFFFC000  }
0x285: {  	[tilespmem:s1], [sflag:$0x1] =	stream.linear.gather [hbm4b:s9+s1], $0x4000, $0x38;
	[tilespmem:$0x18000] =	vst v63  }
0x286: {  	_ = 	snop  }
0x287: {  	[tilespmem:s21], [sflag:$0x4] =	stream.linear.gather [hbm4b:s13+s1], $0x4000, $0x38;
	[tilespmem:$0x18000] =	vst v63  }
0x288: {  	_ =	swait.ge [sflag:s31], $0x4000  }
0x289: {  	[sflag:s31] =	ssyncset.done $0x0  }
0x28a: {  	[sflag:s31] =	ssyncadd.s32 $0xFFFFC000  }
0x28b: {  	_ =	swait.ge [sflag:s29], $0x4000  }
0x28c: {  	[sflag:s29] =	ssyncset.done $0x0  }
0x28d: {  	s6 =	simm.s32 $0x4080;
	[sflag:s29] =	ssyncadd.s32 $0xFFFFC000  }
0x28e: {  	s7 =	simm.s32 $0x10080;
	v1 =	vld [tilespmem:s6+$0x70]  }
0x28f: {  	v2 =	vld [tilespmem:s7+$0x70]  }
0x290: {  	v0 =	vld [tilespmem:s7+$0xFFFFFF80]  }
0x291: {  	v3 =	vld [tilespmem:s6+$0xFFFFFF90]  }
0x292: {  	v4 =	vld [tilespmem:s7+$0xFFFFFF90]  }
0x293: {  	v5 =	vld [tilespmem:s6+$0xFFFFFFA0]  }
0x294: {  	v6 =	vld [tilespmem:s7+$0xFFFFFFA0]  }
0x295: {  	v7 =	vld [tilespmem:s6+$0xFFFFFFB0]  }
0x296: {  	v8 =	vld [tilespmem:s7+$0xFFFFFFB0]  }
0x297: {  	v9 =	vld [tilespmem:s6+$0xFFFFFFC0]  }
0x298: {  	v10 =	vld [tilespmem:s7+$0xFFFFFFC0]  }
0x299: {  	v11 =	vld [tilespmem:s6+$0xFFFFFFD0]  }
0x29a: {  	v12 =	vld [tilespmem:s7+$0xFFFFFFD0]  }
0x29b: {  	v13 =	vld [tilespmem:s6+$0xFFFFFFE0]  }
0x29c: {  	v14 =	vld [tilespmem:s7+$0xFFFFFFE0]  }
0x29d: {  	v15 =	vld [tilespmem:s6+$0xFFFFFFF0]  }
0x29e: {  	v16 =	vld [tilespmem:s7+$0xFFFFFFF0]  }
0x29f: {  	v17 =	vld [tilespmem:s6+$0x0]  }
0x2a0: {  	v61 =	vld [tilespmem:s7+$0x30];
	v1 =	vadd.f32 v2, v1  }
0x2a1: {  	v2 =	vld [tilespmem:s7+$0x0];
	v3 =	vadd.f32 v4, v3  }
0x2a2: {  	v4 =	vld [tilespmem:s6+$0x10];
	[tilespmem:s6+$0x70] =	vst v1;
	v1 =	vadd.f32 v6, v5  }
0x2a3: {  	v5 =	vld [tilespmem:s7+$0x10];
	[tilespmem:s6+$0xFFFFFF90] =	vst v3;
	v3 =	vadd.f32 v8, v7  }
0x2a4: {  	v6 =	vld [tilespmem:s6+$0x20];
	[tilespmem:s6+$0xFFFFFFA0] =	vst v1;
	v1 =	vadd.f32 v10, v9  }
0x2a5: {  	v7 =	vld [tilespmem:s7+$0x20];
	[tilespmem:s6+$0xFFFFFFB0] =	vst v3;
	v3 =	vadd.f32 v12, v11  }
0x2a6: {  	v8 =	vld [tilespmem:s6+$0x30];
	v2 =	vadd.f32 v2, v17;
	[tilespmem:s6+$0xFFFFFFC0] =	vst v1  }
0x2a7: {  	v62 =	vld [tilespmem:s6+$0x40];
	v1 =	vadd.f32 v14, v13;
	[tilespmem:s6+$0xFFFFFFD0] =	vst v3  }
0x2a8: {  	v63 =	vld [tilespmem:s7+$0x40];
	v3 =	vadd.f32 v16, v15;
	[tilespmem:s6+$0x0] =	vst v2  }
0x2a9: {  	v4 =	vadd.f32 v5, v4;
	[tilespmem:s6+$0xFFFFFFE0] =	vst v1;
	v1 =	vld [tilespmem:s6+$0x50]  }
0x2aa: {  	v5 =	vadd.f32 v7, v6;
	[tilespmem:s6+$0xFFFFFFF0] =	vst v3;
	v3 =	vld [tilespmem:s7+$0x50]  }
0x2ab: {  	v6 =	vadd.f32 v61, v8;
	v2 =	vld [tilespmem:s6+$0x60];
	[tilespmem:s6+$0x10] =	vst v4  }
0x2ac: {  	[tilespmem:s6+$0x20] =	vst v5;
	v5 =	vld [tilespmem:s7+$0x60]  }
0x2ad: {  	s8 =	simm.s32 $0x0;
	s9 =	simm.s32 $0x4180;
	v4 =	vld [tilespmem:s6+$0xFFFFFF80];
	[tilespmem:s6+$0x30] =	vst v6;
	v6 =	vadd.f32 v63, v62  }
.LBB2_16:
0x2ae: {  	v7 =	vld [tilespmem:s9+$0x70];
	s7 =	sadd.s32 $0x100, s7  }
0x2af: {  	s8 =	sadd.s32 $0x100, s8;
	v8 =	vld [tilespmem:s7+$0x70];
	[tilespmem:s6+$0x40] =	vst v6;
	v1 =	vadd.f32 v3, v1  }
0x2b0: {  	p0 =	slt.u32 s8, $0x3F00;
	v3 =	vld [tilespmem:s7+$0xFFFFFF80]  }
0x2b1: {  	v6 =	vld [tilespmem:s9+$0xFFFFFF90];
	[tilespmem:s6+$0x50] =	vst v1;
	v1 =	vadd.f32 v5, v2  }
0x2b2: {  	v2 =	vld [tilespmem:s7+$0xFFFFFF90];
	v9 =	vadd.f32 v0, v4  }
0x2b3: {  	v4 =	vld [tilespmem:s9+$0xFFFFFFA0];
	[tilespmem:s6+$0x60] =	vst v1  }
0x2b4: {  	v1 =	vld [tilespmem:s7+$0xFFFFFFA0];
	v5 =	vadd.f32 v8, v7;
	[tilespmem:s6+$0xFFFFFF80] =	vst v9;
	s6 =	smov.u32 s9  }
0x2b5: {  	v7 =	vld [tilespmem:s9+$0xFFFFFFB0];
	v0 =	vmov v3  }
0x2b6: {  	v3 =	vld [tilespmem:s7+$0xFFFFFFB0];
	[tilespmem:s9+$0x70] =	vst v5  }
0x2b7: {  	v2 =	vadd.f32 v2, v6;
	v5 =	vld [tilespmem:s9+$0xFFFFFFC0]  }
0x2b8: {  	v6 =	vld [tilespmem:s7+$0xFFFFFFC0]  }
0x2b9: {  	[tilespmem:s9+$0xFFFFFF90] =	vst v2;
	v1 =	vadd.f32 v1, v4;
	v2 =	vld [tilespmem:s9+$0xFFFFFFD0]  }
0x2ba: {  	v4 =	vld [tilespmem:s7+$0xFFFFFFD0]  }
0x2bb: {  	[tilespmem:s9+$0xFFFFFFA0] =	vst v1;
	v1 =	vadd.f32 v3, v7;
	v3 =	vld [tilespmem:s9+$0xFFFFFFE0]  }
0x2bc: {  	v7 =	vld [tilespmem:s7+$0xFFFFFFE0]  }
0x2bd: {  	[tilespmem:s9+$0xFFFFFFB0] =	vst v1;
	v1 =	vadd.f32 v6, v5;
	v5 =	vld [tilespmem:s9+$0xFFFFFFF0]  }
0x2be: {  	v6 =	vld [tilespmem:s7+$0xFFFFFFF0]  }
0x2bf: {  	[tilespmem:s9+$0xFFFFFFC0] =	vst v1;
	v1 =	vadd.f32 v4, v2;
	v2 =	vld [tilespmem:s9+$0x0]  }
0x2c0: {  	v4 =	vld [tilespmem:s7+$0x0]  }
0x2c1: {  	[tilespmem:s9+$0xFFFFFFD0] =	vst v1;
	v1 =	vadd.f32 v7, v3;
	v3 =	vld [tilespmem:s9+$0x10]  }
0x2c2: {  	v7 =	vld [tilespmem:s7+$0x10]  }
0x2c3: {  	[tilespmem:s9+$0xFFFFFFE0] =	vst v1;
	v1 =	vadd.f32 v6, v5;
	v5 =	vld [tilespmem:s9+$0x20]  }
0x2c4: {  	v6 =	vld [tilespmem:s7+$0x20]  }
0x2c5: {  	[tilespmem:s9+$0xFFFFFFF0] =	vst v1;
	v1 =	vadd.f32 v4, v2;
	v2 =	vld [tilespmem:s9+$0x30]  }
0x2c6: {  	v4 =	vld [tilespmem:s7+$0x30]  }
0x2c7: {  	[tilespmem:s9+$0x0] =	vst v1;
	v1 =	vadd.f32 v7, v3;
	v7 =	vld [tilespmem:s9+$0x40]  }
0x2c8: {  	v8 =	vld [tilespmem:s7+$0x40]  }
.Ltmp7:
0x2c9: {  	[tilespmem:s9+$0x10] =	vst v1;
	v5 =	vadd.f32 v6, v5;
	v1 =	vld [tilespmem:s9+$0x50];
	(pc) =	sbr.rel @p0 .LBB2_16-.Ltmp7, $4  }
0x2ca: {  	v3 =	vld [tilespmem:s7+$0x50]  }
0x2cb: {  	[tilespmem:s9+$0x20] =	vst v5;
	v6 =	vadd.f32 v4, v2;
	v2 =	vld [tilespmem:s9+$0x60]  }
0x2cc: {  	v5 =	vld [tilespmem:s7+$0x60]  }
0x2cd: {  	s9 =	sadd.s32 $0x100, s9;
	v4 =	vld [tilespmem:s6+$0xFFFFFF80];
	[tilespmem:s6+$0x30] =	vst v6;
	v6 =	vadd.f32 v8, v7  }
0x2ce: {  	_ =	sdelay $0x1  }
0x2cf: {  	v1 =	vadd.f32 v3, v1  }
0x2d0: {  	[tilespmem:s6+$0x40] =	vst v6;
	v2 =	vadd.f32 v5, v2  }
0x2d1: {  	[tilespmem:s6+$0x50] =	vst v1;
	v0 =	vadd.f32 v0, v4  }
0x2d2: {  	[tilespmem:s6+$0x60] =	vst v2  }
0x2d3: {  	[tilespmem:s6+$0xFFFFFF80] =	vst v0  }
0x2d4: {  	s6 =	rddreg [dreg:$0x12]  }
0x2d5: {  	[hbm4b:s6+s1] =	stream.linear.scatter [tilespmem:s22], [sflag:$0x8], $0x4000, $0x38;
	[tilespmem:$0x18000] =	vst v63  }
0x2d6: {  	_ =	swait.ge [sflag:s0], $0x4000  }
0x2d7: {  	[sflag:s0] =	ssyncset.done $0x0  }
0x2d8: {  	s9 =	rddreg [dreg:$0x15];
	[sflag:s0] =	ssyncadd.s32 $0xFFFFC000  }
0x2d9: {  	[tilespmem:s22], [sflag:$0x2] =	stream.linear.gather [hbm4b:s9+s1], $0x4000, $0x38;
	[tilespmem:$0x18000] =	vst v63  }
0x2da: {  	_ = 	snop  }
0x2db: {  	[tilespmem:s23], [sflag:$0x5] =	stream.linear.gather [hbm4b:s14+s1], $0x4000, $0x38;
	[tilespmem:$0x18000] =	vst v63  }
0x2dc: {  	_ =	swait.ge [sflag:s2], $0x4000  }
0x2dd: {  	[sflag:s2] =	ssyncset.done $0x0  }
0x2de: {  	[sflag:s2] =	ssyncadd.s32 $0xFFFFC000  }
0x2df: {  	_ =	swait.ge [sflag:s3], $0x4000  }
0x2e0: {  	[sflag:s3] =	ssyncset.done $0x0  }
0x2e1: {  	s6 =	simm.s32 $0x8080;
	[sflag:s3] =	ssyncadd.s32 $0xFFFFC000  }
0x2e2: {  	s7 =	simm.s32 $0x14080;
	v1 =	vld [tilespmem:s6+$0x70]  }
0x2e3: {  	v2 =	vld [tilespmem:s7+$0x70]  }
0x2e4: {  	v0 =	vld [tilespmem:s7+$0xFFFFFF80]  }
0x2e5: {  	v3 =	vld [tilespmem:s6+$0xFFFFFF90]  }
0x2e6: {  	v4 =	vld [tilespmem:s7+$0xFFFFFF90]  }
0x2e7: {  	v5 =	vld [tilespmem:s6+$0xFFFFFFA0]  }
0x2e8: {  	v6 =	vld [tilespmem:s7+$0xFFFFFFA0]  }
0x2e9: {  	v7 =	vld [tilespmem:s6+$0xFFFFFFB0]  }
0x2ea: {  	v8 =	vld [tilespmem:s7+$0xFFFFFFB0]  }
0x2eb: {  	v9 =	vld [tilespmem:s6+$0xFFFFFFC0]  }
0x2ec: {  	v10 =	vld [tilespmem:s7+$0xFFFFFFC0]  }
0x2ed: {  	v11 =	vld [tilespmem:s6+$0xFFFFFFD0]  }
0x2ee: {  	v12 =	vld [tilespmem:s7+$0xFFFFFFD0]  }
0x2ef: {  	v13 =	vld [tilespmem:s6+$0xFFFFFFE0]  }
0x2f0: {  	v14 =	vld [tilespmem:s7+$0xFFFFFFE0]  }
0x2f1: {  	v15 =	vld [tilespmem:s6+$0xFFFFFFF0]  }
0x2f2: {  	v16 =	vld [tilespmem:s7+$0xFFFFFFF0]  }
0x2f3: {  	v17 =	vld [tilespmem:s6+$0x0]  }
0x2f4: {  	v61 =	vld [tilespmem:s7+$0x30];
	v1 =	vadd.f32 v2, v1  }
0x2f5: {  	v2 =	vld [tilespmem:s7+$0x0];
	v3 =	vadd.f32 v4, v3  }
0x2f6: {  	v4 =	vld [tilespmem:s6+$0x10];
	[tilespmem:s6+$0x70] =	vst v1;
	v1 =	vadd.f32 v6, v5  }
0x2f7: {  	v5 =	vld [tilespmem:s7+$0x10];
	[tilespmem:s6+$0xFFFFFF90] =	vst v3;
	v3 =	vadd.f32 v8, v7  }
0x2f8: {  	v6 =	vld [tilespmem:s6+$0x20];
	[tilespmem:s6+$0xFFFFFFA0] =	vst v1;
	v1 =	vadd.f32 v10, v9  }
0x2f9: {  	v7 =	vld [tilespmem:s7+$0x20];
	[tilespmem:s6+$0xFFFFFFB0] =	vst v3;
	v3 =	vadd.f32 v12, v11  }
0x2fa: {  	v8 =	vld [tilespmem:s6+$0x30];
	v2 =	vadd.f32 v2, v17;
	[tilespmem:s6+$0xFFFFFFC0] =	vst v1  }
0x2fb: {  	v62 =	vld [tilespmem:s6+$0x40];
	v1 =	vadd.f32 v14, v13;
	[tilespmem:s6+$0xFFFFFFD0] =	vst v3  }
0x2fc: {  	v63 =	vld [tilespmem:s7+$0x40];
	v3 =	vadd.f32 v16, v15;
	[tilespmem:s6+$0x0] =	vst v2  }
0x2fd: {  	v4 =	vadd.f32 v5, v4;
	[tilespmem:s6+$0xFFFFFFE0] =	vst v1;
	v1 =	vld [tilespmem:s6+$0x50]  }
0x2fe: {  	v5 =	vadd.f32 v7, v6;
	[tilespmem:s6+$0xFFFFFFF0] =	vst v3;
	v3 =	vld [tilespmem:s7+$0x50]  }
0x2ff: {  	v6 =	vadd.f32 v61, v8;
	v2 =	vld [tilespmem:s6+$0x60];
	[tilespmem:s6+$0x10] =	vst v4  }
0x300: {  	[tilespmem:s6+$0x20] =	vst v5;
	v5 =	vld [tilespmem:s7+$0x60]  }
0x301: {  	s8 =	simm.s32 $0x0;
	s9 =	simm.s32 $0x8180;
	v4 =	vld [tilespmem:s6+$0xFFFFFF80];
	[tilespmem:s6+$0x30] =	vst v6;
	v6 =	vadd.f32 v63, v62  }
.LBB2_18:
0x302: {  	v7 =	vld [tilespmem:s9+$0x70];
	s7 =	sadd.s32 $0x100, s7  }
0x303: {  	s8 =	sadd.s32 $0x100, s8;
	v8 =	vld [tilespmem:s7+$0x70];
	[tilespmem:s6+$0x40] =	vst v6;
	v1 =	vadd.f32 v3, v1  }
0x304: {  	p0 =	slt.u32 s8, $0x3F00;
	v3 =	vld [tilespmem:s7+$0xFFFFFF80]  }
0x305: {  	v6 =	vld [tilespmem:s9+$0xFFFFFF90];
	[tilespmem:s6+$0x50] =	vst v1;
	v1 =	vadd.f32 v5, v2  }
0x306: {  	v2 =	vld [tilespmem:s7+$0xFFFFFF90];
	v9 =	vadd.f32 v0, v4  }
0x307: {  	v4 =	vld [tilespmem:s9+$0xFFFFFFA0];
	[tilespmem:s6+$0x60] =	vst v1  }
0x308: {  	v1 =	vld [tilespmem:s7+$0xFFFFFFA0];
	v5 =	vadd.f32 v8, v7;
	[tilespmem:s6+$0xFFFFFF80] =	vst v9;
	s6 =	smov.u32 s9  }
0x309: {  	v7 =	vld [tilespmem:s9+$0xFFFFFFB0];
	v0 =	vmov v3  }
0x30a: {  	v3 =	vld [tilespmem:s7+$0xFFFFFFB0];
	[tilespmem:s9+$0x70] =	vst v5  }
0x30b: {  	v2 =	vadd.f32 v2, v6;
	v5 =	vld [tilespmem:s9+$0xFFFFFFC0]  }
0x30c: {  	v6 =	vld [tilespmem:s7+$0xFFFFFFC0]  }
0x30d: {  	[tilespmem:s9+$0xFFFFFF90] =	vst v2;
	v1 =	vadd.f32 v1, v4;
	v2 =	vld [tilespmem:s9+$0xFFFFFFD0]  }
0x30e: {  	v4 =	vld [tilespmem:s7+$0xFFFFFFD0]  }
0x30f: {  	[tilespmem:s9+$0xFFFFFFA0] =	vst v1;
	v1 =	vadd.f32 v3, v7;
	v3 =	vld [tilespmem:s9+$0xFFFFFFE0]  }
0x310: {  	v7 =	vld [tilespmem:s7+$0xFFFFFFE0]  }
0x311: {  	[tilespmem:s9+$0xFFFFFFB0] =	vst v1;
	v1 =	vadd.f32 v6, v5;
	v5 =	vld [tilespmem:s9+$0xFFFFFFF0]  }
0x312: {  	v6 =	vld [tilespmem:s7+$0xFFFFFFF0]  }
0x313: {  	[tilespmem:s9+$0xFFFFFFC0] =	vst v1;
	v1 =	vadd.f32 v4, v2;
	v2 =	vld [tilespmem:s9+$0x0]  }
0x314: {  	v4 =	vld [tilespmem:s7+$0x0]  }
0x315: {  	[tilespmem:s9+$0xFFFFFFD0] =	vst v1;
	v1 =	vadd.f32 v7, v3;
	v3 =	vld [tilespmem:s9+$0x10]  }
0x316: {  	v7 =	vld [tilespmem:s7+$0x10]  }
0x317: {  	[tilespmem:s9+$0xFFFFFFE0] =	vst v1;
	v1 =	vadd.f32 v6, v5;
	v5 =	vld [tilespmem:s9+$0x20]  }
0x318: {  	v6 =	vld [tilespmem:s7+$0x20]  }
0x319: {  	[tilespmem:s9+$0xFFFFFFF0] =	vst v1;
	v1 =	vadd.f32 v4, v2;
	v2 =	vld [tilespmem:s9+$0x30]  }
0x31a: {  	v4 =	vld [tilespmem:s7+$0x30]  }
0x31b: {  	[tilespmem:s9+$0x0] =	vst v1;
	v1 =	vadd.f32 v7, v3;
	v7 =	vld [tilespmem:s9+$0x40]  }
0x31c: {  	v8 =	vld [tilespmem:s7+$0x40]  }
.Ltmp8:
0x31d: {  	[tilespmem:s9+$0x10] =	vst v1;
	v5 =	vadd.f32 v6, v5;
	v1 =	vld [tilespmem:s9+$0x50];
	(pc) =	sbr.rel @p0 .LBB2_18-.Ltmp8, $4  }
0x31e: {  	v3 =	vld [tilespmem:s7+$0x50]  }
0x31f: {  	[tilespmem:s9+$0x20] =	vst v5;
	v6 =	vadd.f32 v4, v2;
	v2 =	vld [tilespmem:s9+$0x60]  }
0x320: {  	v5 =	vld [tilespmem:s7+$0x60]  }
0x321: {  	s9 =	sadd.s32 $0x100, s9;
	v4 =	vld [tilespmem:s6+$0xFFFFFF80];
	[tilespmem:s6+$0x30] =	vst v6;
	v6 =	vadd.f32 v8, v7  }
0x322: {  	_ =	sdelay $0x1  }
0x323: {  	v1 =	vadd.f32 v3, v1  }
0x324: {  	[tilespmem:s6+$0x40] =	vst v6;
	v2 =	vadd.f32 v5, v2  }
0x325: {  	[tilespmem:s6+$0x50] =	vst v1;
	v0 =	vadd.f32 v0, v4  }
0x326: {  	[tilespmem:s6+$0x60] =	vst v2  }
0x327: {  	[tilespmem:s6+$0xFFFFFF80] =	vst v0  }
0x328: {  	s6 =	rddreg [dreg:$0x13]  }
0x329: {  	[hbm4b:s6+s1] =	stream.linear.scatter [tilespmem:s24], [sflag:$0x9], $0x4000, $0x38;
	[tilespmem:$0x18000] =	vst v63  }
0x32a: {  	_ =	swait.ge [sflag:s4], $0x4000  }
0x32b: {  	[sflag:s4] =	ssyncset.done $0x0  }
0x32c: {  	s9 =	rddreg [dreg:$0x17];
	[sflag:s4] =	ssyncadd.s32 $0xFFFFC000  }
0x32d: {  	[tilespmem:s24], [sflag:$0x3] =	stream.linear.gather [hbm4b:s9+s1], $0x4000, $0x38;
	[tilespmem:$0x18000] =	vst v63  }
0x32e: {  	_ = 	snop  }
0x32f: {  	[tilespmem:s25], [sflag:$0x6] =	stream.linear.gather [hbm4b:s15+s1], $0x4000, $0x38;
	[tilespmem:$0x18000] =	vst v63  }
0x330: {  	_ =	swait.ge [sflag:s26], $0x4000  }
0x331: {  	[sflag:s26] =	ssyncset.done $0x0  }
0x332: {  	[sflag:s26] =	ssyncadd.s32 $0xFFFFC000  }
0x333: {  	_ =	swait.ge [sflag:s28], $0x4000  }
0x334: {  	[sflag:s28] =	ssyncset.done $0x0  }
0x335: {  	s6 =	simm.s32 $0x80;
	[sflag:s28] =	ssyncadd.s32 $0xFFFFC000  }
0x336: {  	s7 =	simm.s32 $0xC080;
	v1 =	vld [tilespmem:s6+$0x70]  }
0x337: {  	v2 =	vld [tilespmem:s7+$0x70]  }
0x338: {  	v0 =	vld [tilespmem:s7+$0xFFFFFF80]  }
0x339: {  	v3 =	vld [tilespmem:s6+$0xFFFFFF90]  }
0x33a: {  	v4 =	vld [tilespmem:s7+$0xFFFFFF90]  }
0x33b: {  	v5 =	vld [tilespmem:s6+$0xFFFFFFA0]  }
0x33c: {  	v6 =	vld [tilespmem:s7+$0xFFFFFFA0]  }
0x33d: {  	v7 =	vld [tilespmem:s6+$0xFFFFFFB0]  }
0x33e: {  	v8 =	vld [tilespmem:s7+$0xFFFFFFB0]  }
0x33f: {  	v9 =	vld [tilespmem:s6+$0xFFFFFFC0]  }
0x340: {  	v10 =	vld [tilespmem:s7+$0xFFFFFFC0]  }
0x341: {  	v11 =	vld [tilespmem:s6+$0xFFFFFFD0]  }
0x342: {  	v12 =	vld [tilespmem:s7+$0xFFFFFFD0]  }
0x343: {  	v13 =	vld [tilespmem:s6+$0xFFFFFFE0]  }
0x344: {  	v14 =	vld [tilespmem:s7+$0xFFFFFFE0]  }
0x345: {  	v15 =	vld [tilespmem:s6+$0xFFFFFFF0]  }
0x346: {  	v16 =	vld [tilespmem:s7+$0xFFFFFFF0]  }
0x347: {  	v17 =	vld [tilespmem:s6+$0x0]  }
0x348: {  	v61 =	vld [tilespmem:s7+$0x30];
	v1 =	vadd.f32 v2, v1  }
0x349: {  	v2 =	vld [tilespmem:s7+$0x0];
	v3 =	vadd.f32 v4, v3  }
0x34a: {  	v4 =	vld [tilespmem:s6+$0x10];
	[tilespmem:s6+$0x70] =	vst v1;
	v1 =	vadd.f32 v6, v5  }
0x34b: {  	v5 =	vld [tilespmem:s7+$0x10];
	[tilespmem:s6+$0xFFFFFF90] =	vst v3;
	v3 =	vadd.f32 v8, v7  }
0x34c: {  	v6 =	vld [tilespmem:s6+$0x20];
	[tilespmem:s6+$0xFFFFFFA0] =	vst v1;
	v1 =	vadd.f32 v10, v9  }
0x34d: {  	v7 =	vld [tilespmem:s7+$0x20];
	[tilespmem:s6+$0xFFFFFFB0] =	vst v3;
	v3 =	vadd.f32 v12, v11  }
0x34e: {  	v8 =	vld [tilespmem:s6+$0x30];
	v2 =	vadd.f32 v2, v17;
	[tilespmem:s6+$0xFFFFFFC0] =	vst v1  }
0x34f: {  	v62 =	vld [tilespmem:s6+$0x40];
	v1 =	vadd.f32 v14, v13;
	[tilespmem:s6+$0xFFFFFFD0] =	vst v3  }
0x350: {  	v63 =	vld [tilespmem:s7+$0x40];
	v3 =	vadd.f32 v16, v15;
	[tilespmem:s6+$0x0] =	vst v2  }
0x351: {  	v4 =	vadd.f32 v5, v4;
	[tilespmem:s6+$0xFFFFFFE0] =	vst v1;
	v1 =	vld [tilespmem:s6+$0x50]  }
0x352: {  	v5 =	vadd.f32 v7, v6;
	[tilespmem:s6+$0xFFFFFFF0] =	vst v3;
	v3 =	vld [tilespmem:s7+$0x50]  }
0x353: {  	v6 =	vadd.f32 v61, v8;
	v2 =	vld [tilespmem:s6+$0x60];
	[tilespmem:s6+$0x10] =	vst v4  }
0x354: {  	[tilespmem:s6+$0x20] =	vst v5;
	v5 =	vld [tilespmem:s7+$0x60]  }
0x355: {  	s8 =	simm.s32 $0x0;
	s9 =	simm.s32 $0x180;
	v4 =	vld [tilespmem:s6+$0xFFFFFF80];
	[tilespmem:s6+$0x30] =	vst v6;
	v6 =	vadd.f32 v63, v62  }
.LBB2_20:
0x356: {  	v7 =	vld [tilespmem:s9+$0x70];
	s7 =	sadd.s32 $0x100, s7  }
0x357: {  	s8 =	sadd.s32 $0x100, s8;
	v8 =	vld [tilespmem:s7+$0x70];
	[tilespmem:s6+$0x40] =	vst v6;
	v1 =	vadd.f32 v3, v1  }
0x358: {  	p0 =	slt.u32 s8, $0x3F00;
	v3 =	vld [tilespmem:s7+$0xFFFFFF80]  }
0x359: {  	v6 =	vld [tilespmem:s9+$0xFFFFFF90];
	[tilespmem:s6+$0x50] =	vst v1;
	v1 =	vadd.f32 v5, v2  }
0x35a: {  	v2 =	vld [tilespmem:s7+$0xFFFFFF90];
	v9 =	vadd.f32 v0, v4  }
0x35b: {  	v4 =	vld [tilespmem:s9+$0xFFFFFFA0];
	[tilespmem:s6+$0x60] =	vst v1  }
0x35c: {  	v1 =	vld [tilespmem:s7+$0xFFFFFFA0];
	v5 =	vadd.f32 v8, v7;
	[tilespmem:s6+$0xFFFFFF80] =	vst v9;
	s6 =	smov.u32 s9  }
0x35d: {  	v7 =	vld [tilespmem:s9+$0xFFFFFFB0];
	v0 =	vmov v3  }
0x35e: {  	v3 =	vld [tilespmem:s7+$0xFFFFFFB0];
	[tilespmem:s9+$0x70] =	vst v5  }
0x35f: {  	v2 =	vadd.f32 v2, v6;
	v5 =	vld [tilespmem:s9+$0xFFFFFFC0]  }
0x360: {  	v6 =	vld [tilespmem:s7+$0xFFFFFFC0]  }
0x361: {  	[tilespmem:s9+$0xFFFFFF90] =	vst v2;
	v1 =	vadd.f32 v1, v4;
	v2 =	vld [tilespmem:s9+$0xFFFFFFD0]  }
0x362: {  	v4 =	vld [tilespmem:s7+$0xFFFFFFD0]  }
0x363: {  	[tilespmem:s9+$0xFFFFFFA0] =	vst v1;
	v1 =	vadd.f32 v3, v7;
	v3 =	vld [tilespmem:s9+$0xFFFFFFE0]  }
0x364: {  	v7 =	vld [tilespmem:s7+$0xFFFFFFE0]  }
0x365: {  	[tilespmem:s9+$0xFFFFFFB0] =	vst v1;
	v1 =	vadd.f32 v6, v5;
	v5 =	vld [tilespmem:s9+$0xFFFFFFF0]  }
0x366: {  	v6 =	vld [tilespmem:s7+$0xFFFFFFF0]  }
0x367: {  	[tilespmem:s9+$0xFFFFFFC0] =	vst v1;
	v1 =	vadd.f32 v4, v2;
	v2 =	vld [tilespmem:s9+$0x0]  }
0x368: {  	v4 =	vld [tilespmem:s7+$0x0]  }
0x369: {  	[tilespmem:s9+$0xFFFFFFD0] =	vst v1;
	v1 =	vadd.f32 v7, v3;
	v3 =	vld [tilespmem:s9+$0x10]  }
0x36a: {  	v7 =	vld [tilespmem:s7+$0x10]  }
0x36b: {  	[tilespmem:s9+$0xFFFFFFE0] =	vst v1;
	v1 =	vadd.f32 v6, v5;
	v5 =	vld [tilespmem:s9+$0x20]  }
0x36c: {  	v6 =	vld [tilespmem:s7+$0x20]  }
0x36d: {  	[tilespmem:s9+$0xFFFFFFF0] =	vst v1;
	v1 =	vadd.f32 v4, v2;
	v2 =	vld [tilespmem:s9+$0x30]  }
0x36e: {  	v4 =	vld [tilespmem:s7+$0x30]  }
0x36f: {  	[tilespmem:s9+$0x0] =	vst v1;
	v1 =	vadd.f32 v7, v3;
	v7 =	vld [tilespmem:s9+$0x40]  }
0x370: {  	v8 =	vld [tilespmem:s7+$0x40]  }
.Ltmp9:
0x371: {  	[tilespmem:s9+$0x10] =	vst v1;
	v5 =	vadd.f32 v6, v5;
	v1 =	vld [tilespmem:s9+$0x50];
	(pc) =	sbr.rel @p0 .LBB2_20-.Ltmp9, $4  }
0x372: {  	v3 =	vld [tilespmem:s7+$0x50]  }
0x373: {  	[tilespmem:s9+$0x20] =	vst v5;
	v6 =	vadd.f32 v4, v2;
	v2 =	vld [tilespmem:s9+$0x60]  }
0x374: {  	v5 =	vld [tilespmem:s7+$0x60]  }
0x375: {  	s9 =	sadd.s32 $0x100, s9;
	v4 =	vld [tilespmem:s6+$0xFFFFFF80];
	[tilespmem:s6+$0x30] =	vst v6;
	v6 =	vadd.f32 v8, v7  }
0x376: {  	_ =	sdelay $0x1  }
0x377: {  	v1 =	vadd.f32 v3, v1  }
0x378: {  	[tilespmem:s6+$0x40] =	vst v6;
	v2 =	vadd.f32 v5, v2  }
0x379: {  	[tilespmem:s6+$0x50] =	vst v1;
	v0 =	vadd.f32 v0, v4  }
0x37a: {  	[tilespmem:s6+$0x60] =	vst v2  }
0x37b: {  	[tilespmem:s6+$0xFFFFFF80] =	vst v0  }
0x37c: {  	s6 =	rddreg [dreg:$0x14]  }
0x37d: {  	[hbm4b:s6+s1] =	stream.linear.scatter [tilespmem:s1], [sflag:$0x7], $0x4000, $0x38;
	[tilespmem:$0x18000] =	vst v63  }
0x37e: {  	_ =	swait.ge [sflag:s30], $0x4000  }
0x37f: {  	[sflag:s30] =	ssyncset.done $0x0  }
0x380: {  	s9 =	rddreg [dreg:$0x19];
	[sflag:s30] =	ssyncadd.s32 $0xFFFFC000  }
0x381: {  	[tilespmem:s1], [sflag:$0x1] =	stream.linear.gather [hbm4b:s9+s1], $0x4000, $0x38;
	[tilespmem:$0x18000] =	vst v63  }
0x382: {  	_ = 	snop  }
0x383: {  	[tilespmem:s21], [sflag:$0x4] =	stream.linear.gather [hbm4b:s16+s1], $0x4000, $0x38;
	[tilespmem:$0x18000] =	vst v63  }
0x384: {  	_ =	swait.ge [sflag:s31], $0x4000  }
0x385: {  	[sflag:s31] =	ssyncset.done $0x0  }
0x386: {  	[sflag:s31] =	ssyncadd.s32 $0xFFFFC000  }
0x387: {  	_ =	swait.ge [sflag:s29], $0x4000  }
0x388: {  	[sflag:s29] =	ssyncset.done $0x0  }
0x389: {  	s6 =	simm.s32 $0x4080;
	[sflag:s29] =	ssyncadd.s32 $0xFFFFC000  }
0x38a: {  	s7 =	simm.s32 $0x10080;
	v1 =	vld [tilespmem:s6+$0x70]  }
0x38b: {  	v2 =	vld [tilespmem:s7+$0x70]  }
0x38c: {  	v0 =	vld [tilespmem:s7+$0xFFFFFF80]  }
0x38d: {  	v3 =	vld [tilespmem:s6+$0xFFFFFF90]  }
0x38e: {  	v4 =	vld [tilespmem:s7+$0xFFFFFF90]  }
0x38f: {  	v5 =	vld [tilespmem:s6+$0xFFFFFFA0]  }
0x390: {  	v6 =	vld [tilespmem:s7+$0xFFFFFFA0]  }
0x391: {  	v7 =	vld [tilespmem:s6+$0xFFFFFFB0]  }
0x392: {  	v8 =	vld [tilespmem:s7+$0xFFFFFFB0]  }
0x393: {  	v9 =	vld [tilespmem:s6+$0xFFFFFFC0]  }
0x394: {  	v10 =	vld [tilespmem:s7+$0xFFFFFFC0]  }
0x395: {  	v11 =	vld [tilespmem:s6+$0xFFFFFFD0]  }
0x396: {  	v12 =	vld [tilespmem:s7+$0xFFFFFFD0]  }
0x397: {  	v13 =	vld [tilespmem:s6+$0xFFFFFFE0]  }
0x398: {  	v14 =	vld [tilespmem:s7+$0xFFFFFFE0]  }
0x399: {  	v15 =	vld [tilespmem:s6+$0xFFFFFFF0]  }
0x39a: {  	v16 =	vld [tilespmem:s7+$0xFFFFFFF0]  }
0x39b: {  	v17 =	vld [tilespmem:s6+$0x0]  }
0x39c: {  	v61 =	vld [tilespmem:s7+$0x30];
	v1 =	vadd.f32 v2, v1  }
0x39d: {  	v2 =	vld [tilespmem:s7+$0x0];
	v3 =	vadd.f32 v4, v3  }
0x39e: {  	v4 =	vld [tilespmem:s6+$0x10];
	[tilespmem:s6+$0x70] =	vst v1;
	v1 =	vadd.f32 v6, v5  }
0x39f: {  	v5 =	vld [tilespmem:s7+$0x10];
	[tilespmem:s6+$0xFFFFFF90] =	vst v3;
	v3 =	vadd.f32 v8, v7  }
0x3a0: {  	v6 =	vld [tilespmem:s6+$0x20];
	[tilespmem:s6+$0xFFFFFFA0] =	vst v1;
	v1 =	vadd.f32 v10, v9  }
0x3a1: {  	v7 =	vld [tilespmem:s7+$0x20];
	[tilespmem:s6+$0xFFFFFFB0] =	vst v3;
	v3 =	vadd.f32 v12, v11  }
0x3a2: {  	v8 =	vld [tilespmem:s6+$0x30];
	v2 =	vadd.f32 v2, v17;
	[tilespmem:s6+$0xFFFFFFC0] =	vst v1  }
0x3a3: {  	v62 =	vld [tilespmem:s6+$0x40];
	v1 =	vadd.f32 v14, v13;
	[tilespmem:s6+$0xFFFFFFD0] =	vst v3  }
0x3a4: {  	v63 =	vld [tilespmem:s7+$0x40];
	v3 =	vadd.f32 v16, v15;
	[tilespmem:s6+$0x0] =	vst v2  }
0x3a5: {  	v4 =	vadd.f32 v5, v4;
	[tilespmem:s6+$0xFFFFFFE0] =	vst v1;
	v1 =	vld [tilespmem:s6+$0x50]  }
0x3a6: {  	v5 =	vadd.f32 v7, v6;
	[tilespmem:s6+$0xFFFFFFF0] =	vst v3;
	v3 =	vld [tilespmem:s7+$0x50]  }
0x3a7: {  	v6 =	vadd.f32 v61, v8;
	v2 =	vld [tilespmem:s6+$0x60];
	[tilespmem:s6+$0x10] =	vst v4  }
0x3a8: {  	[tilespmem:s6+$0x20] =	vst v5;
	v5 =	vld [tilespmem:s7+$0x60]  }
0x3a9: {  	s8 =	simm.s32 $0x0;
	s9 =	simm.s32 $0x4180;
	v4 =	vld [tilespmem:s6+$0xFFFFFF80];
	[tilespmem:s6+$0x30] =	vst v6;
	v6 =	vadd.f32 v63, v62  }
.LBB2_22:
0x3aa: {  	v7 =	vld [tilespmem:s9+$0x70];
	s7 =	sadd.s32 $0x100, s7  }
0x3ab: {  	s8 =	sadd.s32 $0x100, s8;
	v8 =	vld [tilespmem:s7+$0x70];
	[tilespmem:s6+$0x40] =	vst v6;
	v1 =	vadd.f32 v3, v1  }
0x3ac: {  	p0 =	slt.u32 s8, $0x3F00;
	v3 =	vld [tilespmem:s7+$0xFFFFFF80]  }
0x3ad: {  	v6 =	vld [tilespmem:s9+$0xFFFFFF90];
	[tilespmem:s6+$0x50] =	vst v1;
	v1 =	vadd.f32 v5, v2  }
0x3ae: {  	v2 =	vld [tilespmem:s7+$0xFFFFFF90];
	v9 =	vadd.f32 v0, v4  }
0x3af: {  	v4 =	vld [tilespmem:s9+$0xFFFFFFA0];
	[tilespmem:s6+$0x60] =	vst v1  }
0x3b0: {  	v1 =	vld [tilespmem:s7+$0xFFFFFFA0];
	v5 =	vadd.f32 v8, v7;
	[tilespmem:s6+$0xFFFFFF80] =	vst v9;
	s6 =	smov.u32 s9  }
0x3b1: {  	v7 =	vld [tilespmem:s9+$0xFFFFFFB0];
	v0 =	vmov v3  }
0x3b2: {  	v3 =	vld [tilespmem:s7+$0xFFFFFFB0];
	[tilespmem:s9+$0x70] =	vst v5  }
0x3b3: {  	v2 =	vadd.f32 v2, v6;
	v5 =	vld [tilespmem:s9+$0xFFFFFFC0]  }
0x3b4: {  	v6 =	vld [tilespmem:s7+$0xFFFFFFC0]  }
0x3b5: {  	[tilespmem:s9+$0xFFFFFF90] =	vst v2;
	v1 =	vadd.f32 v1, v4;
	v2 =	vld [tilespmem:s9+$0xFFFFFFD0]  }
0x3b6: {  	v4 =	vld [tilespmem:s7+$0xFFFFFFD0]  }
0x3b7: {  	[tilespmem:s9+$0xFFFFFFA0] =	vst v1;
	v1 =	vadd.f32 v3, v7;
	v3 =	vld [tilespmem:s9+$0xFFFFFFE0]  }
0x3b8: {  	v7 =	vld [tilespmem:s7+$0xFFFFFFE0]  }
0x3b9: {  	[tilespmem:s9+$0xFFFFFFB0] =	vst v1;
	v1 =	vadd.f32 v6, v5;
	v5 =	vld [tilespmem:s9+$0xFFFFFFF0]  }
0x3ba: {  	v6 =	vld [tilespmem:s7+$0xFFFFFFF0]  }
0x3bb: {  	[tilespmem:s9+$0xFFFFFFC0] =	vst v1;
	v1 =	vadd.f32 v4, v2;
	v2 =	vld [tilespmem:s9+$0x0]  }
0x3bc: {  	v4 =	vld [tilespmem:s7+$0x0]  }
0x3bd: {  	[tilespmem:s9+$0xFFFFFFD0] =	vst v1;
	v1 =	vadd.f32 v7, v3;
	v3 =	vld [tilespmem:s9+$0x10]  }
0x3be: {  	v7 =	vld [tilespmem:s7+$0x10]  }
0x3bf: {  	[tilespmem:s9+$0xFFFFFFE0] =	vst v1;
	v1 =	vadd.f32 v6, v5;
	v5 =	vld [tilespmem:s9+$0x20]  }
0x3c0: {  	v6 =	vld [tilespmem:s7+$0x20]  }
0x3c1: {  	[tilespmem:s9+$0xFFFFFFF0] =	vst v1;
	v1 =	vadd.f32 v4, v2;
	v2 =	vld [tilespmem:s9+$0x30]  }
0x3c2: {  	v4 =	vld [tilespmem:s7+$0x30]  }
0x3c3: {  	[tilespmem:s9+$0x0] =	vst v1;
	v1 =	vadd.f32 v7, v3;
	v7 =	vld [tilespmem:s9+$0x40]  }
0x3c4: {  	v8 =	vld [tilespmem:s7+$0x40]  }
.Ltmp10:
0x3c5: {  	[tilespmem:s9+$0x10] =	vst v1;
	v5 =	vadd.f32 v6, v5;
	v1 =	vld [tilespmem:s9+$0x50];
	(pc) =	sbr.rel @p0 .LBB2_22-.Ltmp10, $4  }
0x3c6: {  	v3 =	vld [tilespmem:s7+$0x50]  }
0x3c7: {  	[tilespmem:s9+$0x20] =	vst v5;
	v6 =	vadd.f32 v4, v2;
	v2 =	vld [tilespmem:s9+$0x60]  }
0x3c8: {  	v5 =	vld [tilespmem:s7+$0x60]  }
0x3c9: {  	s9 =	sadd.s32 $0x100, s9;
	v4 =	vld [tilespmem:s6+$0xFFFFFF80];
	[tilespmem:s6+$0x30] =	vst v6;
	v6 =	vadd.f32 v8, v7  }
0x3ca: {  	_ =	sdelay $0x1  }
0x3cb: {  	v1 =	vadd.f32 v3, v1  }
0x3cc: {  	[tilespmem:s6+$0x40] =	vst v6;
	v2 =	vadd.f32 v5, v2  }
0x3cd: {  	[tilespmem:s6+$0x50] =	vst v1;
	v0 =	vadd.f32 v0, v4  }
0x3ce: {  	[tilespmem:s6+$0x60] =	vst v2  }
0x3cf: {  	[tilespmem:s6+$0xFFFFFF80] =	vst v0  }
0x3d0: {  	s6 =	rddreg [dreg:$0x16]  }
0x3d1: {  	[hbm4b:s6+s1] =	stream.linear.scatter [tilespmem:s22], [sflag:$0x8], $0x4000, $0x38;
	[tilespmem:$0x18000] =	vst v63  }
0x3d2: {  	_ =	swait.ge [sflag:s0], $0x4000  }
0x3d3: {  	[sflag:s0] =	ssyncset.done $0x0  }
0x3d4: {  	s9 =	rddreg [dreg:$0x1d];
	[sflag:s0] =	ssyncadd.s32 $0xFFFFC000  }
0x3d5: {  	[tilespmem:s22], [sflag:$0x2] =	stream.linear.gather [hbm4b:s9+s1], $0x4000, $0x38;
	[tilespmem:$0x18000] =	vst v63  }
0x3d6: {  	_ = 	snop  }
0x3d7: {  	[tilespmem:s23], [sflag:$0x5] =	stream.linear.gather [hbm4b:s17+s1], $0x4000, $0x38;
	[tilespmem:$0x18000] =	vst v63  }
0x3d8: {  	_ =	swait.ge [sflag:s2], $0x4000  }
0x3d9: {  	[sflag:s2] =	ssyncset.done $0x0  }
0x3da: {  	[sflag:s2] =	ssyncadd.s32 $0xFFFFC000  }
0x3db: {  	_ =	swait.ge [sflag:s3], $0x4000  }
0x3dc: {  	[sflag:s3] =	ssyncset.done $0x0  }
0x3dd: {  	s6 =	simm.s32 $0x8080;
	[sflag:s3] =	ssyncadd.s32 $0xFFFFC000  }
0x3de: {  	s7 =	simm.s32 $0x14080;
	v1 =	vld [tilespmem:s6+$0x70]  }
0x3df: {  	v2 =	vld [tilespmem:s7+$0x70]  }
0x3e0: {  	v0 =	vld [tilespmem:s7+$0xFFFFFF80]  }
0x3e1: {  	v3 =	vld [tilespmem:s6+$0xFFFFFF90]  }
0x3e2: {  	v4 =	vld [tilespmem:s7+$0xFFFFFF90]  }
0x3e3: {  	v5 =	vld [tilespmem:s6+$0xFFFFFFA0]  }
0x3e4: {  	v6 =	vld [tilespmem:s7+$0xFFFFFFA0]  }
0x3e5: {  	v7 =	vld [tilespmem:s6+$0xFFFFFFB0]  }
0x3e6: {  	v8 =	vld [tilespmem:s7+$0xFFFFFFB0]  }
0x3e7: {  	v9 =	vld [tilespmem:s6+$0xFFFFFFC0]  }
0x3e8: {  	v10 =	vld [tilespmem:s7+$0xFFFFFFC0]  }
0x3e9: {  	v11 =	vld [tilespmem:s6+$0xFFFFFFD0]  }
0x3ea: {  	v12 =	vld [tilespmem:s7+$0xFFFFFFD0]  }
0x3eb: {  	v13 =	vld [tilespmem:s6+$0xFFFFFFE0]  }
0x3ec: {  	v14 =	vld [tilespmem:s7+$0xFFFFFFE0]  }
0x3ed: {  	v15 =	vld [tilespmem:s6+$0xFFFFFFF0]  }
0x3ee: {  	v16 =	vld [tilespmem:s7+$0xFFFFFFF0]  }
0x3ef: {  	v17 =	vld [tilespmem:s6+$0x0]  }
0x3f0: {  	v61 =	vld [tilespmem:s7+$0x30];
	v1 =	vadd.f32 v2, v1  }
0x3f1: {  	v2 =	vld [tilespmem:s7+$0x0];
	v3 =	vadd.f32 v4, v3  }
0x3f2: {  	v4 =	vld [tilespmem:s6+$0x10];
	[tilespmem:s6+$0x70] =	vst v1;
	v1 =	vadd.f32 v6, v5  }
0x3f3: {  	v5 =	vld [tilespmem:s7+$0x10];
	[tilespmem:s6+$0xFFFFFF90] =	vst v3;
	v3 =	vadd.f32 v8, v7  }
0x3f4: {  	v6 =	vld [tilespmem:s6+$0x20];
	[tilespmem:s6+$0xFFFFFFA0] =	vst v1;
	v1 =	vadd.f32 v10, v9  }
0x3f5: {  	v7 =	vld [tilespmem:s7+$0x20];
	[tilespmem:s6+$0xFFFFFFB0] =	vst v3;
	v3 =	vadd.f32 v12, v11  }
0x3f6: {  	v8 =	vld [tilespmem:s6+$0x30];
	v2 =	vadd.f32 v2, v17;
	[tilespmem:s6+$0xFFFFFFC0] =	vst v1  }
0x3f7: {  	v62 =	vld [tilespmem:s6+$0x40];
	v1 =	vadd.f32 v14, v13;
	[tilespmem:s6+$0xFFFFFFD0] =	vst v3  }
0x3f8: {  	v63 =	vld [tilespmem:s7+$0x40];
	v3 =	vadd.f32 v16, v15;
	[tilespmem:s6+$0x0] =	vst v2  }
0x3f9: {  	v4 =	vadd.f32 v5, v4;
	[tilespmem:s6+$0xFFFFFFE0] =	vst v1;
	v1 =	vld [tilespmem:s6+$0x50]  }
0x3fa: {  	v5 =	vadd.f32 v7, v6;
	[tilespmem:s6+$0xFFFFFFF0] =	vst v3;
	v3 =	vld [tilespmem:s7+$0x50]  }
0x3fb: {  	v6 =	vadd.f32 v61, v8;
	v2 =	vld [tilespmem:s6+$0x60];
	[tilespmem:s6+$0x10] =	vst v4  }
0x3fc: {  	[tilespmem:s6+$0x20] =	vst v5;
	v5 =	vld [tilespmem:s7+$0x60]  }
0x3fd: {  	s8 =	simm.s32 $0x0;
	s9 =	simm.s32 $0x8180;
	v4 =	vld [tilespmem:s6+$0xFFFFFF80];
	[tilespmem:s6+$0x30] =	vst v6;
	v6 =	vadd.f32 v63, v62  }
.LBB2_24:
0x3fe: {  	v7 =	vld [tilespmem:s9+$0x70];
	s7 =	sadd.s32 $0x100, s7  }
0x3ff: {  	s8 =	sadd.s32 $0x100, s8;
	v8 =	vld [tilespmem:s7+$0x70];
	[tilespmem:s6+$0x40] =	vst v6;
	v1 =	vadd.f32 v3, v1  }
0x400: {  	p0 =	slt.u32 s8, $0x3F00;
	v3 =	vld [tilespmem:s7+$0xFFFFFF80]  }
0x401: {  	v6 =	vld [tilespmem:s9+$0xFFFFFF90];
	[tilespmem:s6+$0x50] =	vst v1;
	v1 =	vadd.f32 v5, v2  }
0x402: {  	v2 =	vld [tilespmem:s7+$0xFFFFFF90];
	v9 =	vadd.f32 v0, v4  }
0x403: {  	v4 =	vld [tilespmem:s9+$0xFFFFFFA0];
	[tilespmem:s6+$0x60] =	vst v1  }
0x404: {  	v1 =	vld [tilespmem:s7+$0xFFFFFFA0];
	v5 =	vadd.f32 v8, v7;
	[tilespmem:s6+$0xFFFFFF80] =	vst v9;
	s6 =	smov.u32 s9  }
0x405: {  	v7 =	vld [tilespmem:s9+$0xFFFFFFB0];
	v0 =	vmov v3  }
0x406: {  	v3 =	vld [tilespmem:s7+$0xFFFFFFB0];
	[tilespmem:s9+$0x70] =	vst v5  }
0x407: {  	v2 =	vadd.f32 v2, v6;
	v5 =	vld [tilespmem:s9+$0xFFFFFFC0]  }
0x408: {  	v6 =	vld [tilespmem:s7+$0xFFFFFFC0]  }
0x409: {  	[tilespmem:s9+$0xFFFFFF90] =	vst v2;
	v1 =	vadd.f32 v1, v4;
	v2 =	vld [tilespmem:s9+$0xFFFFFFD0]  }
0x40a: {  	v4 =	vld [tilespmem:s7+$0xFFFFFFD0]  }
0x40b: {  	[tilespmem:s9+$0xFFFFFFA0] =	vst v1;
	v1 =	vadd.f32 v3, v7;
	v3 =	vld [tilespmem:s9+$0xFFFFFFE0]  }
0x40c: {  	v7 =	vld [tilespmem:s7+$0xFFFFFFE0]  }
0x40d: {  	[tilespmem:s9+$0xFFFFFFB0] =	vst v1;
	v1 =	vadd.f32 v6, v5;
	v5 =	vld [tilespmem:s9+$0xFFFFFFF0]  }
0x40e: {  	v6 =	vld [tilespmem:s7+$0xFFFFFFF0]  }
0x40f: {  	[tilespmem:s9+$0xFFFFFFC0] =	vst v1;
	v1 =	vadd.f32 v4, v2;
	v2 =	vld [tilespmem:s9+$0x0]  }
0x410: {  	v4 =	vld [tilespmem:s7+$0x0]  }
0x411: {  	[tilespmem:s9+$0xFFFFFFD0] =	vst v1;
	v1 =	vadd.f32 v7, v3;
	v3 =	vld [tilespmem:s9+$0x10]  }
0x412: {  	v7 =	vld [tilespmem:s7+$0x10]  }
0x413: {  	[tilespmem:s9+$0xFFFFFFE0] =	vst v1;
	v1 =	vadd.f32 v6, v5;
	v5 =	vld [tilespmem:s9+$0x20]  }
0x414: {  	v6 =	vld [tilespmem:s7+$0x20]  }
0x415: {  	[tilespmem:s9+$0xFFFFFFF0] =	vst v1;
	v1 =	vadd.f32 v4, v2;
	v2 =	vld [tilespmem:s9+$0x30]  }
0x416: {  	v4 =	vld [tilespmem:s7+$0x30]  }
0x417: {  	[tilespmem:s9+$0x0] =	vst v1;
	v1 =	vadd.f32 v7, v3;
	v7 =	vld [tilespmem:s9+$0x40]  }
0x418: {  	v8 =	vld [tilespmem:s7+$0x40]  }
.Ltmp11:
0x419: {  	[tilespmem:s9+$0x10] =	vst v1;
	v5 =	vadd.f32 v6, v5;
	v1 =	vld [tilespmem:s9+$0x50];
	(pc) =	sbr.rel @p0 .LBB2_24-.Ltmp11, $4  }
0x41a: {  	v3 =	vld [tilespmem:s7+$0x50]  }
0x41b: {  	[tilespmem:s9+$0x20] =	vst v5;
	v6 =	vadd.f32 v4, v2;
	v2 =	vld [tilespmem:s9+$0x60]  }
0x41c: {  	v5 =	vld [tilespmem:s7+$0x60]  }
0x41d: {  	s9 =	sadd.s32 $0x100, s9;
	v4 =	vld [tilespmem:s6+$0xFFFFFF80];
	[tilespmem:s6+$0x30] =	vst v6;
	v6 =	vadd.f32 v8, v7  }
0x41e: {  	_ =	sdelay $0x1  }
0x41f: {  	v1 =	vadd.f32 v3, v1  }
0x420: {  	[tilespmem:s6+$0x40] =	vst v6;
	v2 =	vadd.f32 v5, v2  }
0x421: {  	[tilespmem:s6+$0x50] =	vst v1;
	v0 =	vadd.f32 v0, v4  }
0x422: {  	[tilespmem:s6+$0x60] =	vst v2  }
0x423: {  	[tilespmem:s6+$0xFFFFFF80] =	vst v0  }
0x424: {  	s6 =	rddreg [dreg:$0x18]  }
0x425: {  	[hbm4b:s6+s1] =	stream.linear.scatter [tilespmem:s24], [sflag:$0x9], $0x4000, $0x38;
	[tilespmem:$0x18000] =	vst v63  }
0x426: {  	_ =	swait.ge [sflag:s4], $0x4000  }
0x427: {  	[sflag:s4] =	ssyncset.done $0x0  }
0x428: {  	s9 =	rddreg [dreg:$0x1e];
	[sflag:s4] =	ssyncadd.s32 $0xFFFFC000  }
0x429: {  	[tilespmem:s24], [sflag:$0x3] =	stream.linear.gather [hbm4b:s9+s1], $0x4000, $0x38;
	[tilespmem:$0x18000] =	vst v63  }
0x42a: {  	_ = 	snop  }
0x42b: {  	[tilespmem:s25], [sflag:$0x6] =	stream.linear.gather [hbm4b:s18+s1], $0x4000, $0x38;
	[tilespmem:$0x18000] =	vst v63  }
0x42c: {  	_ =	swait.ge [sflag:s26], $0x4000  }
0x42d: {  	[sflag:s26] =	ssyncset.done $0x0  }
0x42e: {  	[sflag:s26] =	ssyncadd.s32 $0xFFFFC000  }
0x42f: {  	_ =	swait.ge [sflag:s28], $0x4000  }
0x430: {  	[sflag:s28] =	ssyncset.done $0x0  }
0x431: {  	s6 =	simm.s32 $0x80;
	[sflag:s28] =	ssyncadd.s32 $0xFFFFC000  }
0x432: {  	s7 =	simm.s32 $0xC080;
	v1 =	vld [tilespmem:s6+$0x70]  }
0x433: {  	v2 =	vld [tilespmem:s7+$0x70]  }
0x434: {  	v0 =	vld [tilespmem:s7+$0xFFFFFF80]  }
0x435: {  	v3 =	vld [tilespmem:s6+$0xFFFFFF90]  }
0x436: {  	v4 =	vld [tilespmem:s7+$0xFFFFFF90]  }
0x437: {  	v5 =	vld [tilespmem:s6+$0xFFFFFFA0]  }
0x438: {  	v6 =	vld [tilespmem:s7+$0xFFFFFFA0]  }
0x439: {  	v7 =	vld [tilespmem:s6+$0xFFFFFFB0]  }
0x43a: {  	v8 =	vld [tilespmem:s7+$0xFFFFFFB0]  }
0x43b: {  	v9 =	vld [tilespmem:s6+$0xFFFFFFC0]  }
0x43c: {  	v10 =	vld [tilespmem:s7+$0xFFFFFFC0]  }
0x43d: {  	v11 =	vld [tilespmem:s6+$0xFFFFFFD0]  }
0x43e: {  	v12 =	vld [tilespmem:s7+$0xFFFFFFD0]  }
0x43f: {  	v13 =	vld [tilespmem:s6+$0xFFFFFFE0]  }
0x440: {  	v14 =	vld [tilespmem:s7+$0xFFFFFFE0]  }
0x441: {  	v15 =	vld [tilespmem:s6+$0xFFFFFFF0]  }
0x442: {  	v16 =	vld [tilespmem:s7+$0xFFFFFFF0]  }
0x443: {  	v17 =	vld [tilespmem:s6+$0x0]  }
0x444: {  	v61 =	vld [tilespmem:s7+$0x30];
	v1 =	vadd.f32 v2, v1  }
0x445: {  	v2 =	vld [tilespmem:s7+$0x0];
	v3 =	vadd.f32 v4, v3  }
0x446: {  	v4 =	vld [tilespmem:s6+$0x10];
	[tilespmem:s6+$0x70] =	vst v1;
	v1 =	vadd.f32 v6, v5  }
0x447: {  	v5 =	vld [tilespmem:s7+$0x10];
	[tilespmem:s6+$0xFFFFFF90] =	vst v3;
	v3 =	vadd.f32 v8, v7  }
0x448: {  	v6 =	vld [tilespmem:s6+$0x20];
	[tilespmem:s6+$0xFFFFFFA0] =	vst v1;
	v1 =	vadd.f32 v10, v9  }
0x449: {  	v7 =	vld [tilespmem:s7+$0x20];
	[tilespmem:s6+$0xFFFFFFB0] =	vst v3;
	v3 =	vadd.f32 v12, v11  }
0x44a: {  	v8 =	vld [tilespmem:s6+$0x30];
	v2 =	vadd.f32 v2, v17;
	[tilespmem:s6+$0xFFFFFFC0] =	vst v1  }
0x44b: {  	v62 =	vld [tilespmem:s6+$0x40];
	v1 =	vadd.f32 v14, v13;
	[tilespmem:s6+$0xFFFFFFD0] =	vst v3  }
0x44c: {  	v63 =	vld [tilespmem:s7+$0x40];
	v3 =	vadd.f32 v16, v15;
	[tilespmem:s6+$0x0] =	vst v2  }
0x44d: {  	v4 =	vadd.f32 v5, v4;
	[tilespmem:s6+$0xFFFFFFE0] =	vst v1;
	v1 =	vld [tilespmem:s6+$0x50]  }
0x44e: {  	v5 =	vadd.f32 v7, v6;
	[tilespmem:s6+$0xFFFFFFF0] =	vst v3;
	v3 =	vld [tilespmem:s7+$0x50]  }
0x44f: {  	v6 =	vadd.f32 v61, v8;
	v2 =	vld [tilespmem:s6+$0x60];
	[tilespmem:s6+$0x10] =	vst v4  }
0x450: {  	[tilespmem:s6+$0x20] =	vst v5;
	v5 =	vld [tilespmem:s7+$0x60]  }
0x451: {  	s8 =	simm.s32 $0x0;
	s9 =	simm.s32 $0x180;
	v4 =	vld [tilespmem:s6+$0xFFFFFF80];
	[tilespmem:s6+$0x30] =	vst v6;
	v6 =	vadd.f32 v63, v62  }
.LBB2_26:
0x452: {  	v7 =	vld [tilespmem:s9+$0x70];
	s7 =	sadd.s32 $0x100, s7  }
0x453: {  	s8 =	sadd.s32 $0x100, s8;
	v8 =	vld [tilespmem:s7+$0x70];
	[tilespmem:s6+$0x40] =	vst v6;
	v1 =	vadd.f32 v3, v1  }
0x454: {  	p0 =	slt.u32 s8, $0x3F00;
	v3 =	vld [tilespmem:s7+$0xFFFFFF80]  }
0x455: {  	v6 =	vld [tilespmem:s9+$0xFFFFFF90];
	[tilespmem:s6+$0x50] =	vst v1;
	v1 =	vadd.f32 v5, v2  }
0x456: {  	v2 =	vld [tilespmem:s7+$0xFFFFFF90];
	v9 =	vadd.f32 v0, v4  }
0x457: {  	v4 =	vld [tilespmem:s9+$0xFFFFFFA0];
	[tilespmem:s6+$0x60] =	vst v1  }
0x458: {  	v1 =	vld [tilespmem:s7+$0xFFFFFFA0];
	v5 =	vadd.f32 v8, v7;
	[tilespmem:s6+$0xFFFFFF80] =	vst v9;
	s6 =	smov.u32 s9  }
0x459: {  	v7 =	vld [tilespmem:s9+$0xFFFFFFB0];
	v0 =	vmov v3  }
0x45a: {  	v3 =	vld [tilespmem:s7+$0xFFFFFFB0];
	[tilespmem:s9+$0x70] =	vst v5  }
0x45b: {  	v2 =	vadd.f32 v2, v6;
	v5 =	vld [tilespmem:s9+$0xFFFFFFC0]  }
0x45c: {  	v6 =	vld [tilespmem:s7+$0xFFFFFFC0]  }
0x45d: {  	[tilespmem:s9+$0xFFFFFF90] =	vst v2;
	v1 =	vadd.f32 v1, v4;
	v2 =	vld [tilespmem:s9+$0xFFFFFFD0]  }
0x45e: {  	v4 =	vld [tilespmem:s7+$0xFFFFFFD0]  }
0x45f: {  	[tilespmem:s9+$0xFFFFFFA0] =	vst v1;
	v1 =	vadd.f32 v3, v7;
	v3 =	vld [tilespmem:s9+$0xFFFFFFE0]  }
0x460: {  	v7 =	vld [tilespmem:s7+$0xFFFFFFE0]  }
0x461: {  	[tilespmem:s9+$0xFFFFFFB0] =	vst v1;
	v1 =	vadd.f32 v6, v5;
	v5 =	vld [tilespmem:s9+$0xFFFFFFF0]  }
0x462: {  	v6 =	vld [tilespmem:s7+$0xFFFFFFF0]  }
0x463: {  	[tilespmem:s9+$0xFFFFFFC0] =	vst v1;
	v1 =	vadd.f32 v4, v2;
	v2 =	vld [tilespmem:s9+$0x0]  }
0x464: {  	v4 =	vld [tilespmem:s7+$0x0]  }
0x465: {  	[tilespmem:s9+$0xFFFFFFD0] =	vst v1;
	v1 =	vadd.f32 v7, v3;
	v3 =	vld [tilespmem:s9+$0x10]  }
0x466: {  	v7 =	vld [tilespmem:s7+$0x10]  }
0x467: {  	[tilespmem:s9+$0xFFFFFFE0] =	vst v1;
	v1 =	vadd.f32 v6, v5;
	v5 =	vld [tilespmem:s9+$0x20]  }
0x468: {  	v6 =	vld [tilespmem:s7+$0x20]  }
0x469: {  	[tilespmem:s9+$0xFFFFFFF0] =	vst v1;
	v1 =	vadd.f32 v4, v2;
	v2 =	vld [tilespmem:s9+$0x30]  }
0x46a: {  	v4 =	vld [tilespmem:s7+$0x30]  }
0x46b: {  	[tilespmem:s9+$0x0] =	vst v1;
	v1 =	vadd.f32 v7, v3;
	v7 =	vld [tilespmem:s9+$0x40]  }
0x46c: {  	v8 =	vld [tilespmem:s7+$0x40]  }
.Ltmp12:
0x46d: {  	[tilespmem:s9+$0x10] =	vst v1;
	v5 =	vadd.f32 v6, v5;
	v1 =	vld [tilespmem:s9+$0x50];
	(pc) =	sbr.rel @p0 .LBB2_26-.Ltmp12, $4  }
0x46e: {  	v3 =	vld [tilespmem:s7+$0x50]  }
0x46f: {  	[tilespmem:s9+$0x20] =	vst v5;
	v6 =	vadd.f32 v4, v2;
	v2 =	vld [tilespmem:s9+$0x60]  }
0x470: {  	v5 =	vld [tilespmem:s7+$0x60]  }
0x471: {  	s9 =	sadd.s32 $0x100, s9;
	v4 =	vld [tilespmem:s6+$0xFFFFFF80];
	[tilespmem:s6+$0x30] =	vst v6;
	v6 =	vadd.f32 v8, v7  }
0x472: {  	_ =	sdelay $0x1  }
0x473: {  	v1 =	vadd.f32 v3, v1  }
0x474: {  	[tilespmem:s6+$0x40] =	vst v6;
	v2 =	vadd.f32 v5, v2  }
0x475: {  	[tilespmem:s6+$0x50] =	vst v1;
	v0 =	vadd.f32 v0, v4  }
0x476: {  	[tilespmem:s6+$0x60] =	vst v2  }
0x477: {  	[tilespmem:s6+$0xFFFFFF80] =	vst v0  }
0x478: {  	s6 =	rddreg [dreg:$0x1a]  }
0x479: {  	[hbm4b:s6+s1] =	stream.linear.scatter [tilespmem:s1], [sflag:$0x7], $0x4000, $0x38;
	[tilespmem:$0x18000] =	vst v63  }
0x47a: {  	_ =	swait.ge [sflag:s30], $0x4000  }
0x47b: {  	[sflag:s30] =	ssyncset.done $0x0  }
0x47c: {  	s9 =	rddreg [dreg:$0x1f];
	[sflag:s30] =	ssyncadd.s32 $0xFFFFC000  }
0x47d: {  	[tilespmem:s1], [sflag:$0x1] =	stream.linear.gather [hbm4b:s9+s1], $0x4000, $0x38;
	[tilespmem:$0x18000] =	vst v63  }
0x47e: {  	_ = 	snop  }
0x47f: {  	[tilespmem:s21], [sflag:$0x4] =	stream.linear.gather [hbm4b:s19+s1], $0x4000, $0x38;
	[tilespmem:$0x18000] =	vst v63  }
0x480: {  	_ =	swait.ge [sflag:s31], $0x4000  }
0x481: {  	[sflag:s31] =	ssyncset.done $0x0  }
0x482: {  	[sflag:s31] =	ssyncadd.s32 $0xFFFFC000  }
0x483: {  	_ =	swait.ge [sflag:s29], $0x4000  }
0x484: {  	[sflag:s29] =	ssyncset.done $0x0  }
0x485: {  	s6 =	simm.s32 $0x4080;
	[sflag:s29] =	ssyncadd.s32 $0xFFFFC000  }
0x486: {  	s7 =	simm.s32 $0x10080;
	v1 =	vld [tilespmem:s6+$0x70]  }
0x487: {  	v2 =	vld [tilespmem:s7+$0x70]  }
0x488: {  	v0 =	vld [tilespmem:s7+$0xFFFFFF80]  }
0x489: {  	v3 =	vld [tilespmem:s6+$0xFFFFFF90]  }
0x48a: {  	v4 =	vld [tilespmem:s7+$0xFFFFFF90]  }
0x48b: {  	v5 =	vld [tilespmem:s6+$0xFFFFFFA0]  }
0x48c: {  	v6 =	vld [tilespmem:s7+$0xFFFFFFA0]  }
0x48d: {  	v7 =	vld [tilespmem:s6+$0xFFFFFFB0]  }
0x48e: {  	v8 =	vld [tilespmem:s7+$0xFFFFFFB0]  }
0x48f: {  	v9 =	vld [tilespmem:s6+$0xFFFFFFC0]  }
0x490: {  	v10 =	vld [tilespmem:s7+$0xFFFFFFC0]  }
0x491: {  	v11 =	vld [tilespmem:s6+$0xFFFFFFD0]  }
0x492: {  	v12 =	vld [tilespmem:s7+$0xFFFFFFD0]  }
0x493: {  	v13 =	vld [tilespmem:s6+$0xFFFFFFE0]  }
0x494: {  	v14 =	vld [tilespmem:s7+$0xFFFFFFE0]  }
0x495: {  	v15 =	vld [tilespmem:s6+$0xFFFFFFF0]  }
0x496: {  	v16 =	vld [tilespmem:s7+$0xFFFFFFF0]  }
0x497: {  	v17 =	vld [tilespmem:s6+$0x0]  }
0x498: {  	v61 =	vld [tilespmem:s7+$0x30];
	v1 =	vadd.f32 v2, v1  }
0x499: {  	v2 =	vld [tilespmem:s7+$0x0];
	v3 =	vadd.f32 v4, v3  }
0x49a: {  	v4 =	vld [tilespmem:s6+$0x10];
	[tilespmem:s6+$0x70] =	vst v1;
	v1 =	vadd.f32 v6, v5  }
0x49b: {  	v5 =	vld [tilespmem:s7+$0x10];
	[tilespmem:s6+$0xFFFFFF90] =	vst v3;
	v3 =	vadd.f32 v8, v7  }
0x49c: {  	v6 =	vld [tilespmem:s6+$0x20];
	[tilespmem:s6+$0xFFFFFFA0] =	vst v1;
	v1 =	vadd.f32 v10, v9  }
0x49d: {  	v7 =	vld [tilespmem:s7+$0x20];
	[tilespmem:s6+$0xFFFFFFB0] =	vst v3;
	v3 =	vadd.f32 v12, v11  }
0x49e: {  	v8 =	vld [tilespmem:s6+$0x30];
	v2 =	vadd.f32 v2, v17;
	[tilespmem:s6+$0xFFFFFFC0] =	vst v1  }
0x49f: {  	v62 =	vld [tilespmem:s6+$0x40];
	v1 =	vadd.f32 v14, v13;
	[tilespmem:s6+$0xFFFFFFD0] =	vst v3  }
0x4a0: {  	v63 =	vld [tilespmem:s7+$0x40];
	v3 =	vadd.f32 v16, v15;
	[tilespmem:s6+$0x0] =	vst v2  }
0x4a1: {  	v4 =	vadd.f32 v5, v4;
	[tilespmem:s6+$0xFFFFFFE0] =	vst v1;
	v1 =	vld [tilespmem:s6+$0x50]  }
0x4a2: {  	v5 =	vadd.f32 v7, v6;
	[tilespmem:s6+$0xFFFFFFF0] =	vst v3;
	v3 =	vld [tilespmem:s7+$0x50]  }
0x4a3: {  	v6 =	vadd.f32 v61, v8;
	v2 =	vld [tilespmem:s6+$0x60];
	[tilespmem:s6+$0x10] =	vst v4  }
0x4a4: {  	[tilespmem:s6+$0x20] =	vst v5;
	v5 =	vld [tilespmem:s7+$0x60]  }
0x4a5: {  	s8 =	simm.s32 $0x0;
	s9 =	simm.s32 $0x4180;
	v4 =	vld [tilespmem:s6+$0xFFFFFF80];
	[tilespmem:s6+$0x30] =	vst v6;
	v6 =	vadd.f32 v63, v62  }
.LBB2_28:
0x4a6: {  	v7 =	vld [tilespmem:s9+$0x70];
	s7 =	sadd.s32 $0x100, s7  }
0x4a7: {  	s8 =	sadd.s32 $0x100, s8;
	v8 =	vld [tilespmem:s7+$0x70];
	[tilespmem:s6+$0x40] =	vst v6;
	v1 =	vadd.f32 v3, v1  }
0x4a8: {  	p0 =	slt.u32 s8, $0x3F00;
	v3 =	vld [tilespmem:s7+$0xFFFFFF80]  }
0x4a9: {  	v6 =	vld [tilespmem:s9+$0xFFFFFF90];
	[tilespmem:s6+$0x50] =	vst v1;
	v1 =	vadd.f32 v5, v2  }
0x4aa: {  	v2 =	vld [tilespmem:s7+$0xFFFFFF90];
	v9 =	vadd.f32 v0, v4  }
0x4ab: {  	v4 =	vld [tilespmem:s9+$0xFFFFFFA0];
	[tilespmem:s6+$0x60] =	vst v1  }
0x4ac: {  	v1 =	vld [tilespmem:s7+$0xFFFFFFA0];
	v5 =	vadd.f32 v8, v7;
	[tilespmem:s6+$0xFFFFFF80] =	vst v9;
	s6 =	smov.u32 s9  }
0x4ad: {  	v7 =	vld [tilespmem:s9+$0xFFFFFFB0];
	v0 =	vmov v3  }
0x4ae: {  	v3 =	vld [tilespmem:s7+$0xFFFFFFB0];
	[tilespmem:s9+$0x70] =	vst v5  }
0x4af: {  	v2 =	vadd.f32 v2, v6;
	v5 =	vld [tilespmem:s9+$0xFFFFFFC0]  }
0x4b0: {  	v6 =	vld [tilespmem:s7+$0xFFFFFFC0]  }
0x4b1: {  	[tilespmem:s9+$0xFFFFFF90] =	vst v2;
	v1 =	vadd.f32 v1, v4;
	v2 =	vld [tilespmem:s9+$0xFFFFFFD0]  }
0x4b2: {  	v4 =	vld [tilespmem:s7+$0xFFFFFFD0]  }
0x4b3: {  	[tilespmem:s9+$0xFFFFFFA0] =	vst v1;
	v1 =	vadd.f32 v3, v7;
	v3 =	vld [tilespmem:s9+$0xFFFFFFE0]  }
0x4b4: {  	v7 =	vld [tilespmem:s7+$0xFFFFFFE0]  }
0x4b5: {  	[tilespmem:s9+$0xFFFFFFB0] =	vst v1;
	v1 =	vadd.f32 v6, v5;
	v5 =	vld [tilespmem:s9+$0xFFFFFFF0]  }
0x4b6: {  	v6 =	vld [tilespmem:s7+$0xFFFFFFF0]  }
0x4b7: {  	[tilespmem:s9+$0xFFFFFFC0] =	vst v1;
	v1 =	vadd.f32 v4, v2;
	v2 =	vld [tilespmem:s9+$0x0]  }
0x4b8: {  	v4 =	vld [tilespmem:s7+$0x0]  }
0x4b9: {  	[tilespmem:s9+$0xFFFFFFD0] =	vst v1;
	v1 =	vadd.f32 v7, v3;
	v3 =	vld [tilespmem:s9+$0x10]  }
0x4ba: {  	v7 =	vld [tilespmem:s7+$0x10]  }
0x4bb: {  	[tilespmem:s9+$0xFFFFFFE0] =	vst v1;
	v1 =	vadd.f32 v6, v5;
	v5 =	vld [tilespmem:s9+$0x20]  }
0x4bc: {  	v6 =	vld [tilespmem:s7+$0x20]  }
0x4bd: {  	[tilespmem:s9+$0xFFFFFFF0] =	vst v1;
	v1 =	vadd.f32 v4, v2;
	v2 =	vld [tilespmem:s9+$0x30]  }
0x4be: {  	v4 =	vld [tilespmem:s7+$0x30]  }
0x4bf: {  	[tilespmem:s9+$0x0] =	vst v1;
	v1 =	vadd.f32 v7, v3;
	v7 =	vld [tilespmem:s9+$0x40]  }
0x4c0: {  	v8 =	vld [tilespmem:s7+$0x40]  }
.Ltmp13:
0x4c1: {  	[tilespmem:s9+$0x10] =	vst v1;
	v5 =	vadd.f32 v6, v5;
	v1 =	vld [tilespmem:s9+$0x50];
	(pc) =	sbr.rel @p0 .LBB2_28-.Ltmp13, $4  }
0x4c2: {  	v3 =	vld [tilespmem:s7+$0x50]  }
0x4c3: {  	[tilespmem:s9+$0x20] =	vst v5;
	v6 =	vadd.f32 v4, v2;
	v2 =	vld [tilespmem:s9+$0x60]  }
0x4c4: {  	v5 =	vld [tilespmem:s7+$0x60]  }
0x4c5: {  	s9 =	sadd.s32 $0x100, s9;
	v4 =	vld [tilespmem:s6+$0xFFFFFF80];
	[tilespmem:s6+$0x30] =	vst v6;
	v6 =	vadd.f32 v8, v7  }
0x4c6: {  	_ =	sdelay $0x1  }
0x4c7: {  	v1 =	vadd.f32 v3, v1  }
0x4c8: {  	[tilespmem:s6+$0x40] =	vst v6;
	v2 =	vadd.f32 v5, v2  }
0x4c9: {  	[tilespmem:s6+$0x50] =	vst v1;
	v0 =	vadd.f32 v0, v4  }
0x4ca: {  	[tilespmem:s6+$0x60] =	vst v2  }
0x4cb: {  	[tilespmem:s6+$0xFFFFFF80] =	vst v0  }
0x4cc: {  	s6 =	sld [smem:$0x7F5];
	_ =	sdelay $0x2  }
0x4cd: {  	[hbm4b:s6+s1] =	stream.linear.scatter [tilespmem:s22], [sflag:$0x8], $0x4000, $0x38;
	[tilespmem:$0x18000] =	vst v63  }
0x4ce: {  	_ =	swait.ge [sflag:s2], $0x4000  }
0x4cf: {  	[sflag:s2] =	ssyncset.done $0x0  }
0x4d0: {  	[sflag:s2] =	ssyncadd.s32 $0xFFFFC000  }
0x4d1: {  	_ =	swait.ge [sflag:s3], $0x4000  }
0x4d2: {  	[sflag:s3] =	ssyncset.done $0x0  }
0x4d3: {  	s6 =	simm.s32 $0x8080;
	[sflag:s3] =	ssyncadd.s32 $0xFFFFC000  }
0x4d4: {  	s7 =	simm.s32 $0x14080;
	v1 =	vld [tilespmem:s6+$0x70]  }
0x4d5: {  	v2 =	vld [tilespmem:s7+$0x70]  }
0x4d6: {  	v0 =	vld [tilespmem:s7+$0xFFFFFF80]  }
0x4d7: {  	v3 =	vld [tilespmem:s6+$0xFFFFFF90]  }
0x4d8: {  	v4 =	vld [tilespmem:s7+$0xFFFFFF90]  }
0x4d9: {  	v5 =	vld [tilespmem:s6+$0xFFFFFFA0]  }
0x4da: {  	v6 =	vld [tilespmem:s7+$0xFFFFFFA0]  }
0x4db: {  	v7 =	vld [tilespmem:s6+$0xFFFFFFB0]  }
0x4dc: {  	v8 =	vld [tilespmem:s7+$0xFFFFFFB0]  }
0x4dd: {  	v9 =	vld [tilespmem:s6+$0xFFFFFFC0]  }
0x4de: {  	v10 =	vld [tilespmem:s7+$0xFFFFFFC0]  }
0x4df: {  	v11 =	vld [tilespmem:s6+$0xFFFFFFD0]  }
0x4e0: {  	v12 =	vld [tilespmem:s7+$0xFFFFFFD0]  }
0x4e1: {  	v13 =	vld [tilespmem:s6+$0xFFFFFFE0]  }
0x4e2: {  	v14 =	vld [tilespmem:s7+$0xFFFFFFE0]  }
0x4e3: {  	v15 =	vld [tilespmem:s6+$0xFFFFFFF0]  }
0x4e4: {  	v16 =	vld [tilespmem:s7+$0xFFFFFFF0]  }
0x4e5: {  	v17 =	vld [tilespmem:s6+$0x0]  }
0x4e6: {  	v61 =	vld [tilespmem:s7+$0x30];
	v1 =	vadd.f32 v2, v1  }
0x4e7: {  	v2 =	vld [tilespmem:s7+$0x0];
	v3 =	vadd.f32 v4, v3  }
0x4e8: {  	v4 =	vld [tilespmem:s6+$0x10];
	[tilespmem:s6+$0x70] =	vst v1;
	v1 =	vadd.f32 v6, v5  }
0x4e9: {  	v5 =	vld [tilespmem:s7+$0x10];
	[tilespmem:s6+$0xFFFFFF90] =	vst v3;
	v3 =	vadd.f32 v8, v7  }
0x4ea: {  	v6 =	vld [tilespmem:s6+$0x20];
	[tilespmem:s6+$0xFFFFFFA0] =	vst v1;
	v1 =	vadd.f32 v10, v9  }
0x4eb: {  	v7 =	vld [tilespmem:s7+$0x20];
	[tilespmem:s6+$0xFFFFFFB0] =	vst v3;
	v3 =	vadd.f32 v12, v11  }
0x4ec: {  	v8 =	vld [tilespmem:s6+$0x30];
	v2 =	vadd.f32 v2, v17;
	[tilespmem:s6+$0xFFFFFFC0] =	vst v1  }
0x4ed: {  	v62 =	vld [tilespmem:s6+$0x40];
	v1 =	vadd.f32 v14, v13;
	[tilespmem:s6+$0xFFFFFFD0] =	vst v3  }
0x4ee: {  	v63 =	vld [tilespmem:s7+$0x40];
	v3 =	vadd.f32 v16, v15;
	[tilespmem:s6+$0x0] =	vst v2  }
0x4ef: {  	v4 =	vadd.f32 v5, v4;
	[tilespmem:s6+$0xFFFFFFE0] =	vst v1;
	v1 =	vld [tilespmem:s6+$0x50]  }
0x4f0: {  	v5 =	vadd.f32 v7, v6;
	[tilespmem:s6+$0xFFFFFFF0] =	vst v3;
	v3 =	vld [tilespmem:s7+$0x50]  }
0x4f1: {  	v6 =	vadd.f32 v61, v8;
	v2 =	vld [tilespmem:s6+$0x60];
	[tilespmem:s6+$0x10] =	vst v4  }
0x4f2: {  	[tilespmem:s6+$0x20] =	vst v5;
	v5 =	vld [tilespmem:s7+$0x60]  }
0x4f3: {  	s8 =	simm.s32 $0x0;
	s9 =	simm.s32 $0x8180;
	v4 =	vld [tilespmem:s6+$0xFFFFFF80];
	[tilespmem:s6+$0x30] =	vst v6;
	v6 =	vadd.f32 v63, v62  }
.LBB2_30:
0x4f4: {  	v7 =	vld [tilespmem:s9+$0x70];
	s7 =	sadd.s32 $0x100, s7  }
0x4f5: {  	s8 =	sadd.s32 $0x100, s8;
	v8 =	vld [tilespmem:s7+$0x70];
	[tilespmem:s6+$0x40] =	vst v6;
	v1 =	vadd.f32 v3, v1  }
0x4f6: {  	p0 =	slt.u32 s8, $0x3F00;
	v3 =	vld [tilespmem:s7+$0xFFFFFF80]  }
0x4f7: {  	v6 =	vld [tilespmem:s9+$0xFFFFFF90];
	[tilespmem:s6+$0x50] =	vst v1;
	v1 =	vadd.f32 v5, v2  }
0x4f8: {  	v2 =	vld [tilespmem:s7+$0xFFFFFF90];
	v9 =	vadd.f32 v0, v4  }
0x4f9: {  	v4 =	vld [tilespmem:s9+$0xFFFFFFA0];
	[tilespmem:s6+$0x60] =	vst v1  }
0x4fa: {  	v1 =	vld [tilespmem:s7+$0xFFFFFFA0];
	v5 =	vadd.f32 v8, v7;
	[tilespmem:s6+$0xFFFFFF80] =	vst v9;
	s6 =	smov.u32 s9  }
0x4fb: {  	v7 =	vld [tilespmem:s9+$0xFFFFFFB0];
	v0 =	vmov v3  }
0x4fc: {  	v3 =	vld [tilespmem:s7+$0xFFFFFFB0];
	[tilespmem:s9+$0x70] =	vst v5  }
0x4fd: {  	v2 =	vadd.f32 v2, v6;
	v5 =	vld [tilespmem:s9+$0xFFFFFFC0]  }
0x4fe: {  	v6 =	vld [tilespmem:s7+$0xFFFFFFC0]  }
0x4ff: {  	[tilespmem:s9+$0xFFFFFF90] =	vst v2;
	v1 =	vadd.f32 v1, v4;
	v2 =	vld [tilespmem:s9+$0xFFFFFFD0]  }
0x500: {  	v4 =	vld [tilespmem:s7+$0xFFFFFFD0]  }
0x501: {  	[tilespmem:s9+$0xFFFFFFA0] =	vst v1;
	v1 =	vadd.f32 v3, v7;
	v3 =	vld [tilespmem:s9+$0xFFFFFFE0]  }
0x502: {  	v7 =	vld [tilespmem:s7+$0xFFFFFFE0]  }
0x503: {  	[tilespmem:s9+$0xFFFFFFB0] =	vst v1;
	v1 =	vadd.f32 v6, v5;
	v5 =	vld [tilespmem:s9+$0xFFFFFFF0]  }
0x504: {  	v6 =	vld [tilespmem:s7+$0xFFFFFFF0]  }
0x505: {  	[tilespmem:s9+$0xFFFFFFC0] =	vst v1;
	v1 =	vadd.f32 v4, v2;
	v2 =	vld [tilespmem:s9+$0x0]  }
0x506: {  	v4 =	vld [tilespmem:s7+$0x0]  }
0x507: {  	[tilespmem:s9+$0xFFFFFFD0] =	vst v1;
	v1 =	vadd.f32 v7, v3;
	v3 =	vld [tilespmem:s9+$0x10]  }
0x508: {  	v7 =	vld [tilespmem:s7+$0x10]  }
0x509: {  	[tilespmem:s9+$0xFFFFFFE0] =	vst v1;
	v1 =	vadd.f32 v6, v5;
	v5 =	vld [tilespmem:s9+$0x20]  }
0x50a: {  	v6 =	vld [tilespmem:s7+$0x20]  }
0x50b: {  	[tilespmem:s9+$0xFFFFFFF0] =	vst v1;
	v1 =	vadd.f32 v4, v2;
	v2 =	vld [tilespmem:s9+$0x30]  }
0x50c: {  	v4 =	vld [tilespmem:s7+$0x30]  }
0x50d: {  	[tilespmem:s9+$0x0] =	vst v1;
	v1 =	vadd.f32 v7, v3;
	v7 =	vld [tilespmem:s9+$0x40]  }
0x50e: {  	v8 =	vld [tilespmem:s7+$0x40]  }
.Ltmp14:
0x50f: {  	[tilespmem:s9+$0x10] =	vst v1;
	v5 =	vadd.f32 v6, v5;
	v1 =	vld [tilespmem:s9+$0x50];
	(pc) =	sbr.rel @p0 .LBB2_30-.Ltmp14, $4  }
0x510: {  	v3 =	vld [tilespmem:s7+$0x50]  }
0x511: {  	[tilespmem:s9+$0x20] =	vst v5;
	v6 =	vadd.f32 v4, v2;
	v2 =	vld [tilespmem:s9+$0x60]  }
0x512: {  	v5 =	vld [tilespmem:s7+$0x60]  }
0x513: {  	s9 =	sadd.s32 $0x100, s9;
	v4 =	vld [tilespmem:s6+$0xFFFFFF80];
	[tilespmem:s6+$0x30] =	vst v6;
	v6 =	vadd.f32 v8, v7  }
0x514: {  	_ =	sdelay $0x1  }
0x515: {  	v1 =	vadd.f32 v3, v1  }
0x516: {  	[tilespmem:s6+$0x40] =	vst v6;
	v2 =	vadd.f32 v5, v2  }
0x517: {  	[tilespmem:s6+$0x50] =	vst v1;
	v0 =	vadd.f32 v0, v4  }
0x518: {  	[tilespmem:s6+$0x60] =	vst v2  }
0x519: {  	[tilespmem:s6+$0xFFFFFF80] =	vst v0  }
0x51a: {  	s6 =	sld [smem:$0x7F6];
	_ =	sdelay $0x2  }
0x51b: {  	[hbm4b:s6+s1] =	stream.linear.scatter [tilespmem:s24], [sflag:$0x9], $0x4000, $0x38;
	[tilespmem:$0x18000] =	vst v63  }
0x51c: {  	_ =	swait.ge [sflag:s26], $0x4000  }
0x51d: {  	[sflag:s26] =	ssyncset.done $0x0  }
0x51e: {  	[sflag:s26] =	ssyncadd.s32 $0xFFFFC000  }
0x51f: {  	_ =	swait.ge [sflag:s28], $0x4000  }
0x520: {  	[sflag:s28] =	ssyncset.done $0x0  }
0x521: {  	s6 =	simm.s32 $0x80;
	[sflag:s28] =	ssyncadd.s32 $0xFFFFC000  }
0x522: {  	s7 =	simm.s32 $0xC080;
	v1 =	vld [tilespmem:s6+$0x70]  }
0x523: {  	v2 =	vld [tilespmem:s7+$0x70]  }
0x524: {  	v0 =	vld [tilespmem:s7+$0xFFFFFF80]  }
0x525: {  	v3 =	vld [tilespmem:s6+$0xFFFFFF90]  }
0x526: {  	v4 =	vld [tilespmem:s7+$0xFFFFFF90]  }
0x527: {  	v5 =	vld [tilespmem:s6+$0xFFFFFFA0]  }
0x528: {  	v6 =	vld [tilespmem:s7+$0xFFFFFFA0]  }
0x529: {  	v7 =	vld [tilespmem:s6+$0xFFFFFFB0]  }
0x52a: {  	v8 =	vld [tilespmem:s7+$0xFFFFFFB0]  }
0x52b: {  	v9 =	vld [tilespmem:s6+$0xFFFFFFC0]  }
0x52c: {  	v10 =	vld [tilespmem:s7+$0xFFFFFFC0]  }
0x52d: {  	v11 =	vld [tilespmem:s6+$0xFFFFFFD0]  }
0x52e: {  	v12 =	vld [tilespmem:s7+$0xFFFFFFD0]  }
0x52f: {  	v13 =	vld [tilespmem:s6+$0xFFFFFFE0]  }
0x530: {  	v14 =	vld [tilespmem:s7+$0xFFFFFFE0]  }
0x531: {  	v15 =	vld [tilespmem:s6+$0xFFFFFFF0]  }
0x532: {  	v16 =	vld [tilespmem:s7+$0xFFFFFFF0]  }
0x533: {  	v17 =	vld [tilespmem:s6+$0x0]  }
0x534: {  	v61 =	vld [tilespmem:s7+$0x30];
	v1 =	vadd.f32 v2, v1  }
0x535: {  	v2 =	vld [tilespmem:s7+$0x0];
	v3 =	vadd.f32 v4, v3  }
0x536: {  	v4 =	vld [tilespmem:s6+$0x10];
	[tilespmem:s6+$0x70] =	vst v1;
	v1 =	vadd.f32 v6, v5  }
0x537: {  	v5 =	vld [tilespmem:s7+$0x10];
	[tilespmem:s6+$0xFFFFFF90] =	vst v3;
	v3 =	vadd.f32 v8, v7  }
0x538: {  	v6 =	vld [tilespmem:s6+$0x20];
	[tilespmem:s6+$0xFFFFFFA0] =	vst v1;
	v1 =	vadd.f32 v10, v9  }
0x539: {  	v7 =	vld [tilespmem:s7+$0x20];
	[tilespmem:s6+$0xFFFFFFB0] =	vst v3;
	v3 =	vadd.f32 v12, v11  }
0x53a: {  	v8 =	vld [tilespmem:s6+$0x30];
	v2 =	vadd.f32 v2, v17;
	[tilespmem:s6+$0xFFFFFFC0] =	vst v1  }
0x53b: {  	v62 =	vld [tilespmem:s6+$0x40];
	v1 =	vadd.f32 v14, v13;
	[tilespmem:s6+$0xFFFFFFD0] =	vst v3  }
0x53c: {  	v63 =	vld [tilespmem:s7+$0x40];
	v3 =	vadd.f32 v16, v15;
	[tilespmem:s6+$0x0] =	vst v2  }
0x53d: {  	v4 =	vadd.f32 v5, v4;
	[tilespmem:s6+$0xFFFFFFE0] =	vst v1;
	v1 =	vld [tilespmem:s6+$0x50]  }
0x53e: {  	v5 =	vadd.f32 v7, v6;
	[tilespmem:s6+$0xFFFFFFF0] =	vst v3;
	v3 =	vld [tilespmem:s7+$0x50]  }
0x53f: {  	v6 =	vadd.f32 v61, v8;
	v2 =	vld [tilespmem:s6+$0x60];
	[tilespmem:s6+$0x10] =	vst v4  }
0x540: {  	[tilespmem:s6+$0x20] =	vst v5;
	v5 =	vld [tilespmem:s7+$0x60]  }
0x541: {  	s8 =	simm.s32 $0x0;
	s9 =	simm.s32 $0x180;
	v4 =	vld [tilespmem:s6+$0xFFFFFF80];
	[tilespmem:s6+$0x30] =	vst v6;
	v6 =	vadd.f32 v63, v62  }
.LBB2_32:
0x542: {  	v7 =	vld [tilespmem:s9+$0x70];
	s7 =	sadd.s32 $0x100, s7  }
0x543: {  	s8 =	sadd.s32 $0x100, s8;
	v8 =	vld [tilespmem:s7+$0x70];
	[tilespmem:s6+$0x40] =	vst v6;
	v1 =	vadd.f32 v3, v1  }
0x544: {  	p0 =	slt.u32 s8, $0x3F00;
	v3 =	vld [tilespmem:s7+$0xFFFFFF80]  }
0x545: {  	v6 =	vld [tilespmem:s9+$0xFFFFFF90];
	[tilespmem:s6+$0x50] =	vst v1;
	v1 =	vadd.f32 v5, v2  }
0x546: {  	v2 =	vld [tilespmem:s7+$0xFFFFFF90];
	v9 =	vadd.f32 v0, v4  }
0x547: {  	v4 =	vld [tilespmem:s9+$0xFFFFFFA0];
	[tilespmem:s6+$0x60] =	vst v1  }
0x548: {  	v1 =	vld [tilespmem:s7+$0xFFFFFFA0];
	v5 =	vadd.f32 v8, v7;
	[tilespmem:s6+$0xFFFFFF80] =	vst v9;
	s6 =	smov.u32 s9  }
0x549: {  	v7 =	vld [tilespmem:s9+$0xFFFFFFB0];
	v0 =	vmov v3  }
0x54a: {  	v3 =	vld [tilespmem:s7+$0xFFFFFFB0];
	[tilespmem:s9+$0x70] =	vst v5  }
0x54b: {  	v2 =	vadd.f32 v2, v6;
	v5 =	vld [tilespmem:s9+$0xFFFFFFC0]  }
0x54c: {  	v6 =	vld [tilespmem:s7+$0xFFFFFFC0]  }
0x54d: {  	[tilespmem:s9+$0xFFFFFF90] =	vst v2;
	v1 =	vadd.f32 v1, v4;
	v2 =	vld [tilespmem:s9+$0xFFFFFFD0]  }
0x54e: {  	v4 =	vld [tilespmem:s7+$0xFFFFFFD0]  }
0x54f: {  	[tilespmem:s9+$0xFFFFFFA0] =	vst v1;
	v1 =	vadd.f32 v3, v7;
	v3 =	vld [tilespmem:s9+$0xFFFFFFE0]  }
0x550: {  	v7 =	vld [tilespmem:s7+$0xFFFFFFE0]  }
0x551: {  	[tilespmem:s9+$0xFFFFFFB0] =	vst v1;
	v1 =	vadd.f32 v6, v5;
	v5 =	vld [tilespmem:s9+$0xFFFFFFF0]  }
0x552: {  	v6 =	vld [tilespmem:s7+$0xFFFFFFF0]  }
0x553: {  	[tilespmem:s9+$0xFFFFFFC0] =	vst v1;
	v1 =	vadd.f32 v4, v2;
	v2 =	vld [tilespmem:s9+$0x0]  }
0x554: {  	v4 =	vld [tilespmem:s7+$0x0]  }
0x555: {  	[tilespmem:s9+$0xFFFFFFD0] =	vst v1;
	v1 =	vadd.f32 v7, v3;
	v3 =	vld [tilespmem:s9+$0x10]  }
0x556: {  	v7 =	vld [tilespmem:s7+$0x10]  }
0x557: {  	[tilespmem:s9+$0xFFFFFFE0] =	vst v1;
	v1 =	vadd.f32 v6, v5;
	v5 =	vld [tilespmem:s9+$0x20]  }
0x558: {  	v6 =	vld [tilespmem:s7+$0x20]  }
0x559: {  	[tilespmem:s9+$0xFFFFFFF0] =	vst v1;
	v1 =	vadd.f32 v4, v2;
	v2 =	vld [tilespmem:s9+$0x30]  }
0x55a: {  	v4 =	vld [tilespmem:s7+$0x30]  }
0x55b: {  	[tilespmem:s9+$0x0] =	vst v1;
	v1 =	vadd.f32 v7, v3;
	v7 =	vld [tilespmem:s9+$0x40]  }
0x55c: {  	v8 =	vld [tilespmem:s7+$0x40]  }
.Ltmp15:
0x55d: {  	[tilespmem:s9+$0x10] =	vst v1;
	v5 =	vadd.f32 v6, v5;
	v1 =	vld [tilespmem:s9+$0x50];
	(pc) =	sbr.rel @p0 .LBB2_32-.Ltmp15, $4  }
0x55e: {  	v3 =	vld [tilespmem:s7+$0x50]  }
0x55f: {  	[tilespmem:s9+$0x20] =	vst v5;
	v6 =	vadd.f32 v4, v2;
	v2 =	vld [tilespmem:s9+$0x60]  }
0x560: {  	v5 =	vld [tilespmem:s7+$0x60]  }
0x561: {  	s9 =	sadd.s32 $0x100, s9;
	v4 =	vld [tilespmem:s6+$0xFFFFFF80];
	[tilespmem:s6+$0x30] =	vst v6;
	v6 =	vadd.f32 v8, v7  }
0x562: {  	_ =	sdelay $0x1  }
0x563: {  	v1 =	vadd.f32 v3, v1  }
0x564: {  	[tilespmem:s6+$0x40] =	vst v6;
	v2 =	vadd.f32 v5, v2  }
0x565: {  	[tilespmem:s6+$0x50] =	vst v1;
	v0 =	vadd.f32 v0, v4  }
0x566: {  	[tilespmem:s6+$0x60] =	vst v2  }
0x567: {  	[tilespmem:s6+$0xFFFFFF80] =	vst v0  }
0x568: {  	s6 =	sld [smem:$0x7F7];
	_ =	sdelay $0x2  }
0x569: {  	[hbm4b:s6+s1] =	stream.linear.scatter [tilespmem:s1], [sflag:$0x7], $0x4000, $0x38;
	[tilespmem:$0x18000] =	vst v63  }
0x56a: {  	_ =	swait.ge [sflag:s30], $0x4000  }
0x56b: {  	[sflag:s30] =	ssyncset.done $0x0  }
0x56c: {  	s5 =	sadd.s32 $0x1, s5;
	[sflag:s30] =	ssyncadd.s32 $0xFFFFC000  }
0x56d: {  	p0 =	sne.s32 s5, s20;
	_ =	swait.ge [sflag:s0], $0x4000  }
.Ltmp16:
0x56e: {  	[sflag:s0] =	ssyncset.done $0x0;
	(pc) =	sbr.rel @p0 .LBB2_1-.Ltmp16, $4  }
0x56f: {  	[sflag:s0] =	ssyncadd.s32 $0xFFFFC000  }
0x570: {  	_ =	swait.ge [sflag:s4], $0x4000  }
0x571: {  	[sflag:s4] =	ssyncset.done $0x0  }
0x572: {  	[sflag:s4] =	ssyncadd.s32 $0xFFFFC000  }
0x573: {  	_ =	sfence.sel $0x180000  }
0x574: {  	[bflag:$0x0] =	sbarrier.arrive $0xFFFF  }
0x575: {  	_ =	strace $0x9000004A  }
0x576: {  	s0 =	stileid.u32;
	[bflag:$0x2] =	sbarrier.arrive $0xFFFF  }
0x577: {  	p0 =	sne.s32 s0, $0x0;
	s0 =	rddreg [dreg:$0x2]  }
0x578: {  	s0 =	sadd.s32 @!p0 $0x100000, s0  }
0x579: {  	[sflag:s0] =	ssyncadd.tile.s32 @!p0 $0x1;
	_ =	shalt  }
.Lfunc_end2:
_tile_overlayer_lowered:
.L_overlay_start_2:
0x57a: {  	(tag) =	ssettag $0x2  }
0x57b: {  	s0 =	rddreg [dreg:$0x0];
	s2 =	stileid.u32  }
0x57c: {  	s1 =	rddreg [dreg:$0x1];
	p0 =	sne.s32 s2, $0x0  }
0x57d: {  	s3 =	rddreg [dreg:$0x2];
	[bflag:$0x3] =	sbarrier.arrive $0xFFFF;
	s2 =	simm.s32 @!p0 $0x1C0A  }
0x57e: {  	[timem:s3], [sflag:s2] =	dma.local @!p0 [hbm:s0], s1  }
0x57f: {  	s0 =	simm.s32 @!p0 $0xA  }
0x580: {  	_ =	swait.ge @!p0 [sflag:s0], s1  }
0x581: {  	s1 =	ssub.s32 @!p0 $0x0, s1;
	[sflag:s0] =	ssyncset.done @!p0 $0x0  }
0x582: {  	[sflag:s0] =	ssyncadd.s32 @!p0 s1  }
0x583: {  	[bflag:$0x3] =	sbarrier.arrive $0xFFFF  }
0x584: {  	_ =	shalt  }

// kernel: sparse-core-data-format-call.cloned.1.call-start
scs
called_computation_lowered:
.L_overlay_start_0:
0x0: {  	s2 =	sld [smem:$0x3FD9]  }
0x1: {  	s3 =	sld [smem:$0x3FFE];
	_ =	sdelay $0x1  }
0x2: {  	s1 =	srdreg.scid  }
0x3: {  	s0 =	sand.u32 $0x1, s1  }
0x4: {  	s19 =	sshll.u32 s0, $0xA;
	s2 =	sadd.s32 s3, s2  }
0x5: {  	s2 =	sadd.s32 s2, s19  }
0x6: {  	[smem:$0x3FC6] =	sst s2  }
0x7: {  	_ = 	snop  }
0x8: {  	s2 =	sld [smem:$0x3FC9]  }
0x9: {  	s20 =	sld [smem:$0x3FD0];
	(tm) =	ssettm $0x1  }
0xa: {  	s4 =	sld [smem:$0x3FFB];
	_ =	sdelay $0x3  }
0xb: {  	_ =	strace s4  }
0xc: {  	s4 =	sld [smem:$0x3FFC];
	_ =	sdelay $0x3  }
0xd: {  	_ =	strace s4  }
0xe: {  	s4 =	sld [smem:$0x3FFD];
	_ =	sdelay $0x3  }
0xf: {  	_ =	strace s4  }
0x10: {  	_ =	strace $0x8FFFFFFF  }
0x11: {  	s21 =	sld [smem:$0x3FDB];
	_ =	sdelay $0x1  }
0x12: {  	s5 =	simm.s32 $_scs_section_size  }
0x13: {  	s6 =	simm.s32 $_size__tile_overlayer_lowered;
	s7 =	simm.s32 $_tile_overlayer_lowered  }
0x14: {  	s24 =	simm.s32 $0x1BFF;
	s23 =	sshll.u32 s7, $0x1;
	s4 =	sadd.s32 s5, s21  }
0x15: {  	s8 =	simm.s32 $0x0;
	s22 =	sshll.u32 s6, $0x1;
	s6 =	sadd.s32 s23, s4  }
0x16: {  	[timem:s8], [sflag:s24] =	dma.local [hbm:s6], s22  }
0x17: {  	_ =	swait.ge [sflag:s24], s22  }
0x18: {  	s5 =	ssub.s32 $0x0, s22;
	[sflag:s24] =	ssyncset.done $0x0  }
0x19: {  	[sflag:s24] =	ssyncadd.s32 s5;
	_ =	sdelay $0x1  }
0x1a: {  	s25 =	simm.s32 $0x1B8B  }
0x1b: {  	_ =	swait.ge [sflag:s25], $0x1  }
0x1c: {  	[sflag:s25] =	ssyncset.done $0x0  }
0x1d: {  	s26 =	simm.s32 $0x1B8E;
	[sflag:s25] =	ssyncadd.s32 $0xFFFFFFFF  }
0x1e: {  	s27 =	simm.s32 $execute0_lowered;
	[smem:$0x3FD2] =	sst s26  }
0x1f: {  	s5 =	sshll.u32 s27, $0x1;
	_ =	strace $0x80000046;
	[dreg:$0x1] =	wrdreg $0xFFFFFFFF  }
0x20: {  	s28 =	simm.s32 $_size_execute0_lowered;
	s4 =	sadd.s32 s4, s5;
	[dreg:$0x0] =	wrdreg $0x0  }
0x21: {  	s5 =	sshll.u32 s28, $0x1;
	[dreg:$0x2] =	wrdreg s4  }
0x22: {  	[dreg:$0x3] =	wrdreg s5  }
0x23: {  	[dreg:$0x4] =	wrdreg $0xC0  }
0x24: {  	_ =	task [dreg:s8], $0x5FFFF  }
0x25: {  	[dreg:$0x1] =	wrdreg $0xFFFFFFFF  }
0x26: {  	[dreg:$0x0] =	wrdreg $0x60  }
0x27: {  	[dreg:$0x2] =	wrdreg s2  }
0x28: {  	[dreg:$0x3] =	wrdreg s20  }
0x29: {  	[dreg:$0x4] =	wrdreg $0x9  }
0x2a: {  	_ =	task.clear_ibuf [dreg:s8], $0x5FFFF;
	_ =	strace $0x90000046  }
0x2b: {  	s29 =	simm.s32 $0x9;
	_ =	strace $0x80000048  }
0x2c: {  	_ =	swait.ge [sflag:s29], $0x1  }
0x2d: {  	[sflag:s29] =	ssyncadd.s32 $0xFFFFFFFF  }
0x2e: {  	_ =	strace $0x90000048  }
0x2f: {  	_ =	sfence  }
0x30: {  	s30 =	sld [smem:$0x0];
	_ =	sdelay $0x2  }
0x31: {  	s31 =	sshll.u32 s1, $0xD;
	s1 =	sshrl.u32 s1, $0x2  }
0x32: {  	s3 =	sand.u32 $0x4000, s31;
	s1 =	sadd.s32 s1, s30  }
0x33: {  	s0 =	sor.u32 s3, s0;
	s1 =	sshll.u32 s1, $0x11  }
0x34: {  	s0 =	sor.u32 s1, s0  }
0x35: {  	s0 =	sadd.s32 $0x8F2B, s0  }
0x36: {  	[sflag:s0] =	ssyncadd.remote.s32 $0x1  }
0x37: {  	_ =	sfence.sel $0xFFFF  }
0x38: {  	[dreg:$0x0] =	wrdreg $0xFFFFFFFF;
	(pc) =	sbr.abs _section_cstart, $3  }
0x39: {  	[dreg:$0x1] =	wrdreg $0xFFFFFFFF  }
0x3a: {  	_ =	task.clear_ibuf [dreg:s8], $0x2FFFF;
	_ =	strace $0x9FFFFFFF  }
0x3b: {  	(tm) =	ssettm $0x7FFFFFFF  }
tec
execute0_lowered:
.L_overlay_start_1:
0x0: {  	(tag) =	ssettag $0x1  }
0x1: {  	s0 =	srdreg.scid  }
0x2: {  	s1 =	sshll.u32 s0, $0x4  }
0x3: {  	s2 =	rddreg [dreg:$0x0];
	s0 =	stileid.u32;
	s1 =	sand.u32 $0x10, s1  }
0x4: {  	s4 =	rddreg [dreg:$0x1];
	s1 =	sor.u32 s0, s1  }
0x5: {  	s7 =	simm.s32 $0x1;
	s8 =	simm.s32 $0x2;
	s3 =	sshll.u32 s1, $0x1  }
0x6: {  	s9 =	simm.s32 $0x0;
	s12 =	simm.s32 $0x0;
	s6 =	ssub.s32 $0x400, s3  }
.Ltmp0:
0x7: {  	s11 =	simm.s32 $0x0;
	s5 =	sand.u32 $0x3E, s6;
	(pc) =	sbr.rel .LBB1_1-.Ltmp0, $4  }
0x8: {  	s1 =	rddreg [dreg:$0x2];
	_ =	strace $0x80000047;
	p0 =	sne.s32 s5, $0x0  }
0x9: {  	s6 =	sshrl.u32 s6, $0x6;
	s5 =	simm.s32 $0x1;
	s7 =	simm.s32 @!p0 $0x0  }
0xa: {  	s10 =	smov.u32 s3;
	[sflag:s5] =	ssyncpa.u1 $0x0;
	s6 =	sadd.s32 s7, s6  }
0xb: {  	[sflag:s8] =	ssyncpa.u1 $0x0;
	s8 =	simm.s32 $0x0;
	s7 =	sadd.s32 $0x1, s6  }
.LBB1_9:
0xc: {  	s14 =	sadd.s32 $0x40, s10  }
0xd: {  	p1 =	sgt.s32 s14, $0x3FF  }
0xe: {  	s14 =	smov.u32 @p1 s3;
	p1 =	sne.s32 s11, s7  }
.Ltmp1:
0xf: {  	p0 =	slt.u32 s11, $0x2;
	(pc) =	sbr.rel @!p1 .LBB1_10-.Ltmp1, $4  }
0x10: {  	s13 =	simm.s32 @!p0 $0x2  }
0x11: {  	s15 =	sadd.s32 $0x1, s11;
	_ =	swait.ge @!p0 [sflag:s13], $0x4000  }
0x12: {  	s12 =	smov.u32 s10;
	s9 =	sadd.s32 $0x4000, s9;
	[sflag:s13] =	ssyncset.done @!p0 $0x0  }
0x13: {  	s11 =	smov.u32 s15;
	s10 =	smov.u32 s14;
	[sflag:s13] =	ssyncadd.s32 @!p0 $0xFFFFC000  }
.LBB1_1:
0x14: {  	p0 =	sge.u32 s11, s6  }
0x15: {  	s13 =	sxor.u32 @!p0 $0xFFFFFFFF, s11  }
0x16: {  	s31 =	sadd.s32 $0xFFFFFFFF, s11;
	s14 =	sshll.u32 @!p0 s10, $0xA;
	s13 =	sshll.u32 @!p0 s13, $0xE  }
0x17: {  	s15 =	simm.s32 @!p0 $0x0;
	s14 =	sadd.s32 @!p0 s2, s14;
	s13 =	sand.u32 @!p0 $0x4000, s13  }
0x18: {  	[tilespmem:s13], [sflag:$0x1] =	stream.linear.gather @!p0 [hbm4b:s14+s15], $0x4000, $0x38;
	[tilespmem:$0x10000] =	vst v63  }
0x19: {  	p0 =	sge.u32 s31, s6  }
.Ltmp2:
0x1a: {  	_ = 	snop;
	(pc) =	sbr.rel @p0 .LBB1_9-.Ltmp2, $1  }
0x1b: {  	_ =	sdelay $0x3  }
0x1c: {  	s13 =	sshll.u32 s9, $0x2  }
0x1d: {  	_ =	swait.ge [sflag:s5], $0x4000;
	s14 =	sshll.u32 s11, $0xE;
	s16 =	simm.s32 $0x0  }
0x1e: {  	p1 =	por $0x1, $0x1;
	s13 =	sand.u32 $0x10000, s13;
	[sflag:s5] =	ssyncset.done $0x0  }
0x1f: {  	s14 =	sand.u32 $0x4000, s14;
	s15 =	sshrl.u32 s13, $0x2;
	[sflag:s5] =	ssyncadd.s32 $0xFFFFC000  }
0x20: {  	s13 =	sor.u32 $0x8000, s14;
	s14 =	sadd.s32 $0x8040, s15;
	s15 =	sadd.s32 $0x40, s15  }
.LBB1_3:
0x21: {  	s16 =	sshll.u32 s16, $0x2  }
0x22: {  	p0 =	por p1, p1;
	s17 =	sshra.s32 s16, $0x2  }
0x23: {  	s18 =	simm.s32 $0x0;
	s16 =	sadd.s32 s17, s14;
	s17 =	sadd.s32 s17, s15  }
.LBB1_4:
0x24: {  	v0 =	vmov s17;
	_ =	sdelay $0x3  }
0x25: {  	s20 =	simm.s32 $0x0  }
0x26: {  	v6 =	vld.idx.msk [tilespmem:v0+s20+$0x30 ss:$0x1], $0xffff  }
0x27: {  	v7 =	vld.idx.msk [tilespmem:v0+s20+$0xFFFFFFC0 ss:$0x1], $0xffff  }
0x28: {  	v5 =	vld.idx.msk [tilespmem:v0+s20+$0xFFFFFFD0 ss:$0x1], $0xffff  }
0x29: {  	v4 =	vld.idx.msk [tilespmem:v0+s20+$0xFFFFFFE0 ss:$0x1], $0xffff  }
0x2a: {  	v3 =	vld.idx.msk [tilespmem:v0+s20+$0xFFFFFFF0 ss:$0x1], $0xffff  }
0x2b: {  	v1 =	vld.idx.msk [tilespmem:v0+s20+$0x0 ss:$0x1], $0xffff  }
0x2c: {  	v2 =	vld.idx.msk [tilespmem:v0+s20+$0x10 ss:$0x1], $0xffff;
	[tilespmem:s16+$0x30] =	vst v6  }
0x2d: {  	s19 =	simm.s32 $0x80;
	s21 =	simm.s32 $0x400;
	[tilespmem:s16+$0xFFFFFFC0] =	vst v7;
	v6 =	vld.idx.msk [tilespmem:v0+s20+$0x20 ss:$0x1], $0xffff;
	s20 =	smov.u32 s16  }
.LBB1_5:
0x2e: {  	p1 =	sne.s32 s21, $0xE00;
	v7 =	vld.idx.msk [tilespmem:v0+s19+$0x30 ss:$0x1], $0xffff;
	[tilespmem:s20+$0xFFFFFFD0] =	vst v5  }
0x2f: {  	v8 =	vld.idx.msk [tilespmem:v0+s19+$0xFFFFFFC0 ss:$0x1], $0xffff;
	[tilespmem:s20+$0xFFFFFFE0] =	vst v4  }
0x30: {  	v5 =	vld.idx.msk [tilespmem:v0+s19+$0xFFFFFFD0 ss:$0x1], $0xffff;
	[tilespmem:s20+$0xFFFFFFF0] =	vst v3  }
.Ltmp3:
0x31: {  	v4 =	vld.idx.msk [tilespmem:v0+s19+$0xFFFFFFE0 ss:$0x1], $0xffff;
	[tilespmem:s20+$0x0] =	vst v1;
	(pc) =	sbr.rel @p1 .LBB1_5-.Ltmp3, $4  }
0x32: {  	v3 =	vld.idx.msk [tilespmem:v0+s19+$0xFFFFFFF0 ss:$0x1], $0xffff;
	[tilespmem:s20+$0x10] =	vst v2  }
0x33: {  	v1 =	vld.idx.msk [tilespmem:v0+s19+$0x0 ss:$0x1], $0xffff;
	[tilespmem:s20+$0x20] =	vst v6;
	s20 =	sadd.s32 $0x400, s20  }
0x34: {  	v2 =	vld.idx.msk [tilespmem:v0+s19+$0x10 ss:$0x1], $0xffff;
	[tilespmem:s20+$0x30] =	vst v7  }
0x35: {  	[tilespmem:s20+$0xFFFFFFC0] =	vst v8;
	v6 =	vld.idx.msk [tilespmem:v0+s19+$0x20 ss:$0x1], $0xffff;
	s19 =	sshra.s32 s21, $0x2;
	s21 =	sadd.s32 $0x200, s21  }
0x36: {  	_ =	sdelay $0x2  }
0x37: {  	[tilespmem:s20+$0xFFFFFFD0] =	vst v5  }
0x38: {  	v56 =	vld.idx.msk [tilespmem:v0+s19+$0x30 ss:$0x1], $0xffff;
	[tilespmem:s20+$0xFFFFFFE0] =	vst v4  }
0x39: {  	v57 =	vld.idx.msk [tilespmem:v0+s19+$0xFFFFFFC0 ss:$0x1], $0xffff;
	[tilespmem:s20+$0xFFFFFFF0] =	vst v3  }
0x3a: {  	v58 =	vld.idx.msk [tilespmem:v0+s19+$0xFFFFFFD0 ss:$0x1], $0xffff;
	[tilespmem:s20+$0x0] =	vst v1  }
0x3b: {  	v59 =	vld.idx.msk [tilespmem:v0+s19+$0xFFFFFFE0 ss:$0x1], $0xffff;
	[tilespmem:s20+$0x10] =	vst v2  }
0x3c: {  	v60 =	vld.idx.msk [tilespmem:v0+s19+$0xFFFFFFF0 ss:$0x1], $0xffff;
	s31 =	sadd.s32 $0x400, s20;
	[tilespmem:s20+$0x20] =	vst v6  }
0x3d: {  	v61 =	vld.idx.msk [tilespmem:v0+s19+$0x0 ss:$0x1], $0xffff;
	[tilespmem:s31+$0x30] =	vst v56  }
0x3e: {  	v62 =	vld.idx.msk [tilespmem:v0+s19+$0x10 ss:$0x1], $0xffff;
	s18 =	sadd.s32 $0x1, s18;
	[tilespmem:s31+$0xFFFFFFC0] =	vst v57  }
0x3f: {  	v63 =	vld.idx.msk [tilespmem:v0+s19+$0x20 ss:$0x1], $0xffff;
	p1 =	sne.s32 s18, $0x8;
	[tilespmem:s31+$0xFFFFFFD0] =	vst v58  }
.Ltmp4:
0x40: {  	[tilespmem:s31+$0xFFFFFFE0] =	vst v59;
	(pc) =	sbr.rel @p1 .LBB1_4-.Ltmp4, $4  }
0x41: {  	[tilespmem:s31+$0xFFFFFFF0] =	vst v60  }
0x42: {  	[tilespmem:s31+$0x0] =	vst v61  }
0x43: {  	[tilespmem:s31+$0x10] =	vst v62  }
0x44: {  	s16 =	sadd.s32 $0x80, s16;
	s17 =	sadd.s32 $0x400, s17;
	[tilespmem:s31+$0x20] =	vst v63  }
.Ltmp5:
0x45: {  	(pc) =	sbr.rel @p0 .LBB1_3-.Ltmp5, $2  }
0x46: {  	_ =	sdelay $0x2  }
0x47: {  	s16 =	simm.s32 $0x2000;
	p1 =	por $0x0, $0x0  }
.Ltmp6:
0x48: {  	(pc) =	sbr.rel .LBB1_9-.Ltmp6, $4  }
0x49: {  	_ = 	snop  }
0x4a: {  	s12 =	sshll.u32 s12, $0xA  }
0x4b: {  	s12 =	sadd.s32 s4, s12  }
0x4c: {  	[hbm4b:s12+s8] =	stream.linear.scatter [tilespmem:s13], [sflag:$0x2], $0x4000, $0x38;
	[tilespmem:$0x10000] =	vst v63  }
.LBB1_10:
0x4d: {  	_ =	sfence.sel $0x180000  }
0x4e: {  	s2 =	simm.s32 $0x1;
	[bflag:$0x0] =	sbarrier.arrive $0xFFFF  }
0x4f: {  	s31 =	simm.s32 $0x2;
	[sflag:s2] =	ssyncpa.u1 $0x1  }
0x50: {  	[sflag:s31] =	ssyncpa.u1 $0x1  }
0x51: {  	p0 =	sne.s32 s0, $0x0;
	_ =	strace $0x90000047  }
0x52: {  	s0 =	sadd.s32 @!p0 $0x100000, s1;
	[bflag:$0x2] =	sbarrier.arrive $0xFFFF  }
0x53: {  	[sflag:s0] =	ssyncadd.tile.s32 @!p0 $0x1;
	_ =	shalt  }
.Lfunc_end1:
_tile_overlayer_lowered:
.L_overlay_start_2:
0x54: {  	(tag) =	ssettag $0x2  }
0x55: {  	s0 =	rddreg [dreg:$0x0];
	s2 =	stileid.u32  }
0x56: {  	s1 =	rddreg [dreg:$0x1];
	p0 =	sne.s32 s2, $0x0  }
0x57: {  	s3 =	rddreg [dreg:$0x2];
	[bflag:$0x3] =	sbarrier.arrive $0xFFFF;
	s2 =	simm.s32 @!p0 $0x1C01  }
0x58: {  	[timem:s3], [sflag:s2] =	dma.local @!p0 [hbm:s0], s1  }
0x59: {  	s0 =	simm.s32 @!p0 $0x1  }
0x5a: {  	_ =	swait.ge @!p0 [sflag:s0], s1  }
0x5b: {  	s1 =	ssub.s32 @!p0 $0x0, s1;
	[sflag:s0] =	ssyncset.done @!p0 $0x0  }
0x5c: {  	[sflag:s0] =	ssyncadd.s32 @!p0 s1  }
0x5d: {  	[bflag:$0x3] =	sbarrier.arrive $0xFFFF  }
0x5e: {  	_ =	shalt  }

</sc_bundles>
